<compile_context>
chip_gen: v7x
topology: tpu7x:2x2x1
jax: 0.10.2.dev20260603
libtpu: 0.0.44.dev20260713+nightly
codegen_flags: <defaults>
</compile_context>

<pallas_src>
import functools
import math

import jax
import jax.numpy as jnp
from jax.experimental import pallas as pl

_BN_INV = 1.0 / math.sqrt(1.0 + 1e-5)



def _mlp_pool_body(x_ref, w_ref, s_ref, t_ref, o_ref, *, K):
    x = x_ref[0]
    h = jnp.dot(x, w_ref[...], preferred_element_type=jnp.float32)
    h = jnp.maximum(h * s_ref[...] + t_ref[...], 0.0)
    SK, O = h.shape
    o_ref[0] = jnp.max(h.reshape(SK // K, K, O), axis=1)


def _mlp_body(x_ref, w_ref, s_ref, t_ref, o_ref):
    h = jnp.dot(x_ref[0], w_ref[...], preferred_element_type=jnp.float32)
    o_ref[0] = jnp.maximum(h * s_ref[...] + t_ref[...], 0.0)


def _head_body(x_ref, w1_ref, b1_ref, gg_ref, gb_ref, w2_ref, b2_ref, o_ref):
    x = x_ref[0]
    h = jnp.dot(x, w1_ref[...], preferred_element_type=jnp.float32) + b1_ref[...]
    m = jnp.mean(h)
    v = jnp.mean((h - m) ** 2)
    h = (h - m) / jnp.sqrt(v + 1e-5)
    h = jnp.maximum(h * gg_ref[...] + gb_ref[...], 0.0)
    o = jnp.dot(h, w2_ref[...], preferred_element_type=jnp.float32) + b2_ref[...]
    mx = jnp.max(o, axis=1, keepdims=True)
    lse = mx + jnp.log(jnp.sum(jnp.exp(o - mx), axis=1, keepdims=True))
    o_ref[0] = o - lse



def _fold_bn(W, b, g, be):
    scale = (g * _BN_INV)[None, :]
    shift = (scale[0] * b + be)[None, :]
    return W.T, scale, shift


def _mlp_pool(x, W, b, g, be, K):
    Bb, SK, C = x.shape
    O = W.shape[0]
    wt, scale, shift = _fold_bn(W, b, g, be)
    return pl.pallas_call(
        functools.partial(_mlp_pool_body, K=K),
        grid=(Bb,),
        in_specs=[
            pl.BlockSpec((1, SK, C), lambda i: (i, 0, 0)),
            pl.BlockSpec((C, O), lambda i: (0, 0)),
            pl.BlockSpec((1, O), lambda i: (0, 0)),
            pl.BlockSpec((1, O), lambda i: (0, 0)),
        ],
        out_specs=pl.BlockSpec((1, SK // K, O), lambda i: (i, 0, 0)),
        out_shape=jax.ShapeDtypeStruct((Bb, SK // K, O), jnp.float32),
    )(x, wt, scale, shift)


def _mlp(x, W, b, g, be):
    Bb, Nn, C = x.shape
    O = W.shape[0]
    wt, scale, shift = _fold_bn(W, b, g, be)
    return pl.pallas_call(
        _mlp_body,
        grid=(Bb,),
        in_specs=[
            pl.BlockSpec((1, Nn, C), lambda i: (i, 0, 0)),
            pl.BlockSpec((C, O), lambda i: (0, 0)),
            pl.BlockSpec((1, O), lambda i: (0, 0)),
            pl.BlockSpec((1, O), lambda i: (0, 0)),
        ],
        out_specs=pl.BlockSpec((1, Nn, O), lambda i: (i, 0, 0)),
        out_shape=jax.ShapeDtypeStruct((Bb, Nn, O), jnp.float32),
    )(x, wt, scale, shift)


def _head(x, params):
    Bb, Nn, C = x.shape
    w1 = params['c1_W'].T
    b1 = params['c1_b'][None, :]
    gg = params['gn_g'][None, :]
    gb = params['gn_b'][None, :]
    w2 = params['c2_W'].T
    b2 = params['c2_b'][None, :]
    O1 = w1.shape[1]
    O2 = w2.shape[1]
    return pl.pallas_call(
        _head_body,
        grid=(Bb,),
        in_specs=[
            pl.BlockSpec((1, Nn, C), lambda i: (i, 0, 0)),
            pl.BlockSpec((C, O1), lambda i: (0, 0)),
            pl.BlockSpec((1, O1), lambda i: (0, 0)),
            pl.BlockSpec((1, O1), lambda i: (0, 0)),
            pl.BlockSpec((1, O1), lambda i: (0, 0)),
            pl.BlockSpec((O1, O2), lambda i: (0, 0)),
            pl.BlockSpec((1, O2), lambda i: (0, 0)),
        ],
        out_specs=pl.BlockSpec((1, Nn, O2), lambda i: (i, 0, 0)),
        out_shape=jax.ShapeDtypeStruct((Bb, Nn, O2), jnp.float32),
    )(x, w1, b1, gg, gb, w2, b2)



def _square_distance(src, dst):
    return (jnp.sum(src ** 2, -1)[:, :, None] + jnp.sum(dst ** 2, -1)[:, None, :]
            - 2.0 * jnp.einsum('bnc,bmc->bnm', src, dst))


def _index_points(points, idx):
    return jax.vmap(lambda p, i: p[i])(points, idx)


def _farthest_point_sample(xyz, npoint):
    Bb, Nn, _ = xyz.shape
    def step(carry, _):
        distance, farthest = carry
        centroid = jnp.take_along_axis(xyz, farthest[:, None, None], axis=1)
        dist = jnp.sum((xyz - centroid) ** 2, -1)
        distance = jnp.minimum(distance, dist)
        new_far = jnp.argmax(distance, -1).astype(jnp.int32)
        return (distance, new_far), farthest
    init = (jnp.full((Bb, Nn), 1e10, dtype=xyz.dtype), jnp.zeros((Bb,), jnp.int32))
    _, cent = jax.lax.scan(step, init, None, length=npoint)
    return jnp.transpose(cent, (1, 0))


def _query_ball_point(radius, nsample, xyz, new_xyz):
    Bb, Nn, _ = xyz.shape
    Ss = new_xyz.shape[1]
    sqrdists = _square_distance(new_xyz, xyz)
    group_idx = jnp.broadcast_to(jnp.arange(Nn, dtype=jnp.int32), (Bb, Ss, Nn))
    group_idx = jnp.where(sqrdists > radius ** 2, Nn, group_idx)
    group_idx = -jax.lax.top_k(-group_idx, nsample)[0]
    group_first = jnp.broadcast_to(group_idx[:, :, :1], group_idx.shape)
    return jnp.where(group_idx == Nn, group_first, group_idx)


def _sa_layer(xyz_t, pts_t, W, b, g, be, npoint, radius, nsample, group_all):
    Bb, Nn, _ = xyz_t.shape
    if group_all:
        new_xyz = jnp.zeros((Bb, 1, 3), dtype=xyz_t.dtype)
        new_points = jnp.concatenate([xyz_t, pts_t], -1)
        out = _mlp_pool(new_points, W, b, g, be, K=Nn)
    else:
        fps_idx = _farthest_point_sample(xyz_t, npoint)
        new_xyz = _index_points(xyz_t, fps_idx)
        idx = _query_ball_point(radius, nsample, xyz_t, new_xyz)
        grouped_xyz = _index_points(xyz_t, idx) - new_xyz[:, :, None, :]
        grouped_points = _index_points(pts_t, idx)
        new_points = jnp.concatenate([grouped_xyz, grouped_points], -1)
        S, K, C = new_points.shape[1:]
        out = _mlp_pool(new_points.reshape(Bb, S * K, C), W, b, g, be, K=K)
    return new_xyz, out


def _fp_layer(x1, x2, p1, p2, layers):
    Nn = x1.shape[1]
    Ss = x2.shape[1]
    if Ss == 1:
        interpolated = jnp.repeat(p2, Nn, axis=1)
    else:
        dists = _square_distance(x1, x2)
        idx = jnp.argsort(dists, axis=-1)[:, :, :3]
        d3 = jnp.take_along_axis(dists, idx, axis=-1)
        recip = 1.0 / (d3 + 1e-8)
        weight = recip / jnp.sum(recip, axis=2, keepdims=True)
        interpolated = jnp.sum(_index_points(p2, idx) * weight[..., None], axis=2)
    h = interpolated if p1 is None else jnp.concatenate([p1, interpolated], -1)
    for (W, b, g, be) in layers:
        h = _mlp(h, W, b, g, be)
    return h


def _backbone(xyz_t, params):
    l1_xyz, l1_pts = _sa_layer(xyz_t, xyz_t, params['sa1_W'], params['sa1_b'],
                               params['sa1_g'], params['sa1_be'], 512, 0.2, 32, False)
    l2_xyz, l2_pts = _sa_layer(l1_xyz, l1_pts, params['sa2_W'], params['sa2_b'],
                               params['sa2_g'], params['sa2_be'], 128, 0.4, 64, False)
    l3_xyz, l3_pts = _sa_layer(l2_xyz, l2_pts, params['sa3_W'], params['sa3_b'],
                               params['sa3_g'], params['sa3_be'], None, None, None, True)
    l2_pts = _fp_layer(l2_xyz, l3_xyz, l2_pts, l3_pts,
                       [(params['fp3_W'], params['fp3_b'], params['fp3_g'], params['fp3_be'])])
    l1_pts = _fp_layer(l1_xyz, l2_xyz, l1_pts, l2_pts,
                       [(params['fp2_W'], params['fp2_b'], params['fp2_g'], params['fp2_be'])])
    l0_pts = _fp_layer(xyz_t, l1_xyz, None, l1_pts,
                       [(params['fp1a_W'], params['fp1a_b'], params['fp1a_g'], params['fp1a_be']),
                        (params['fp1b_W'], params['fp1b_b'], params['fp1b_g'], params['fp1b_be'])])
    return l0_pts


@jax.jit
def _forward(xyz, xyz_goal, params):
    f0 = _backbone(jnp.transpose(xyz, (0, 2, 1)), params)
    f0g = _backbone(jnp.transpose(xyz_goal, (0, 2, 1)), params)
    x = jnp.concatenate([f0, f0g], axis=-1)
    out = _head(x, params)
    return jnp.transpose(out, (0, 2, 1))


def kernel(xyz, xyz_goal, params):
    return _forward(xyz, xyz_goal, params)

# --- scband reference (transcript-rebuilt; emitter-appended) ---
"""Pipeline reference for scband-mani-point-segment-44169443672114 (READ-ONLY COPY).

The authoritative reference and input builder live on the scoring server;
editing this copy changes nothing except your own understanding.
"""

import jax, jax.numpy as jnp
import numpy as np

B, N, NUM_CLASSES = 16, 4096, 13


def square_distance(src, dst):
    return (jnp.sum(src ** 2, -1)[:, :, None] + jnp.sum(dst ** 2, -1)[:, None, :]
            - 2.0 * jnp.einsum('bnc,bmc->bnm', src, dst))


def index_points(points, idx):
    return jax.vmap(lambda p, i: p[i])(points, idx)


def farthest_point_sample(xyz, npoint):
    xyz = jax.lax.stop_gradient(xyz)
    Bb, Nn, _ = xyz.shape
    def step(carry, _):
        distance, farthest = carry
        centroid = jnp.take_along_axis(xyz, farthest[:, None, None], axis=1)
        dist = jnp.sum((xyz - centroid) ** 2, -1)
        distance = jnp.minimum(distance, dist)
        new_far = jnp.argmax(distance, -1).astype(jnp.int32)
        return (distance, new_far), farthest
    init = (jnp.full((Bb, Nn), 1e10, dtype=xyz.dtype), jnp.zeros((Bb,), jnp.int32))
    _, cent = jax.lax.scan(step, init, None, length=npoint)
    return jnp.transpose(cent, (1, 0))


def query_ball_point(radius, nsample, xyz, new_xyz):
    Bb, Nn, _ = xyz.shape
    Ss = new_xyz.shape[1]
    sqrdists = jax.lax.stop_gradient(square_distance(new_xyz, xyz))
    group_idx = jnp.broadcast_to(jnp.arange(Nn, dtype=jnp.int32), (Bb, Ss, Nn))
    group_idx = jnp.where(sqrdists > radius ** 2, Nn, group_idx)
    group_idx = jnp.sort(group_idx, axis=-1)[:, :, :nsample]
    group_first = jnp.broadcast_to(group_idx[:, :, :1], group_idx.shape)
    group_idx = jnp.where(group_idx == Nn, group_first, group_idx)
    return group_idx


def bn_eval(x, g, b):
    # BatchNorm in eval mode with running_mean=0, running_var=1
    return g * x / jnp.sqrt(1.0 + 1e-5) + b


def sa_layer(xyz, points, W, b, g, be, npoint, radius, nsample, group_all):
    # xyz: [B,3,N] channel-first, points: [B,D,N]
    xyz_t = jnp.transpose(xyz, (0, 2, 1))
    pts_t = jnp.transpose(points, (0, 2, 1))
    if group_all:
        Bb = xyz_t.shape[0]
        new_xyz = jnp.zeros((Bb, 1, 3), dtype=xyz.dtype)
        new_points = jnp.concatenate([xyz_t, pts_t], -1)[:, None, :, :]
    else:
        fps_idx = farthest_point_sample(xyz_t, npoint)
        new_xyz = index_points(xyz_t, fps_idx)
        idx = query_ball_point(radius, nsample, xyz_t, new_xyz)
        grouped_xyz = index_points(xyz_t, idx)
        grouped_xyz_norm = grouped_xyz - new_xyz[:, :, None, :]
        grouped_points = index_points(pts_t, idx)
        new_points = jnp.concatenate([grouped_xyz_norm, grouped_points], -1)
    h = jnp.einsum('bskc,oc->bsko', new_points, W) + b
    h = jax.nn.relu(bn_eval(h, g, be))
    out = jnp.max(h, axis=2)
    return jnp.transpose(new_xyz, (0, 2, 1)), jnp.transpose(out, (0, 2, 1))


def fp_layer(xyz1, xyz2, points1, points2, layers):
    x1 = jnp.transpose(xyz1, (0, 2, 1))
    x2 = jnp.transpose(xyz2, (0, 2, 1))
    p2 = jnp.transpose(points2, (0, 2, 1))
    Nn = x1.shape[1]
    Ss = x2.shape[1]
    if Ss == 1:
        interpolated = jnp.repeat(p2, Nn, axis=1)
    else:
        dists = square_distance(x1, x2)
        idx = jnp.argsort(dists, axis=-1)[:, :, :3]
        d3 = jnp.take_along_axis(dists, idx, axis=-1)
        recip = 1.0 / (d3 + 1e-8)
        norm = jnp.sum(recip, axis=2, keepdims=True)
        weight = recip / norm
        interpolated = jnp.sum(index_points(p2, idx) * weight[..., None], axis=2)
    if points1 is not None:
        new_points = jnp.concatenate([jnp.transpose(points1, (0, 2, 1)), interpolated], -1)
    else:
        new_points = interpolated
    h = new_points
    for (W, b, g, be) in layers:
        h = jax.nn.relu(bn_eval(jnp.einsum('bnc,oc->bno', h, W) + b, g, be))
    return jnp.transpose(h, (0, 2, 1))


def backbone(xyz, params):
    l0_xyz, l0_points = xyz, xyz
    l1_xyz, l1_points = sa_layer(l0_xyz, l0_points, params['sa1_W'], params['sa1_b'], params['sa1_g'], params['sa1_be'], 512, 0.2, 32, False)
    l2_xyz, l2_points = sa_layer(l1_xyz, l1_points, params['sa2_W'], params['sa2_b'], params['sa2_g'], params['sa2_be'], 128, 0.4, 64, False)
    l3_xyz, l3_points = sa_layer(l2_xyz, l2_points, params['sa3_W'], params['sa3_b'], params['sa3_g'], params['sa3_be'], None, None, None, True)
    l2_points = fp_layer(l2_xyz, l3_xyz, l2_points, l3_points, [(params['fp3_W'], params['fp3_b'], params['fp3_g'], params['fp3_be'])])
    l1_points = fp_layer(l1_xyz, l2_xyz, l1_points, l2_points, [(params['fp2_W'], params['fp2_b'], params['fp2_g'], params['fp2_be'])])
    l0_points = fp_layer(l0_xyz, l1_xyz, None, l1_points, [(params['fp1a_W'], params['fp1a_b'], params['fp1a_g'], params['fp1a_be']), (params['fp1b_W'], params['fp1b_b'], params['fp1b_g'], params['fp1b_be'])])
    return l0_points


def forward(xyz, xyz_goal, params):
    f0 = backbone(xyz, params)
    f0g = backbone(xyz_goal, params)
    x = jnp.concatenate([f0, f0g], axis=1)  # [B,128,N]
    h = jnp.einsum('bcn,oc->bon', x, params['c1_W']) + params['c1_b'][None, :, None]
    # GroupNorm(1, 64)
    mean = jnp.mean(h, axis=(1, 2), keepdims=True)
    var = jnp.var(h, axis=(1, 2), keepdims=True)
    h = (h - mean) / jnp.sqrt(var + 1e-5)
    h = h * params['gn_g'][None, :, None] + params['gn_b'][None, :, None]
    h = jax.nn.relu(h)
    # dropout is identity in eval mode
    out = jnp.einsum('bcn,oc->bon', h, params['c2_W']) + params['c2_b'][None, :, None]
    return jax.nn.log_softmax(out, axis=1)


def make_params(key):
    ks = jax.random.split(key, 16)
    def w(k, o, i):
        return 0.1 * jax.random.normal(k, (o, i), dtype=jnp.float32)
    p = {}
    specs = [('sa1', 64, 6), ('sa2', 128, 67), ('sa3', 256, 131),
             ('fp3', 128, 384), ('fp2', 64, 192), ('fp1a', 64, 64), ('fp1b', 64, 64)]
    for j, (name, o, i) in enumerate(specs):
        p[name + '_W'] = w(ks[j], o, i)
        p[name + '_b'] = jnp.zeros((o,), jnp.float32)
        p[name + '_g'] = jnp.ones((o,), jnp.float32)
        p[name + '_be'] = jnp.zeros((o,), jnp.float32)
    p['c1_W'] = w(ks[8], 64, 128)
    p['c1_b'] = jnp.zeros((64,), jnp.float32)
    p['gn_g'] = jnp.ones((64,), jnp.float32)
    p['gn_b'] = jnp.zeros((64,), jnp.float32)
    p['c2_W'] = w(ks[9], NUM_CLASSES, 64)
    p['c2_b'] = jnp.zeros((NUM_CLASSES,), jnp.float32)
    return p


def setup_inputs(seed: int = 0):
    key = jax.random.key(seed)
    k1, k2, k3 = jax.random.split(key, 3)
    xyz = jax.random.uniform(k1, (B, 3, N), dtype=jnp.float32)
    xyz_goal = jax.random.uniform(k2, (B, 3, N), dtype=jnp.float32)
    params = make_params(k3)
    return {"xyz": xyz, "xyz_goal": xyz_goal, "params": params}


def reference(xyz, xyz_goal, params):
    return forward(xyz, xyz_goal, params)

if __name__ == "__main__":
    import jax
    _d = setup_inputs()
    print(jax.jit(kernel)(*tuple(_d.values())))

</pallas_src>

<mosaic_0001>
module attributes {stable_mosaic.version = 14 : i64} {
  func.func @_mlp_pool_body(%arg0: i32, %arg1: memref<1x16384x6xf32, #tpu.memory_space<vmem>>, %arg2: memref<6x64xf32, #tpu.memory_space<vmem>>, %arg3: memref<1x64xf32, #tpu.memory_space<vmem>>, %arg4: memref<1x64xf32, #tpu.memory_space<vmem>>, %arg5: memref<1x512x64xf32, #tpu.memory_space<vmem>>) attributes {dimension_semantics = [#tpu.dimension_semantics<arbitrary>], iteration_bounds = array<i64: 16>, scalar_prefetch = 0 : i64, scratch_operands = 0 : i64, tpu.core_type = #tpu.core_type<tc>, window_params = [{transform_indices = @transform_0, window_bounds = array<i64: 1, 16384, 6>}, {pipeline_mode = #tpu.pipeline_mode<synchronous>, transform_indices = @transform_1, window_bounds = array<i64: 6, 64>}, {pipeline_mode = #tpu.pipeline_mode<synchronous>, transform_indices = @transform_2, window_bounds = array<i64: 1, 64>}, {pipeline_mode = #tpu.pipeline_mode<synchronous>, transform_indices = @transform_3, window_bounds = array<i64: 1, 64>}, {transform_indices = @transform_4, window_bounds = array<i64: 1, 512, 64>}]} {
    %get3A = arith.constant 0 : index
    %get3A_0 = arith.constant 0 : index
    %get3A_1 = arith.constant 0 : index
    %get3A_2 = vector.load %arg1[%get3A, %get3A_0, %get3A_1] : memref<1x16384x6xf32, #tpu.memory_space<vmem>>, vector<1x16384x6xf32>
    %get3A_3 = vector.shape_cast %get3A_2 : vector<1x16384x6xf32> to vector<16384x6xf32>
    %get3A_4 = arith.constant 0 : index
    %get3A_5 = arith.constant 0 : index
    %get3A_6 = vector.load %arg2[%get3A_4, %get3A_5] : memref<6x64xf32, #tpu.memory_space<vmem>>, vector<6x64xf32>
    %dot_general3A = arith.constant dense<0.000000e+00> : vector<16384x64xf32>
    %dot_general3A_7 = tpu.matmul %get3A_3, %get3A_6, %dot_general3A {dimension_numbers = #tpu.dot_dimension_numbers<[1], [0], [0], [1], [0, 0, 1, 1], [], []>, transpose_lhs_hint = false} : vector<16384x6xf32>, vector<6x64xf32>, vector<16384x64xf32> -> vector<16384x64xf32>
    %get3A_8 = arith.constant 0 : index
    %get3A_9 = arith.constant 0 : index
    %get3A_10 = vector.load %arg3[%get3A_8, %get3A_9] : memref<1x64xf32, #tpu.memory_space<vmem>>, vector<1x64xf32>
    %mul3A = vector.broadcast %get3A_10 : vector<1x64xf32> to vector<16384x64xf32>
    %mul3A_11 = arith.mulf %dot_general3A_7, %mul3A : vector<16384x64xf32>
    %get3A_12 = arith.constant 0 : index
    %get3A_13 = arith.constant 0 : index
    %get3A_14 = vector.load %arg4[%get3A_12, %get3A_13] : memref<1x64xf32, #tpu.memory_space<vmem>>, vector<1x64xf32>
    %add3A = vector.broadcast %get3A_14 : vector<1x64xf32> to vector<16384x64xf32>
    %add3A_15 = arith.addf %mul3A_11, %add3A : vector<16384x64xf32>
    %max3A = arith.constant 0.000000e+00 : f32
    %max3A_16 = vector.broadcast %max3A : f32 to vector<16384x64xf32>
    %max3A_17 = arith.maximumf %add3A_15, %max3A_16 : vector<16384x64xf32>
    %reshape3A = vector.shape_cast %max3A_17 : vector<16384x64xf32> to vector<512x32x64xf32>
    %reduce_max3A = arith.constant dense<0xFF800000> : vector<512x64xf32>
    %reduce_max3A_18 = vector.multi_reduction <maximumf>, %reshape3A, %reduce_max3A [1] : vector<512x32x64xf32> to vector<512x64xf32>
    %swap3A = arith.constant 0 : index
    %swap3A_19 = arith.constant 0 : index
    %swap3A_20 = arith.constant 0 : index
    %swap3A_21 = vector.load %arg5[%swap3A, %swap3A_19, %swap3A_20] : memref<1x512x64xf32, #tpu.memory_space<vmem>>, vector<1x512x64xf32>
    %swap3A_22 = vector.shape_cast %swap3A_21 : vector<1x512x64xf32> to vector<512x64xf32>
    %swap3A_23 = vector.shape_cast %reduce_max3A_18 : vector<512x64xf32> to vector<1x512x64xf32>
    tpu.vector_store %arg5[%swap3A, %swap3A_19, %swap3A_20], %swap3A_23 {strides = array<i32>} : memref<1x512x64xf32, #tpu.memory_space<vmem>>, vector<1x512x64xf32>,
    return
  }
  func.func @transform_0(%arg0: i32) -> (i32, i32, i32) {
    %c0_i32 = arith.constant 0 : i32
    %c0_i32_0 = arith.constant 0 : i32
    %c0_i32_1 = arith.constant 0 : i32
    return %arg0, %c0_i32, %c0_i32_0 : i32, i32, i32
  }
  func.func @transform_1(%arg0: i32) -> (i32, i32) {
    %c0_i32 = arith.constant 0 : i32
    %c0_i32_0 = arith.constant 0 : i32
    %c0_i32_1 = arith.constant 0 : i32
    return %c0_i32, %c0_i32_0 : i32, i32
  }
  func.func @transform_2(%arg0: i32) -> (i32, i32) {
    %c0_i32 = arith.constant 0 : i32
    %c0_i32_0 = arith.constant 0 : i32
    %c0_i32_1 = arith.constant 0 : i32
    return %c0_i32, %c0_i32_0 : i32, i32
  }
  func.func @transform_3(%arg0: i32) -> (i32, i32) {
    %c0_i32 = arith.constant 0 : i32
    %c0_i32_0 = arith.constant 0 : i32
    %c0_i32_1 = arith.constant 0 : i32
    return %c0_i32, %c0_i32_0 : i32, i32
  }
  func.func @transform_4(%arg0: i32) -> (i32, i32, i32) {
    %c0_i32 = arith.constant 0 : i32
    %c0_i32_0 = arith.constant 0 : i32
    %c0_i32_1 = arith.constant 0 : i32
    return %arg0, %c0_i32, %c0_i32_0 : i32, i32, i32
  }
}

module attributes {stable_mosaic.version = 14 : i64} {
  func.func @_mlp_pool_body(%arg0: i32, %arg1: memref<1x8192x67xf32, #tpu.memory_space<vmem>>, %arg2: memref<67x128xf32, #tpu.memory_space<vmem>>, %arg3: memref<1x128xf32, #tpu.memory_space<vmem>>, %arg4: memref<1x128xf32, #tpu.memory_space<vmem>>, %arg5: memref<1x128x128xf32, #tpu.memory_space<vmem>>) attributes {dimension_semantics = [#tpu.dimension_semantics<arbitrary>], iteration_bounds = array<i64: 16>, scalar_prefetch = 0 : i64, scratch_operands = 0 : i64, tpu.core_type = #tpu.core_type<tc>, window_params = [{transform_indices = @transform_0, window_bounds = array<i64: 1, 8192, 67>}, {pipeline_mode = #tpu.pipeline_mode<synchronous>, transform_indices = @transform_1, window_bounds = array<i64: 67, 128>}, {pipeline_mode = #tpu.pipeline_mode<synchronous>, transform_indices = @transform_2, window_bounds = array<i64: 1, 128>}, {pipeline_mode = #tpu.pipeline_mode<synchronous>, transform_indices = @transform_3, window_bounds = array<i64: 1, 128>}, {transform_indices = @transform_4, window_bounds = array<i64: 1, 128, 128>}]} {
    %get3A = arith.constant 0 : index
    %get3A_0 = arith.constant 0 : index
    %get3A_1 = arith.constant 0 : index
    %get3A_2 = vector.load %arg1[%get3A, %get3A_0, %get3A_1] : memref<1x8192x67xf32, #tpu.memory_space<vmem>>, vector<1x8192x67xf32>
    %get3A_3 = vector.shape_cast %get3A_2 : vector<1x8192x67xf32> to vector<8192x67xf32>
    %get3A_4 = arith.constant 0 : index
    %get3A_5 = arith.constant 0 : index
    %get3A_6 = vector.load %arg2[%get3A_4, %get3A_5] : memref<67x128xf32, #tpu.memory_space<vmem>>, vector<67x128xf32>
    %dot_general3A = arith.constant dense<0.000000e+00> : vector<8192x128xf32>
    %dot_general3A_7 = tpu.matmul %get3A_3, %get3A_6, %dot_general3A {dimension_numbers = #tpu.dot_dimension_numbers<[1], [0], [0], [1], [0, 0, 1, 1], [], []>, transpose_lhs_hint = false} : vector<8192x67xf32>, vector<67x128xf32>, vector<8192x128xf32> -> vector<8192x128xf32>
    %get3A_8 = arith.constant 0 : index
    %get3A_9 = arith.constant 0 : index
    %get3A_10 = vector.load %arg3[%get3A_8, %get3A_9] : memref<1x128xf32, #tpu.memory_space<vmem>>, vector<1x128xf32>
    %mul3A = vector.broadcast %get3A_10 : vector<1x128xf32> to vector<8192x128xf32>
    %mul3A_11 = arith.mulf %dot_general3A_7, %mul3A : vector<8192x128xf32>
    %get3A_12 = arith.constant 0 : index
    %get3A_13 = arith.constant 0 : index
    %get3A_14 = vector.load %arg4[%get3A_12, %get3A_13] : memref<1x128xf32, #tpu.memory_space<vmem>>, vector<1x128xf32>
    %add3A = vector.broadcast %get3A_14 : vector<1x128xf32> to vector<8192x128xf32>
    %add3A_15 = arith.addf %mul3A_11, %add3A : vector<8192x128xf32>
    %max3A = arith.constant 0.000000e+00 : f32
    %max3A_16 = vector.broadcast %max3A : f32 to vector<8192x128xf32>
    %max3A_17 = arith.maximumf %add3A_15, %max3A_16 : vector<8192x128xf32>
    %reshape3A = vector.shape_cast %max3A_17 : vector<8192x128xf32> to vector<128x64x128xf32>
    %reduce_max3A = arith.constant dense<0xFF800000> : vector<128x128xf32>
    %reduce_max3A_18 = vector.multi_reduction <maximumf>, %reshape3A, %reduce_max3A [1] : vector<128x64x128xf32> to vector<128x128xf32>
    %swap3A = arith.constant 0 : index
    %swap3A_19 = arith.constant 0 : index
    %swap3A_20 = arith.constant 0 : index
    %swap3A_21 = vector.load %arg5[%swap3A, %swap3A_19, %swap3A_20] : memref<1x128x128xf32, #tpu.memory_space<vmem>>, vector<1x128x128xf32>
    %swap3A_22 = vector.shape_cast %swap3A_21 : vector<1x128x128xf32> to vector<128x128xf32>
    %swap3A_23 = vector.shape_cast %reduce_max3A_18 : vector<128x128xf32> to vector<1x128x128xf32>
    tpu.vector_store %arg5[%swap3A, %swap3A_19, %swap3A_20], %swap3A_23 {strides = array<i32>} : memref<1x128x128xf32, #tpu.memory_space<vmem>>, vector<1x128x128xf32>,
    return
  }
  func.func @transform_0(%arg0: i32) -> (i32, i32, i32) {
    %c0_i32 = arith.constant 0 : i32
    %c0_i32_0 = arith.constant 0 : i32
    %c0_i32_1 = arith.constant 0 : i32
    return %arg0, %c0_i32, %c0_i32_0 : i32, i32, i32
  }
  func.func @transform_1(%arg0: i32) -> (i32, i32) {
    %c0_i32 = arith.constant 0 : i32
    %c0_i32_0 = arith.constant 0 : i32
    %c0_i32_1 = arith.constant 0 : i32
    return %c0_i32, %c0_i32_0 : i32, i32
  }
  func.func @transform_2(%arg0: i32) -> (i32, i32) {
    %c0_i32 = arith.constant 0 : i32
    %c0_i32_0 = arith.constant 0 : i32
    %c0_i32_1 = arith.constant 0 : i32
    return %c0_i32, %c0_i32_0 : i32, i32
  }
  func.func @transform_3(%arg0: i32) -> (i32, i32) {
    %c0_i32 = arith.constant 0 : i32
    %c0_i32_0 = arith.constant 0 : i32
    %c0_i32_1 = arith.constant 0 : i32
    return %c0_i32, %c0_i32_0 : i32, i32
  }
  func.func @transform_4(%arg0: i32) -> (i32, i32, i32) {
    %c0_i32 = arith.constant 0 : i32
    %c0_i32_0 = arith.constant 0 : i32
    %c0_i32_1 = arith.constant 0 : i32
    return %arg0, %c0_i32, %c0_i32_0 : i32, i32, i32
  }
}

module attributes {stable_mosaic.version = 14 : i64} {
  func.func @_mlp_pool_body(%arg0: i32, %arg1: memref<1x128x131xf32, #tpu.memory_space<vmem>>, %arg2: memref<131x256xf32, #tpu.memory_space<vmem>>, %arg3: memref<1x256xf32, #tpu.memory_space<vmem>>, %arg4: memref<1x256xf32, #tpu.memory_space<vmem>>, %arg5: memref<1x1x256xf32, #tpu.memory_space<vmem>>) attributes {dimension_semantics = [#tpu.dimension_semantics<arbitrary>], iteration_bounds = array<i64: 16>, scalar_prefetch = 0 : i64, scratch_operands = 0 : i64, tpu.core_type = #tpu.core_type<tc>, window_params = [{transform_indices = @transform_0, window_bounds = array<i64: 1, 128, 131>}, {pipeline_mode = #tpu.pipeline_mode<synchronous>, transform_indices = @transform_1, window_bounds = array<i64: 131, 256>}, {pipeline_mode = #tpu.pipeline_mode<synchronous>, transform_indices = @transform_2, window_bounds = array<i64: 1, 256>}, {pipeline_mode = #tpu.pipeline_mode<synchronous>, transform_indices = @transform_3, window_bounds = array<i64: 1, 256>}, {transform_indices = @transform_4, window_bounds = array<i64: 1, 1, 256>}]} {
    %get3A = arith.constant 0 : index
    %get3A_0 = arith.constant 0 : index
    %get3A_1 = arith.constant 0 : index
    %get3A_2 = vector.load %arg1[%get3A, %get3A_0, %get3A_1] : memref<1x128x131xf32, #tpu.memory_space<vmem>>, vector<1x128x131xf32>
    %get3A_3 = vector.shape_cast %get3A_2 : vector<1x128x131xf32> to vector<128x131xf32>
    %get3A_4 = arith.constant 0 : index
    %get3A_5 = arith.constant 0 : index
    %get3A_6 = vector.load %arg2[%get3A_4, %get3A_5] : memref<131x256xf32, #tpu.memory_space<vmem>>, vector<131x256xf32>
    %dot_general3A = arith.constant dense<0.000000e+00> : vector<128x256xf32>
    %dot_general3A_7 = tpu.matmul %get3A_3, %get3A_6, %dot_general3A {dimension_numbers = #tpu.dot_dimension_numbers<[1], [0], [0], [1], [0, 0, 1, 1], [], []>, transpose_lhs_hint = false} : vector<128x131xf32>, vector<131x256xf32>, vector<128x256xf32> -> vector<128x256xf32>
    %get3A_8 = arith.constant 0 : index
    %get3A_9 = arith.constant 0 : index
    %get3A_10 = vector.load %arg3[%get3A_8, %get3A_9] : memref<1x256xf32, #tpu.memory_space<vmem>>, vector<1x256xf32>
    %mul3A = vector.broadcast %get3A_10 : vector<1x256xf32> to vector<128x256xf32>
    %mul3A_11 = arith.mulf %dot_general3A_7, %mul3A : vector<128x256xf32>
    %get3A_12 = arith.constant 0 : index
    %get3A_13 = arith.constant 0 : index
    %get3A_14 = vector.load %arg4[%get3A_12, %get3A_13] : memref<1x256xf32, #tpu.memory_space<vmem>>, vector<1x256xf32>
    %add3A = vector.broadcast %get3A_14 : vector<1x256xf32> to vector<128x256xf32>
    %add3A_15 = arith.addf %mul3A_11, %add3A : vector<128x256xf32>
    %max3A = arith.constant 0.000000e+00 : f32
    %max3A_16 = vector.broadcast %max3A : f32 to vector<128x256xf32>
    %max3A_17 = arith.maximumf %add3A_15, %max3A_16 : vector<128x256xf32>
    %reshape3A = vector.shape_cast %max3A_17 : vector<128x256xf32> to vector<1x128x256xf32>
    %reduce_max3A = arith.constant dense<0xFF800000> : vector<1x256xf32>
    %reduce_max3A_18 = vector.multi_reduction <maximumf>, %reshape3A, %reduce_max3A [1] : vector<1x128x256xf32> to vector<1x256xf32>
    %swap3A = arith.constant 0 : index
    %swap3A_19 = arith.constant 0 : index
    %swap3A_20 = arith.constant 0 : index
    %swap3A_21 = vector.load %arg5[%swap3A, %swap3A_19, %swap3A_20] : memref<1x1x256xf32, #tpu.memory_space<vmem>>, vector<1x1x256xf32>
    %swap3A_22 = vector.shape_cast %swap3A_21 : vector<1x1x256xf32> to vector<1x256xf32>
    %swap3A_23 = vector.shape_cast %reduce_max3A_18 : vector<1x256xf32> to vector<1x1x256xf32>
    tpu.vector_store %arg5[%swap3A, %swap3A_19, %swap3A_20], %swap3A_23 {strides = array<i32>} : memref<1x1x256xf32, #tpu.memory_space<vmem>>, vector<1x1x256xf32>,
    return
  }
  func.func @transform_0(%arg0: i32) -> (i32, i32, i32) {
    %c0_i32 = arith.constant 0 : i32
    %c0_i32_0 = arith.constant 0 : i32
    %c0_i32_1 = arith.constant 0 : i32
    return %arg0, %c0_i32, %c0_i32_0 : i32, i32, i32
  }
  func.func @transform_1(%arg0: i32) -> (i32, i32) {
    %c0_i32 = arith.constant 0 : i32
    %c0_i32_0 = arith.constant 0 : i32
    %c0_i32_1 = arith.constant 0 : i32
    return %c0_i32, %c0_i32_0 : i32, i32
  }
  func.func @transform_2(%arg0: i32) -> (i32, i32) {
    %c0_i32 = arith.constant 0 : i32
    %c0_i32_0 = arith.constant 0 : i32
    %c0_i32_1 = arith.constant 0 : i32
    return %c0_i32, %c0_i32_0 : i32, i32
  }
  func.func @transform_3(%arg0: i32) -> (i32, i32) {
    %c0_i32 = arith.constant 0 : i32
    %c0_i32_0 = arith.constant 0 : i32
    %c0_i32_1 = arith.constant 0 : i32
    return %c0_i32, %c0_i32_0 : i32, i32
  }
  func.func @transform_4(%arg0: i32) -> (i32, i32, i32) {
    %c0_i32 = arith.constant 0 : i32
    %c0_i32_0 = arith.constant 0 : i32
    %c0_i32_1 = arith.constant 0 : i32
    return %arg0, %c0_i32, %c0_i32_0 : i32, i32, i32
  }
}

module attributes {stable_mosaic.version = 14 : i64} {
  func.func @_mlp_body(%arg0: i32, %arg1: memref<1x128x384xf32, #tpu.memory_space<vmem>>, %arg2: memref<384x128xf32, #tpu.memory_space<vmem>>, %arg3: memref<1x128xf32, #tpu.memory_space<vmem>>, %arg4: memref<1x128xf32, #tpu.memory_space<vmem>>, %arg5: memref<1x128x128xf32, #tpu.memory_space<vmem>>) attributes {dimension_semantics = [#tpu.dimension_semantics<arbitrary>], iteration_bounds = array<i64: 16>, scalar_prefetch = 0 : i64, scratch_operands = 0 : i64, tpu.core_type = #tpu.core_type<tc>, window_params = [{transform_indices = @transform_0, window_bounds = array<i64: 1, 128, 384>}, {pipeline_mode = #tpu.pipeline_mode<synchronous>, transform_indices = @transform_1, window_bounds = array<i64: 384, 128>}, {pipeline_mode = #tpu.pipeline_mode<synchronous>, transform_indices = @transform_2, window_bounds = array<i64: 1, 128>}, {pipeline_mode = #tpu.pipeline_mode<synchronous>, transform_indices = @transform_3, window_bounds = array<i64: 1, 128>}, {transform_indices = @transform_4, window_bounds = array<i64: 1, 128, 128>}]} {
    %get3A = arith.constant 0 : index
    %get3A_0 = arith.constant 0 : index
    %get3A_1 = arith.constant 0 : index
    %get3A_2 = vector.load %arg1[%get3A, %get3A_0, %get3A_1] : memref<1x128x384xf32, #tpu.memory_space<vmem>>, vector<1x128x384xf32>
    %get3A_3 = vector.shape_cast %get3A_2 : vector<1x128x384xf32> to vector<128x384xf32>
    %get3A_4 = arith.constant 0 : index
    %get3A_5 = arith.constant 0 : index
    %get3A_6 = vector.load %arg2[%get3A_4, %get3A_5] : memref<384x128xf32, #tpu.memory_space<vmem>>, vector<384x128xf32>
    %dot_general3A = arith.constant dense<0.000000e+00> : vector<128x128xf32>
    %dot_general3A_7 = tpu.matmul %get3A_3, %get3A_6, %dot_general3A {dimension_numbers = #tpu.dot_dimension_numbers<[1], [0], [0], [1], [0, 0, 1, 1], [], []>, transpose_lhs_hint = false} : vector<128x384xf32>, vector<384x128xf32>, vector<128x128xf32> -> vector<128x128xf32>
    %get3A_8 = arith.constant 0 : index
    %get3A_9 = arith.constant 0 : index
    %get3A_10 = vector.load %arg3[%get3A_8, %get3A_9] : memref<1x128xf32, #tpu.memory_space<vmem>>, vector<1x128xf32>
    %mul3A = vector.broadcast %get3A_10 : vector<1x128xf32> to vector<128x128xf32>
    %mul3A_11 = arith.mulf %dot_general3A_7, %mul3A : vector<128x128xf32>
    %get3A_12 = arith.constant 0 : index
    %get3A_13 = arith.constant 0 : index
    %get3A_14 = vector.load %arg4[%get3A_12, %get3A_13] : memref<1x128xf32, #tpu.memory_space<vmem>>, vector<1x128xf32>
    %add3A = vector.broadcast %get3A_14 : vector<1x128xf32> to vector<128x128xf32>
    %add3A_15 = arith.addf %mul3A_11, %add3A : vector<128x128xf32>
    %max3A = arith.constant 0.000000e+00 : f32
    %max3A_16 = vector.broadcast %max3A : f32 to vector<128x128xf32>
    %max3A_17 = arith.maximumf %add3A_15, %max3A_16 : vector<128x128xf32>
    %swap3A = arith.constant 0 : index
    %swap3A_18 = arith.constant 0 : index
    %swap3A_19 = arith.constant 0 : index
    %swap3A_20 = vector.load %arg5[%swap3A, %swap3A_18, %swap3A_19] : memref<1x128x128xf32, #tpu.memory_space<vmem>>, vector<1x128x128xf32>
    %swap3A_21 = vector.shape_cast %swap3A_20 : vector<1x128x128xf32> to vector<128x128xf32>
    %swap3A_22 = vector.shape_cast %max3A_17 : vector<128x128xf32> to vector<1x128x128xf32>
    tpu.vector_store %arg5[%swap3A, %swap3A_18, %swap3A_19], %swap3A_22 {strides = array<i32>} : memref<1x128x128xf32, #tpu.memory_space<vmem>>, vector<1x128x128xf32>,
    return
  }
  func.func @transform_0(%arg0: i32) -> (i32, i32, i32) {
    %c0_i32 = arith.constant 0 : i32
    %c0_i32_0 = arith.constant 0 : i32
    %c0_i32_1 = arith.constant 0 : i32
    return %arg0, %c0_i32, %c0_i32_0 : i32, i32, i32
  }
  func.func @transform_1(%arg0: i32) -> (i32, i32) {
    %c0_i32 = arith.constant 0 : i32
    %c0_i32_0 = arith.constant 0 : i32
    %c0_i32_1 = arith.constant 0 : i32
    return %c0_i32, %c0_i32_0 : i32, i32
  }
  func.func @transform_2(%arg0: i32) -> (i32, i32) {
    %c0_i32 = arith.constant 0 : i32
    %c0_i32_0 = arith.constant 0 : i32
    %c0_i32_1 = arith.constant 0 : i32
    return %c0_i32, %c0_i32_0 : i32, i32
  }
  func.func @transform_3(%arg0: i32) -> (i32, i32) {
    %c0_i32 = arith.constant 0 : i32
    %c0_i32_0 = arith.constant 0 : i32
    %c0_i32_1 = arith.constant 0 : i32
    return %c0_i32, %c0_i32_0 : i32, i32
  }
  func.func @transform_4(%arg0: i32) -> (i32, i32, i32) {
    %c0_i32 = arith.constant 0 : i32
    %c0_i32_0 = arith.constant 0 : i32
    %c0_i32_1 = arith.constant 0 : i32
    return %arg0, %c0_i32, %c0_i32_0 : i32, i32, i32
  }
}

module attributes {stable_mosaic.version = 14 : i64} {
  func.func @_mlp_body(%arg0: i32, %arg1: memref<1x512x192xf32, #tpu.memory_space<vmem>>, %arg2: memref<192x64xf32, #tpu.memory_space<vmem>>, %arg3: memref<1x64xf32, #tpu.memory_space<vmem>>, %arg4: memref<1x64xf32, #tpu.memory_space<vmem>>, %arg5: memref<1x512x64xf32, #tpu.memory_space<vmem>>) attributes {dimension_semantics = [#tpu.dimension_semantics<arbitrary>], iteration_bounds = array<i64: 16>, scalar_prefetch = 0 : i64, scratch_operands = 0 : i64, tpu.core_type = #tpu.core_type<tc>, window_params = [{transform_indices = @transform_0, window_bounds = array<i64: 1, 512, 192>}, {pipeline_mode = #tpu.pipeline_mode<synchronous>, transform_indices = @transform_1, window_bounds = array<i64: 192, 64>}, {pipeline_mode = #tpu.pipeline_mode<synchronous>, transform_indices = @transform_2, window_bounds = array<i64: 1, 64>}, {pipeline_mode = #tpu.pipeline_mode<synchronous>, transform_indices = @transform_3, window_bounds = array<i64: 1, 64>}, {transform_indices = @transform_4, window_bounds = array<i64: 1, 512, 64>}]} {
    %get3A = arith.constant 0 : index
    %get3A_0 = arith.constant 0 : index
    %get3A_1 = arith.constant 0 : index
    %get3A_2 = vector.load %arg1[%get3A, %get3A_0, %get3A_1] : memref<1x512x192xf32, #tpu.memory_space<vmem>>, vector<1x512x192xf32>
    %get3A_3 = vector.shape_cast %get3A_2 : vector<1x512x192xf32> to vector<512x192xf32>
    %get3A_4 = arith.constant 0 : index
    %get3A_5 = arith.constant 0 : index
    %get3A_6 = vector.load %arg2[%get3A_4, %get3A_5] : memref<192x64xf32, #tpu.memory_space<vmem>>, vector<192x64xf32>
    %dot_general3A = arith.constant dense<0.000000e+00> : vector<512x64xf32>
    %dot_general3A_7 = tpu.matmul %get3A_3, %get3A_6, %dot_general3A {dimension_numbers = #tpu.dot_dimension_numbers<[1], [0], [0], [1], [0, 0, 1, 1], [], []>, transpose_lhs_hint = false} : vector<512x192xf32>, vector<192x64xf32>, vector<512x64xf32> -> vector<512x64xf32>
    %get3A_8 = arith.constant 0 : index
    %get3A_9 = arith.constant 0 : index
    %get3A_10 = vector.load %arg3[%get3A_8, %get3A_9] : memref<1x64xf32, #tpu.memory_space<vmem>>, vector<1x64xf32>
    %mul3A = vector.broadcast %get3A_10 : vector<1x64xf32> to vector<512x64xf32>
    %mul3A_11 = arith.mulf %dot_general3A_7, %mul3A : vector<512x64xf32>
    %get3A_12 = arith.constant 0 : index
    %get3A_13 = arith.constant 0 : index
    %get3A_14 = vector.load %arg4[%get3A_12, %get3A_13] : memref<1x64xf32, #tpu.memory_space<vmem>>, vector<1x64xf32>
    %add3A = vector.broadcast %get3A_14 : vector<1x64xf32> to vector<512x64xf32>
    %add3A_15 = arith.addf %mul3A_11, %add3A : vector<512x64xf32>
    %max3A = arith.constant 0.000000e+00 : f32
    %max3A_16 = vector.broadcast %max3A : f32 to vector<512x64xf32>
    %max3A_17 = arith.maximumf %add3A_15, %max3A_16 : vector<512x64xf32>
    %swap3A = arith.constant 0 : index
    %swap3A_18 = arith.constant 0 : index
    %swap3A_19 = arith.constant 0 : index
    %swap3A_20 = vector.load %arg5[%swap3A, %swap3A_18, %swap3A_19] : memref<1x512x64xf32, #tpu.memory_space<vmem>>, vector<1x512x64xf32>
    %swap3A_21 = vector.shape_cast %swap3A_20 : vector<1x512x64xf32> to vector<512x64xf32>
    %swap3A_22 = vector.shape_cast %max3A_17 : vector<512x64xf32> to vector<1x512x64xf32>
    tpu.vector_store %arg5[%swap3A, %swap3A_18, %swap3A_19], %swap3A_22 {strides = array<i32>} : memref<1x512x64xf32, #tpu.memory_space<vmem>>, vector<1x512x64xf32>,
    return
  }
  func.func @transform_0(%arg0: i32) -> (i32, i32, i32) {
    %c0_i32 = arith.constant 0 : i32
    %c0_i32_0 = arith.constant 0 : i32
    %c0_i32_1 = arith.constant 0 : i32
    return %arg0, %c0_i32, %c0_i32_0 : i32, i32, i32
  }
  func.func @transform_1(%arg0: i32) -> (i32, i32) {
    %c0_i32 = arith.constant 0 : i32
    %c0_i32_0 = arith.constant 0 : i32
    %c0_i32_1 = arith.constant 0 : i32
    return %c0_i32, %c0_i32_0 : i32, i32
  }
  func.func @transform_2(%arg0: i32) -> (i32, i32) {
    %c0_i32 = arith.constant 0 : i32
    %c0_i32_0 = arith.constant 0 : i32
    %c0_i32_1 = arith.constant 0 : i32
    return %c0_i32, %c0_i32_0 : i32, i32
  }
  func.func @transform_3(%arg0: i32) -> (i32, i32) {
    %c0_i32 = arith.constant 0 : i32
    %c0_i32_0 = arith.constant 0 : i32
    %c0_i32_1 = arith.constant 0 : i32
    return %c0_i32, %c0_i32_0 : i32, i32
  }
  func.func @transform_4(%arg0: i32) -> (i32, i32, i32) {
    %c0_i32 = arith.constant 0 : i32
    %c0_i32_0 = arith.constant 0 : i32
    %c0_i32_1 = arith.constant 0 : i32
    return %arg0, %c0_i32, %c0_i32_0 : i32, i32, i32
  }
}

module attributes {stable_mosaic.version = 14 : i64} {
  func.func @_mlp_body(%arg0: i32, %arg1: memref<1x4096x64xf32, #tpu.memory_space<vmem>>, %arg2: memref<64x64xf32, #tpu.memory_space<vmem>>, %arg3: memref<1x64xf32, #tpu.memory_space<vmem>>, %arg4: memref<1x64xf32, #tpu.memory_space<vmem>>, %arg5: memref<1x4096x64xf32, #tpu.memory_space<vmem>>) attributes {dimension_semantics = [#tpu.dimension_semantics<arbitrary>], iteration_bounds = array<i64: 16>, scalar_prefetch = 0 : i64, scratch_operands = 0 : i64, tpu.core_type = #tpu.core_type<tc>, window_params = [{transform_indices = @transform_0, window_bounds = array<i64: 1, 4096, 64>}, {pipeline_mode = #tpu.pipeline_mode<synchronous>, transform_indices = @transform_1, window_bounds = array<i64: 64, 64>}, {pipeline_mode = #tpu.pipeline_mode<synchronous>, transform_indices = @transform_2, window_bounds = array<i64: 1, 64>}, {pipeline_mode = #tpu.pipeline_mode<synchronous>, transform_indices = @transform_3, window_bounds = array<i64: 1, 64>}, {transform_indices = @transform_4, window_bounds = array<i64: 1, 4096, 64>}]} {
    %get3A = arith.constant 0 : index
    %get3A_0 = arith.constant 0 : index
    %get3A_1 = arith.constant 0 : index
    %get3A_2 = vector.load %arg1[%get3A, %get3A_0, %get3A_1] : memref<1x4096x64xf32, #tpu.memory_space<vmem>>, vector<1x4096x64xf32>
    %get3A_3 = vector.shape_cast %get3A_2 : vector<1x4096x64xf32> to vector<4096x64xf32>
    %get3A_4 = arith.constant 0 : index
    %get3A_5 = arith.constant 0 : index
    %get3A_6 = vector.load %arg2[%get3A_4, %get3A_5] : memref<64x64xf32, #tpu.memory_space<vmem>>, vector<64x64xf32>
    %dot_general3A = arith.constant dense<0.000000e+00> : vector<4096x64xf32>
    %dot_general3A_7 = tpu.matmul %get3A_3, %get3A_6, %dot_general3A {dimension_numbers = #tpu.dot_dimension_numbers<[1], [0], [0], [1], [0, 0, 1, 1], [], []>, transpose_lhs_hint = false} : vector<4096x64xf32>, vector<64x64xf32>, vector<4096x64xf32> -> vector<4096x64xf32>
    %get3A_8 = arith.constant 0 : index
    %get3A_9 = arith.constant 0 : index
    %get3A_10 = vector.load %arg3[%get3A_8, %get3A_9] : memref<1x64xf32, #tpu.memory_space<vmem>>, vector<1x64xf32>
    %mul3A = vector.broadcast %get3A_10 : vector<1x64xf32> to vector<4096x64xf32>
    %mul3A_11 = arith.mulf %dot_general3A_7, %mul3A : vector<4096x64xf32>
    %get3A_12 = arith.constant 0 : index
    %get3A_13 = arith.constant 0 : index
    %get3A_14 = vector.load %arg4[%get3A_12, %get3A_13] : memref<1x64xf32, #tpu.memory_space<vmem>>, vector<1x64xf32>
    %add3A = vector.broadcast %get3A_14 : vector<1x64xf32> to vector<4096x64xf32>
    %add3A_15 = arith.addf %mul3A_11, %add3A : vector<4096x64xf32>
    %max3A = arith.constant 0.000000e+00 : f32
    %max3A_16 = vector.broadcast %max3A : f32 to vector<4096x64xf32>
    %max3A_17 = arith.maximumf %add3A_15, %max3A_16 : vector<4096x64xf32>
    %swap3A = arith.constant 0 : index
    %swap3A_18 = arith.constant 0 : index
    %swap3A_19 = arith.constant 0 : index
    %swap3A_20 = vector.load %arg5[%swap3A, %swap3A_18, %swap3A_19] : memref<1x4096x64xf32, #tpu.memory_space<vmem>>, vector<1x4096x64xf32>
    %swap3A_21 = vector.shape_cast %swap3A_20 : vector<1x4096x64xf32> to vector<4096x64xf32>
    %swap3A_22 = vector.shape_cast %max3A_17 : vector<4096x64xf32> to vector<1x4096x64xf32>
    tpu.vector_store %arg5[%swap3A, %swap3A_18, %swap3A_19], %swap3A_22 {strides = array<i32>} : memref<1x4096x64xf32, #tpu.memory_space<vmem>>, vector<1x4096x64xf32>,
    return
  }
  func.func @transform_0(%arg0: i32) -> (i32, i32, i32) {
    %c0_i32 = arith.constant 0 : i32
    %c0_i32_0 = arith.constant 0 : i32
    %c0_i32_1 = arith.constant 0 : i32
    return %arg0, %c0_i32, %c0_i32_0 : i32, i32, i32
  }
  func.func @transform_1(%arg0: i32) -> (i32, i32) {
    %c0_i32 = arith.constant 0 : i32
    %c0_i32_0 = arith.constant 0 : i32
    %c0_i32_1 = arith.constant 0 : i32
    return %c0_i32, %c0_i32_0 : i32, i32
  }
  func.func @transform_2(%arg0: i32) -> (i32, i32) {
    %c0_i32 = arith.constant 0 : i32
    %c0_i32_0 = arith.constant 0 : i32
    %c0_i32_1 = arith.constant 0 : i32
    return %c0_i32, %c0_i32_0 : i32, i32
  }
  func.func @transform_3(%arg0: i32) -> (i32, i32) {
    %c0_i32 = arith.constant 0 : i32
    %c0_i32_0 = arith.constant 0 : i32
    %c0_i32_1 = arith.constant 0 : i32
    return %c0_i32, %c0_i32_0 : i32, i32
  }
  func.func @transform_4(%arg0: i32) -> (i32, i32, i32) {
    %c0_i32 = arith.constant 0 : i32
    %c0_i32_0 = arith.constant 0 : i32
    %c0_i32_1 = arith.constant 0 : i32
    return %arg0, %c0_i32, %c0_i32_0 : i32, i32, i32
  }
}

module attributes {stable_mosaic.version = 14 : i64} {
  func.func @_head_body(%arg0: i32, %arg1: memref<1x4096x128xf32, #tpu.memory_space<vmem>>, %arg2: memref<128x64xf32, #tpu.memory_space<vmem>>, %arg3: memref<1x64xf32, #tpu.memory_space<vmem>>, %arg4: memref<1x64xf32, #tpu.memory_space<vmem>>, %arg5: memref<1x64xf32, #tpu.memory_space<vmem>>, %arg6: memref<64x13xf32, #tpu.memory_space<vmem>>, %arg7: memref<1x13xf32, #tpu.memory_space<vmem>>, %arg8: memref<1x4096x13xf32, #tpu.memory_space<vmem>>) attributes {dimension_semantics = [#tpu.dimension_semantics<arbitrary>], iteration_bounds = array<i64: 16>, scalar_prefetch = 0 : i64, scratch_operands = 0 : i64, tpu.core_type = #tpu.core_type<tc>, window_params = [{transform_indices = @transform_0, window_bounds = array<i64: 1, 4096, 128>}, {pipeline_mode = #tpu.pipeline_mode<synchronous>, transform_indices = @transform_1, window_bounds = array<i64: 128, 64>}, {pipeline_mode = #tpu.pipeline_mode<synchronous>, transform_indices = @transform_2, window_bounds = array<i64: 1, 64>}, {pipeline_mode = #tpu.pipeline_mode<synchronous>, transform_indices = @transform_3, window_bounds = array<i64: 1, 64>}, {pipeline_mode = #tpu.pipeline_mode<synchronous>, transform_indices = @transform_4, window_bounds = array<i64: 1, 64>}, {pipeline_mode = #tpu.pipeline_mode<synchronous>, transform_indices = @transform_5, window_bounds = array<i64: 64, 13>}, {pipeline_mode = #tpu.pipeline_mode<synchronous>, transform_indices = @transform_6, window_bounds = array<i64: 1, 13>}, {transform_indices = @transform_7, window_bounds = array<i64: 1, 4096, 13>}]} {
    %get3A = arith.constant 0 : index
    %get3A_0 = arith.constant 0 : index
    %get3A_1 = arith.constant 0 : index
    %get3A_2 = vector.load %arg1[%get3A, %get3A_0, %get3A_1] : memref<1x4096x128xf32, #tpu.memory_space<vmem>>, vector<1x4096x128xf32>
    %get3A_3 = vector.shape_cast %get3A_2 : vector<1x4096x128xf32> to vector<4096x128xf32>
    %get3A_4 = arith.constant 0 : index
    %get3A_5 = arith.constant 0 : index
    %get3A_6 = vector.load %arg2[%get3A_4, %get3A_5] : memref<128x64xf32, #tpu.memory_space<vmem>>, vector<128x64xf32>
    %dot_general3A = arith.constant dense<0.000000e+00> : vector<4096x64xf32>
    %dot_general3A_7 = tpu.matmul %get3A_3, %get3A_6, %dot_general3A {dimension_numbers = #tpu.dot_dimension_numbers<[1], [0], [0], [1], [0, 0, 1, 1], [], []>, transpose_lhs_hint = false} : vector<4096x128xf32>, vector<128x64xf32>, vector<4096x64xf32> -> vector<4096x64xf32>
    %get3A_8 = arith.constant 0 : index
    %get3A_9 = arith.constant 0 : index
    %get3A_10 = vector.load %arg3[%get3A_8, %get3A_9] : memref<1x64xf32, #tpu.memory_space<vmem>>, vector<1x64xf32>
    %add3A = vector.broadcast %get3A_10 : vector<1x64xf32> to vector<4096x64xf32>
    %add3A_11 = arith.addf %dot_general3A_7, %add3A : vector<4096x64xf32>
    %reduce_sum3A = vector.shape_cast %add3A_11 : vector<4096x64xf32> to vector<1x4096x64xf32>
    %reduce_sum3A_12 = arith.constant dense<0.000000e+00> : vector<1xf32>
    %reduce_sum3A_13 = vector.multi_reduction <add>, %reduce_sum3A, %reduce_sum3A_12 [1, 2] : vector<1x4096x64xf32> to vector<1xf32>
    %reduce_sum3A_14 = vector.shape_cast %reduce_sum3A_13 : vector<1xf32> to vector<1x1x1xf32>
    %reduce_sum3A_15 = vector.extract %reduce_sum3A_14[0, 0, 0] : f32 from vector<1x1x1xf32>
    %div3A = arith.constant 2.621440e+05 : f32
    %div3A_16 = arith.divf %reduce_sum3A_15, %div3A : f32
    %sub3A = vector.broadcast %div3A_16 : f32 to vector<4096x64xf32>
    %sub3A_17 = arith.subf %add3A_11, %sub3A : vector<4096x64xf32>
    %integer_pow3A = arith.mulf %sub3A_17, %sub3A_17 : vector<4096x64xf32>
    %reduce_sum3A_18 = vector.shape_cast %integer_pow3A : vector<4096x64xf32> to vector<1x4096x64xf32>
    %reduce_sum3A_19 = arith.constant dense<0.000000e+00> : vector<1xf32>
    %reduce_sum3A_20 = vector.multi_reduction <add>, %reduce_sum3A_18, %reduce_sum3A_19 [1, 2] : vector<1x4096x64xf32> to vector<1xf32>
    %reduce_sum3A_21 = vector.shape_cast %reduce_sum3A_20 : vector<1xf32> to vector<1x1x1xf32>
    %reduce_sum3A_22 = vector.extract %reduce_sum3A_21[0, 0, 0] : f32 from vector<1x1x1xf32>
    %div3A_23 = arith.constant 2.621440e+05 : f32
    %div3A_24 = arith.divf %reduce_sum3A_22, %div3A_23 : f32
    %sub3A_25 = vector.broadcast %div3A_16 : f32 to vector<4096x64xf32>
    %sub3A_26 = arith.subf %add3A_11, %sub3A_25 : vector<4096x64xf32>
    %add3A_27 = arith.constant 9.99999974E-6 : f32
    %add3A_28 = arith.addf %div3A_24, %add3A_27 : f32
    %sqrt3A = math.sqrt %add3A_28 : f32
    %div3A_29 = vector.broadcast %sqrt3A : f32 to vector<4096x64xf32>
    %div3A_30 = arith.divf %sub3A_26, %div3A_29 : vector<4096x64xf32>
    %get3A_31 = arith.constant 0 : index
    %get3A_32 = arith.constant 0 : index
    %get3A_33 = vector.load %arg4[%get3A_31, %get3A_32] : memref<1x64xf32, #tpu.memory_space<vmem>>, vector<1x64xf32>
    %mul3A = vector.broadcast %get3A_33 : vector<1x64xf32> to vector<4096x64xf32>
    %mul3A_34 = arith.mulf %div3A_30, %mul3A : vector<4096x64xf32>
    %get3A_35 = arith.constant 0 : index
    %get3A_36 = arith.constant 0 : index
    %get3A_37 = vector.load %arg5[%get3A_35, %get3A_36] : memref<1x64xf32, #tpu.memory_space<vmem>>, vector<1x64xf32>
    %add3A_38 = vector.broadcast %get3A_37 : vector<1x64xf32> to vector<4096x64xf32>
    %add3A_39 = arith.addf %mul3A_34, %add3A_38 : vector<4096x64xf32>
    %max3A = arith.constant 0.000000e+00 : f32
    %max3A_40 = vector.broadcast %max3A : f32 to vector<4096x64xf32>
    %max3A_41 = arith.maximumf %add3A_39, %max3A_40 : vector<4096x64xf32>
    %get3A_42 = arith.constant 0 : index
    %get3A_43 = arith.constant 0 : index
    %get3A_44 = vector.load %arg6[%get3A_42, %get3A_43] : memref<64x13xf32, #tpu.memory_space<vmem>>, vector<64x13xf32>
    %dot_general3A_45 = arith.constant dense<0.000000e+00> : vector<4096x13xf32>
    %dot_general3A_46 = tpu.matmul %max3A_41, %get3A_44, %dot_general3A_45 {dimension_numbers = #tpu.dot_dimension_numbers<[1], [0], [0], [1], [0, 0, 1, 1], [], []>, transpose_lhs_hint = false} : vector<4096x64xf32>, vector<64x13xf32>, vector<4096x13xf32> -> vector<4096x13xf32>
    %get3A_47 = arith.constant 0 : index
    %get3A_48 = arith.constant 0 : index
    %get3A_49 = vector.load %arg7[%get3A_47, %get3A_48] : memref<1x13xf32, #tpu.memory_space<vmem>>, vector<1x13xf32>
    %add3A_50 = vector.broadcast %get3A_49 : vector<1x13xf32> to vector<4096x13xf32>
    %add3A_51 = arith.addf %dot_general3A_46, %add3A_50 : vector<4096x13xf32>
    %reduce_max3A = arith.constant dense<0xFF800000> : vector<4096xf32>
    %reduce_max3A_52 = vector.multi_reduction <maximumf>, %add3A_51, %reduce_max3A [1] : vector<4096x13xf32> to vector<4096xf32>
    %broadcast_in_dim3A = vector.shape_cast %reduce_max3A_52 : vector<4096xf32> to vector<4096x1xf32>
    %sub3A_53 = vector.broadcast %broadcast_in_dim3A : vector<4096x1xf32> to vector<4096x13xf32>
    %sub3A_54 = arith.subf %add3A_51, %sub3A_53 : vector<4096x13xf32>
    %exp3A = math.exp %sub3A_54 : vector<4096x13xf32>
    %reduce_sum3A_55 = arith.constant dense<0.000000e+00> : vector<4096xf32>
    %reduce_sum3A_56 = vector.multi_reduction <add>, %exp3A, %reduce_sum3A_55 [1] : vector<4096x13xf32> to vector<4096xf32>
    %broadcast_in_dim3A_57 = vector.shape_cast %reduce_sum3A_56 : vector<4096xf32> to vector<4096x1xf32>
    %log3A = math.log %broadcast_in_dim3A_57 : vector<4096x1xf32>
    %add3A_58 = arith.addf %broadcast_in_dim3A, %log3A : vector<4096x1xf32>
    %sub3A_59 = vector.broadcast %add3A_58 : vector<4096x1xf32> to vector<4096x13xf32>
    %sub3A_60 = arith.subf %add3A_51, %sub3A_59 : vector<4096x13xf32>
    %swap3A = arith.constant 0 : index
    %swap3A_61 = arith.constant 0 : index
    %swap3A_62 = arith.constant 0 : index
    %swap3A_63 = vector.load %arg8[%swap3A, %swap3A_61, %swap3A_62] : memref<1x4096x13xf32, #tpu.memory_space<vmem>>, vector<1x4096x13xf32>
    %swap3A_64 = vector.shape_cast %swap3A_63 : vector<1x4096x13xf32> to vector<4096x13xf32>
    %swap3A_65 = vector.shape_cast %sub3A_60 : vector<4096x13xf32> to vector<1x4096x13xf32>
    tpu.vector_store %arg8[%swap3A, %swap3A_61, %swap3A_62], %swap3A_65 {strides = array<i32>} : memref<1x4096x13xf32, #tpu.memory_space<vmem>>, vector<1x4096x13xf32>,
    return
  }
  func.func @transform_0(%arg0: i32) -> (i32, i32, i32) {
    %c0_i32 = arith.constant 0 : i32
    %c0_i32_0 = arith.constant 0 : i32
    %c0_i32_1 = arith.constant 0 : i32
    return %arg0, %c0_i32, %c0_i32_0 : i32, i32, i32
  }
  func.func @transform_1(%arg0: i32) -> (i32, i32) {
    %c0_i32 = arith.constant 0 : i32
    %c0_i32_0 = arith.constant 0 : i32
    %c0_i32_1 = arith.constant 0 : i32
    return %c0_i32, %c0_i32_0 : i32, i32
  }
  func.func @transform_2(%arg0: i32) -> (i32, i32) {
    %c0_i32 = arith.constant 0 : i32
    %c0_i32_0 = arith.constant 0 : i32
    %c0_i32_1 = arith.constant 0 : i32
    return %c0_i32, %c0_i32_0 : i32, i32
  }
  func.func @transform_3(%arg0: i32) -> (i32, i32) {
    %c0_i32 = arith.constant 0 : i32
    %c0_i32_0 = arith.constant 0 : i32
    %c0_i32_1 = arith.constant 0 : i32
    return %c0_i32, %c0_i32_0 : i32, i32
  }
  func.func @transform_4(%arg0: i32) -> (i32, i32) {
    %c0_i32 = arith.constant 0 : i32
    %c0_i32_0 = arith.constant 0 : i32
    %c0_i32_1 = arith.constant 0 : i32
    return %c0_i32, %c0_i32_0 : i32, i32
  }
  func.func @transform_5(%arg0: i32) -> (i32, i32) {
    %c0_i32 = arith.constant 0 : i32
    %c0_i32_0 = arith.constant 0 : i32
    %c0_i32_1 = arith.constant 0 : i32
    return %c0_i32, %c0_i32_0 : i32, i32
  }
  func.func @transform_6(%arg0: i32) -> (i32, i32) {
    %c0_i32 = arith.constant 0 : i32
    %c0_i32_0 = arith.constant 0 : i32
    %c0_i32_1 = arith.constant 0 : i32
    return %c0_i32, %c0_i32_0 : i32, i32
  }
  func.func @transform_7(%arg0: i32) -> (i32, i32, i32) {
    %c0_i32 = arith.constant 0 : i32
    %c0_i32_0 = arith.constant 0 : i32
    %c0_i32_1 = arith.constant 0 : i32
    return %arg0, %c0_i32, %c0_i32_0 : i32, i32, i32
  }
}

</mosaic_0001>

<sc_bundles>
// kernel: gather_offload_async_start.1
scs
__scs_entry_jumppad:
0x0: {  	(pc) =	sbr.rel $0x88, $3  }
0x1: {  	(tag) =	ssettag $0x0;
	lr =	simm.s32 $0x1  }
0x2: {  	[smem:$0x3F7D] =	sst lr;
	_ =	strace $0xD0000000  }
0x3: {  	_ = 	snop  }
0x4: {  	_ = 	snop  }
0x5: {  	_ = 	snop  }
0x6: {  	_ = 	snop  }
0x7: {  	_ = 	snop  }
__scs_overlays_trampoline_lowered:
0x8: {  	[smem:$0x3F8C] =	sst s0  }
0x9: {  	[smem:$0x3F8D] =	sst s1  }
0xa: {  	[smem:$0x3F8E] =	sst s2  }
0xb: {  	[smem:$0x3F8F] =	sst s3  }
0xc: {  	[smem:$0x3F90] =	sst s4  }
0xd: {  	[smem:$0x3F91] =	sst s5  }
0xe: {  	[smem:$0x3F92] =	sst s6  }
0xf: {  	[smem:$0x3F93] =	sst s7  }
0x10: {  	[smem:$0x3F94] =	sst s8  }
0x11: {  	[smem:$0x3F95] =	sst s9;
	s0 =	simm.s32 @!p0 $0x0  }
0x12: {  	s1 =	sld [smem:$0x3F7B];
	s0 =	simm.s32 @p0 $0x1  }
0x13: {  	[smem:$0x3F96] =	sst s0;
	s0 =	simm.s32 @!p1 $0x0  }
0x14: {  	s2 =	sld [smem:$0x3F7A];
	s0 =	simm.s32 @p1 $0x1  }
0x15: {  	[smem:$0x3F97] =	sst s0;
	s0 =	simm.s32 @!p2 $0x0  }
0x16: {  	s3 =	sld [smem:$0x3FDB];
	s0 =	simm.s32 @p2 $0x1  }
0x17: {  	s4 =	simm.s32 $0x1BF5;
	[smem:$0x3F99] =	sst s0  }
0x18: {  	s0 =	sld [smem:$0x3F7C];
	_ =	swait.ge [sflag:s4], $0x0  }
0x19: {  	s7 =	sld [smem:$0x3F7D]  }
0x1a: {  	s8 =	sadd.s32 $0xFFFFE003, lr  }
0x1b: {  	s9 =	sadd.s32 $0xFFFFFEF7, lr;
	s5 =	simm.s32 $0xFFFFFFFF;
	p2 =	slt.u32 s8, $0xFFFFF086  }
0x1c: {  	p1 =	slt.u32 s9, $0xF7A;
	s5 =	simm.s32 @!p2 $0x0  }
0x1d: {  	s5 =	simm.s32 @p1 $0x1;
	p0 =	seq.s32 s7, s2  }
0x1e: {  	s7 =	smul.u32 @!p0 $0xF7A, s2;
	p2 =	seq.s32 @!p0 s5, $0x0  }
0x1f: {  	s9 =	smul.u32 $0xF7A, s1;
	s8 =	simm.s32 @!p0 $0x1BF5;
	p2 =	por !p2, p0  }
0x20: {  	[sflag:s8] =	ssyncset.s32 @!p0 $0xFFFFF086;
	s6 =	sadd.s32 @!p0 s3, s7;
	s7 =	simm.s32 @!p0 $0x108  }
0x21: {  	s3 =	sadd.s32 s3, s9;
	s6 =	sadd.s32 @!p0 $0x88, s6;
	s7 =	simm.s32 @p2 $0x1082  }
0x22: {  	[simem:s7], [sflag:s8] =	dma.local @!p0 [hbm:s6], $0xF7A  }
0x23: {  	s9 =	sor.u32 $0xD0000000, s2;
	s6 =	simm.s32 $0x108;
	_ =	swait.ge @!p0 [sflag:s8], $0x0  }
0x24: {  	s3 =	sadd.s32 $0x88, s3;
	s6 =	simm.s32 @!p1 $0x1082;
	[sflag:s4] =	ssyncset.s32 $0xFFFFF086  }
0x25: {  	[simem:s6], [sflag:s4] =	dma.local [hbm:s3], $0xF7A  }
0x26: {  	[smem:$0x3F7D] =	sst s1;
	(tag) =	ssettag s2;
	_ =	strace s9  }
0x27: {  	s1 =	sld [smem:$0x3F8D]  }
0x28: {  	s2 =	sld [smem:$0x3F8E]  }
0x29: {  	s4 =	sld [smem:$0x3F90]  }
0x2a: {  	p0 =	seq.s32 s5, $0x0;
	s5 =	sld [smem:$0x3F91]  }
0x2b: {  	s6 =	sld [smem:$0x3F92]  }
0x2c: {  	s7 =	sld [smem:$0x3F93]  }
0x2d: {  	s3 =	simm.s32 $0x108;
	s8 =	sld [smem:$0x3F94]  }
0x2e: {  	s3 =	simm.s32 @!p0 $0x1082;
	s9 =	sld [smem:$0x3F95]  }
0x2f: {  	lr =	sadd.s32 s0, s3;
	s0 =	sld [smem:$0x3F8C]  }
0x30: {  	s3 =	sld [smem:$0x3F8F]  }
0x31: {  	[smem:$0x3F98] =	sst s10  }
0x32: {  	s10 =	sld [smem:$0x3F96];
	_ =	sdelay $0x3  }
0x33: {  	p0 =	seq.s32 s10, $0x1;
	s10 =	sld [smem:$0x3F98];
	_ =	sdelay $0x3  }
0x34: {  	[smem:$0x3F98] =	sst s10  }
0x35: {  	s10 =	sld [smem:$0x3F97];
	_ =	sdelay $0x3  }
0x36: {  	p1 =	seq.s32 s10, $0x1;
	s10 =	sld [smem:$0x3F98];
	_ =	sdelay $0x3  }
0x37: {  	[smem:$0x3F98] =	sst s10  }
0x38: {  	s10 =	sld [smem:$0x3F99]  }
0x39: {  	_ = 	snop;
	(pc) =	sbr.ind lr, $3  }
0x3a: {  	_ = 	snop  }
0x3b: {  	_ = 	snop  }
0x3c: {  	p2 =	seq.s32 s10, $0x1;
	s10 =	sld [smem:$0x3F98]  }
0x3d: {  	_ =	shalt  }
0x3e: {  	_ =	shalt  }
0x3f: {  	_ =	shalt  }
0x40: {  	_ =	shalt  }
0x41: {  	_ =	shalt  }
0x42: {  	_ =	shalt  }
0x43: {  	_ =	shalt  }
0x44: {  	_ =	shalt  }
0x45: {  	_ =	shalt  }
0x46: {  	_ =	shalt  }
0x47: {  	_ =	shalt  }
0x48: {  	_ =	shalt  }
0x49: {  	_ =	shalt  }
0x4a: {  	_ =	shalt  }
0x4b: {  	_ =	shalt  }
0x4c: {  	_ =	shalt  }
0x4d: {  	_ =	shalt  }
0x4e: {  	_ =	shalt  }
0x4f: {  	_ =	shalt  }
0x50: {  	_ =	shalt  }
0x51: {  	_ =	shalt  }
0x52: {  	_ =	shalt  }
0x53: {  	_ =	shalt  }
0x54: {  	_ =	shalt  }
0x55: {  	_ =	shalt  }
0x56: {  	_ =	shalt  }
0x57: {  	_ =	shalt  }
0x58: {  	_ =	shalt  }
0x59: {  	_ =	shalt  }
0x5a: {  	_ =	shalt  }
0x5b: {  	_ =	shalt  }
0x5c: {  	_ =	shalt  }
0x5d: {  	_ =	shalt  }
0x5e: {  	_ =	shalt  }
0x5f: {  	_ =	shalt  }
0x60: {  	_ =	shalt  }
0x61: {  	_ =	shalt  }
0x62: {  	_ =	shalt  }
0x63: {  	_ =	shalt  }
0x64: {  	_ =	shalt  }
0x65: {  	_ =	shalt  }
0x66: {  	_ =	shalt  }
0x67: {  	_ =	shalt  }
0x68: {  	_ =	shalt  }
0x69: {  	_ =	shalt  }
0x6a: {  	_ =	shalt  }
0x6b: {  	_ =	shalt  }
0x6c: {  	_ =	shalt  }
0x6d: {  	_ =	shalt  }
0x6e: {  	_ =	shalt  }
0x6f: {  	_ =	shalt  }
0x70: {  	_ =	shalt  }
0x71: {  	_ =	shalt  }
0x72: {  	_ =	shalt  }
0x73: {  	_ =	shalt  }
0x74: {  	_ =	shalt  }
0x75: {  	_ =	shalt  }
0x76: {  	_ =	shalt  }
0x77: {  	_ =	shalt  }
0x78: {  	_ =	shalt  }
0x79: {  	_ =	shalt  }
0x7a: {  	_ =	shalt  }
0x7b: {  	_ =	shalt  }
0x7c: {  	_ =	shalt  }
0x7d: {  	_ =	shalt  }
0x7e: {  	_ =	shalt  }
0x7f: {  	_ =	shalt  }
0x80: {  	_ =	shalt  }
0x81: {  	_ =	shalt  }
0x82: {  	_ =	shalt  }
0x83: {  	_ =	shalt  }
0x84: {  	_ =	shalt  }
0x85: {  	_ =	shalt  }
0x86: {  	_ =	shalt  }
0x87: {  	_ =	shalt  }
.Lfunc_end0:
.L_simem_size_0:
called_computation.1_lowered:
.L_overlay_start_0:
0x88: {  	s2 =	sld [smem:$0x3FD9]  }
0x89: {  	s3 =	sld [smem:$0x3FFE];
	_ =	sdelay $0x1  }
0x8a: {  	s1 =	srdreg.scid  }
0x8b: {  	s0 =	sand.u32 $0x1, s1  }
0x8c: {  	s16 =	sshll.u32 s0, $0xA;
	s2 =	sadd.s32 s3, s2  }
0x8d: {  	s2 =	sadd.s32 s2, s16  }
0x8e: {  	[smem:$0x3FA4] =	sst s2  }
0x8f: {  	_ = 	snop  }
0x90: {  	(tm) =	ssettm $0x1  }
0x91: {  	s17 =	sld [smem:$0x3FFB];
	_ =	sdelay $0x3  }
0x92: {  	_ =	strace s17  }
0x93: {  	s2 =	sld [smem:$0x3FFC];
	_ =	sdelay $0x3  }
0x94: {  	_ =	strace s2  }
0x95: {  	s2 =	sld [smem:$0x3FFD];
	_ =	sdelay $0x3  }
0x96: {  	_ =	strace s2  }
0x97: {  	_ =	strace $0x8FFFFFFF  }
0x98: {  	s18 =	sld [smem:$0x3FDB];
	_ =	sdelay $0x1  }
0x99: {  	s19 =	simm.s32 $_scs_section_size  }
0x9a: {  	s4 =	simm.s32 $_size__tile_overlayer_lowered;
	s5 =	simm.s32 $_tile_overlayer_lowered  }
0x9b: {  	s22 =	simm.s32 $0x1BFF;
	s21 =	sshll.u32 s5, $0x1;
	s2 =	sadd.s32 s19, s18  }
0x9c: {  	s6 =	simm.s32 $0x0;
	s20 =	sshll.u32 s4, $0x1;
	s4 =	sadd.s32 s21, s2  }
0x9d: {  	[timem:s6], [sflag:s22] =	dma.local [hbm:s4], s20  }
0x9e: {  	_ =	swait.ge [sflag:s22], s20  }
0x9f: {  	s3 =	ssub.s32 $0x0, s20;
	[sflag:s22] =	ssyncset.done $0x0  }
0xa0: {  	[sflag:s22] =	ssyncadd.s32 s3;
	_ =	sdelay $0x1  }
0xa1: {  	s23 =	simm.s32 $0x1B8B  }
0xa2: {  	_ =	swait.ge [sflag:s23], $0x1  }
0xa3: {  	[sflag:s23] =	ssyncset.done $0x0  }
0xa4: {  	s25 =	simm.s32 $0x1B8E;
	s24 =	sld [smem:$0x3FFE];
	[sflag:s23] =	ssyncadd.s32 $0xFFFFFFFF  }
0xa5: {  	s26 =	simm.s32 $execute0_lowered;
	[smem:$0x3FD2] =	sst s25  }
0xa6: {  	s4 =	sshll.u32 s26, $0x1;
	_ =	strace $0x80000052;
	[dreg:$0x1] =	wrdreg $0xFFFFFFFF  }
0xa7: {  	s28 =	simm.s32 $_size_execute0_lowered;
	s2 =	sadd.s32 s2, s4;
	[dreg:$0x0] =	wrdreg $0x0  }
0xa8: {  	s4 =	sshll.u32 s28, $0x1;
	[dreg:$0x2] =	wrdreg s2  }
0xa9: {  	[dreg:$0x3] =	wrdreg s4  }
0xaa: {  	[dreg:$0x4] =	wrdreg $0xC0  }
0xab: {  	_ =	task [dreg:s6], $0x5FFFF  }
0xac: {  	[dreg:$0x1] =	wrdreg $0xFFFFFFFF  }
0xad: {  	[dreg:$0x0] =	wrdreg $0x60  }
0xae: {  	[dreg:$0x2] =	wrdreg s24  }
0xaf: {  	[dreg:$0x3] =	wrdreg $0x9  }
0xb0: {  	_ =	task.clear_ibuf [dreg:s6], $0x4FFFF;
	_ =	strace $0x90000052  }
0xb1: {  	s29 =	simm.s32 $0x9;
	_ =	strace $0x80000054  }
0xb2: {  	_ =	swait.ge [sflag:s29], $0x1  }
0xb3: {  	[sflag:s29] =	ssyncadd.s32 $0xFFFFFFFF  }
0xb4: {  	_ =	strace $0x90000054  }
0xb5: {  	_ =	sfence  }
0xb6: {  	s30 =	sld [smem:$0x0];
	_ =	sdelay $0x2  }
0xb7: {  	s31 =	sshll.u32 s1, $0xD;
	s1 =	sshrl.u32 s1, $0x2  }
0xb8: {  	s3 =	sand.u32 $0x4000, s31;
	s1 =	sadd.s32 s1, s30  }
0xb9: {  	s0 =	sor.u32 s3, s0;
	s1 =	sshll.u32 s1, $0x11  }
0xba: {  	s0 =	sor.u32 s1, s0  }
0xbb: {  	s0 =	sadd.s32 $0x8F2B, s0  }
0xbc: {  	[sflag:s0] =	ssyncadd.remote.s32 $0x1  }
0xbd: {  	_ =	sfence.sel $0xFFFF  }
0xbe: {  	[dreg:$0x0] =	wrdreg $0xFFFFFFFF;
	(pc) =	sbr.abs _section_cstart, $3  }
0xbf: {  	[dreg:$0x1] =	wrdreg $0xFFFFFFFF  }
0xc0: {  	_ =	task.clear_ibuf [dreg:s6], $0x2FFFF;
	_ =	strace $0x9FFFFFFF  }
0xc1: {  	(tm) =	ssettm $0x7FFFFFFF  }
tec
execute0_lowered:
.L_overlay_start_1:
0x0: {  	(tag) =	ssettag $0x1  }
0x1: {  	s7 =	rddreg [dreg:$0x0]  }
0x2: {  	s0 =	rddreg [dreg:$0x1];
	_ =	strace $0x80000053  }
0x3: {  	s1 =	srdreg.scid;
	s4 =	simm.s32 $0x1;
	s9 =	simm.s32 $0x3  }
0x4: {  	s12 =	simm.s32 $0x0;
	s10 =	simm.s32 $0x0;
	s5 =	sshll.u32 s1, $0x4  }
.Ltmp0:
0x5: {  	s1 =	stileid.u32;
	s5 =	sand.u32 $0x10, s5;
	(pc) =	sbr.rel .LBB2_1-.Ltmp0, $4  }
0x6: {  	s2 =	sadd.s32 $0x203E00, s7;
	s3 =	sadd.s32 $0x228600, s7;
	s6 =	sor.u32 s1, s5  }
0x7: {  	[sflag:s4] =	ssyncpa.u1 $0x0;
	s5 =	simm.s32 $0x2;
	s6 =	sshll.u32 s6, $0x6  }
0x8: {  	s7 =	sadd.s32 $0x4C400, s7;
	[sflag:s5] =	ssyncpa.u1 $0x0;
	s8 =	sadd.s32 $0x40, s6  }
0x9: {  	vm0 =	vmmov $0xff;
	vm1 =	vcmask $0x3F20;
	[sflag:s9] =	ssyncpa.u1 $0x0;
	s9 =	simm.s32 $0x40;
	s11 =	smov.u32 s6  }
.LBB2_9:
0xa: {  	p0 =	seq.s32 s10, $0x2  }
.Ltmp1:
0xb: {  	_ = 	snop;
	(pc) =	sbr.rel @p0 .LBB2_11-.Ltmp1, $1  }
0xc: {  	_ =	sdelay $0x3  }
.LBB2_10:
0xd: {  	s12 =	sadd.s32 $0x40, s11  }
0xe: {  	s13 =	smov.u32 s6;
	p0 =	slt.s32 s12, s8  }
0xf: {  	s13 =	smov.u32 @p0 s12  }
0x10: {  	s10 =	sadd.s32 $0x1, s10;
	s12 =	smov.u32 s11;
	s11 =	smov.u32 s13  }
.LBB2_1:
0x11: {  	p0 =	sne.s32 s10, $0x0  }
.Ltmp2:
0x12: {  	_ = 	snop;
	(pc) =	sbr.rel @!p0 .LBB2_2-.Ltmp2, $1  }
0x13: {  	_ =	sdelay $0x3  }
0x14: {  	s13 =	sand.u32 $0x1, s10  }
0x15: {  	p0 =	seq.s32 s13, $0x0  }
.Ltmp3:
0x16: {  	_ = 	snop;
	(pc) =	sbr.rel @p0 .LBB2_9-.Ltmp3, $1  }
0x17: {  	_ =	sdelay $0x3  }
0x18: {  	_ =	swait.ge [sflag:s5], $0x40  }
0x19: {  	[sflag:s5] =	ssyncset.done $0x0  }
0x1a: {  	s13 =	simm.s32 $0x0;
	[sflag:s5] =	ssyncadd.s32 $0xFFFFFFC0  }
0x1b: {  	v0 =	vld.msk [tilespmem:s13+$0x40 ss:$0x1], $0xffff;
	_ =	sdelay $0x4  }
0x1c: {  	v1 =	vshll.u32 v0, $0x3  }
0x1d: {  	vm2 =	veq.s32 v0, $0x80000000;
	v0 =	vshll.u32 v0, $0x10;
	v1 =	vand.u32 $0xFF80, v1  }
0x1e: {  	v0 =	vand.u32 $0xF0000, v0;
	v1 =	vsel vm2, $0xFFFFFF80, v1  }
0x1f: {  	v0 =	vsel vm2, $0xFFFF0000, v0;
	v2 =	vand.u32 $0xFFFFFC00, v1  }
0x20: {  	v1 =	vand.u32 $0x380, v1;
	v0 =	vadd.s32 v0, v2  }
0x21: {  	v0 =	vor.u32 v1, v0  }
0x22: {  	v0 =	vshrl.u32 v0, $0x3;
	_ =	sdelay $0x3  }
0x23: {  	s13 =	simm.s32 $0x2080  }
0x24: {  	[tilespmem:s13], [sflag:$0x1] =	stream.indirect_vreg.gather [hbm:s2], $0x80, v0, vm0, $0x38;
	[tilespmem:$0x4080] =	vst v63  }
0x25: {  	s14 =	simm.s32 $0x2480;
	s31 =	simm.s32 $0x10  }
0x26: {  	[tilespmem:s14], [sflag:$0x1] =	stream.indirect_vreg.gather [hbm:s2], $0x80, v0, vm1, $0x38;
	[tilespmem:$0x4080] =	vst v63  }
0x27: {  	s14 =	simm.s32 $0x80;
	v0 =	vld.msk [tilespmem:s31+$0x40 ss:$0x1], $0xffff  }
.LBB2_5:
0x28: {  	p0 =	sne.s32 s14, $0xC0;
	_ =	sdelay $0x4  }
0x29: {  	v1 =	vshll.u32 v0, $0x3  }
0x2a: {  	vm2 =	veq.s32 v0, $0x80000000;
	v0 =	vshll.u32 v0, $0x10;
	v1 =	vand.u32 $0xFF80, v1  }
0x2b: {  	v0 =	vand.u32 $0xF0000, v0;
	v1 =	vsel vm2, $0xFFFFFF80, v1  }
0x2c: {  	v0 =	vsel vm2, $0xFFFF0000, v0;
	v2 =	vand.u32 $0xFFFFFC00, v1  }
0x2d: {  	v1 =	vand.u32 $0x380, v1;
	v0 =	vadd.s32 v0, v2  }
0x2e: {  	v0 =	vor.u32 v1, v0  }
0x2f: {  	v0 =	vshrl.u32 v0, $0x3;
	_ =	sdelay $0x3  }
.Ltmp4:
0x30: {  	s13 =	sadd.s32 $0x800, s13;
	(pc) =	sbr.rel @p0 .LBB2_5-.Ltmp4, $4  }
0x31: {  	[tilespmem:s13], [sflag:$0x1] =	stream.indirect_vreg.gather [hbm:s2], $0x80, v0, vm0, $0x38;
	[tilespmem:$0x4080] =	vst v63  }
0x32: {  	s15 =	sshra.s32 s14, $0x2;
	s16 =	sadd.s32 $0x400, s13  }
0x33: {  	[tilespmem:s16], [sflag:$0x1] =	stream.indirect_vreg.gather [hbm:s2], $0x80, v0, vm1, $0x38;
	[tilespmem:$0x4080] =	vst v63  }
0x34: {  	s14 =	sadd.s32 $0x40, s14;
	v0 =	vld.msk [tilespmem:s15+$0x40 ss:$0x1], $0xffff  }
0x35: {  	_ =	sdelay $0x3  }
0x36: {  	v1 =	vshll.u32 v0, $0x3  }
0x37: {  	vm2 =	veq.s32 v0, $0x80000000;
	v63 =	vshll.u32 v0, $0x10;
	v1 =	vand.u32 $0xFF80, v1  }
0x38: {  	v0 =	vand.u32 $0xF0000, v63;
	v1 =	vsel vm2, $0xFFFFFF80, v1  }
0x39: {  	v0 =	vsel vm2, $0xFFFF0000, v0;
	v2 =	vand.u32 $0xFFFFFC00, v1  }
0x3a: {  	v1 =	vand.u32 $0x380, v1;
	v0 =	vadd.s32 v0, v2  }
0x3b: {  	v0 =	vor.u32 v1, v0  }
0x3c: {  	v0 =	vshrl.u32 v0, $0x3;
	_ =	sdelay $0x3  }
0x3d: {  	s13 =	sadd.s32 $0x800, s13  }
0x3e: {  	[tilespmem:s13], [sflag:$0x1] =	stream.indirect_vreg.gather [hbm:s2], $0x80, v0, vm0, $0x38;
	[tilespmem:$0x4080] =	vst v63  }
0x3f: {  	s13 =	sadd.s32 $0x400, s13  }
0x40: {  	[tilespmem:s13], [sflag:$0x1] =	stream.indirect_vreg.gather [hbm:s2], $0x80, v0, vm1, $0x38;
	[tilespmem:$0x4080] =	vst v63  }
0x41: {  	s12 =	sshll.u32 s12, $0x4;
	s14 =	simm.s32 $0x80;
	_ =	swait.ge [sflag:s4], $0x2000  }
0x42: {  	s15 =	simm.s32 $0x2480;
	s12 =	sadd.s32 s12, s7;
	[sflag:s4] =	ssyncset.done $0x0  }
0x43: {  	s16 =	sadd.s32 $0x0, s12;
	s13 =	simm.s32 $0x2080;
	[sflag:s4] =	ssyncadd.s32 $0xFFFFE000  }
.LBB2_7:
0x44: {  	[hbm:s16] =	stream.linear.scatter [tilespmem:s13], [sflag:$0x3], $0x400, $0x38;
	[tilespmem:$0x4080] =	vst v63  }
0x45: {  	s16 =	smov.u32 s14;
	s13 =	smov.u32 s15;
	p0 =	sne.s32 s14, $0x380  }
.Ltmp5:
0x46: {  	s14 =	sadd.s32 $0x80, s14;
	(pc) =	sbr.rel @p0 .LBB2_7-.Ltmp5, $2  }
0x47: {  	_ =	sdelay $0x2  }
0x48: {  	s15 =	sadd.s32 $0x400, s15;
	s16 =	sadd.s32 s16, s12  }
.Ltmp6:
0x49: {  	(pc) =	sbr.rel .LBB2_9-.Ltmp6, $2  }
0x4a: {  	_ =	sdelay $0x2  }
0x4b: {  	[hbm:s16] =	stream.linear.scatter [tilespmem:s13], [sflag:$0x3], $0x400, $0x38;
	[tilespmem:$0x4080] =	vst v63  }
.LBB2_2:
.Ltmp7:
0x4c: {  	(pc) =	sbr.rel .LBB2_10-.Ltmp7, $4  }
0x4d: {  	_ = 	snop  }
0x4e: {  	s12 =	sshrl.u32 s11, $0x3  }
0x4f: {  	s13 =	sand.u32 $0x7, s11;
	s12 =	sadd.s32 s3, s12  }
0x50: {  	[tilespmem:s9], [sflag:$0x2] =	stream.linear.gather [hbm4b:s12+s13], $0x40, $0x38;
	[tilespmem:$0x4080] =	vst v63  }
.LBB2_11:
0x51: {  	s2 =	simm.s32 $0x3  }
0x52: {  	_ =	swait.ge [sflag:s2], $0x2000  }
0x53: {  	[sflag:s2] =	ssyncset.done $0x0  }
0x54: {  	[sflag:s2] =	ssyncadd.s32 $0xFFFFE000  }
0x55: {  	_ =	sfence.sel $0x180000  }
0x56: {  	s3 =	simm.s32 $0x2;
	[bflag:$0x0] =	sbarrier.arrive $0xFFFF  }
0x57: {  	[sflag:s3] =	ssyncpa.u1 $0x1  }
0x58: {  	s31 =	simm.s32 $0x1;
	[sflag:s2] =	ssyncpa.u1 $0x1  }
0x59: {  	[sflag:s31] =	ssyncpa.u1 $0x1  }
0x5a: {  	p0 =	sne.s32 s1, $0x0;
	_ =	strace $0x90000053  }
0x5b: {  	s0 =	sadd.s32 @!p0 $0x100000, s0;
	[bflag:$0x2] =	sbarrier.arrive $0xFFFF  }
0x5c: {  	[sflag:s0] =	ssyncadd.tile.s32 @!p0 $0x1;
	_ =	shalt  }
.Lfunc_end2:
_tile_overlayer_lowered:
.L_overlay_start_2:
0x5d: {  	(tag) =	ssettag $0x2  }
0x5e: {  	s0 =	rddreg [dreg:$0x0];
	s2 =	stileid.u32  }
0x5f: {  	s1 =	rddreg [dreg:$0x1];
	p0 =	sne.s32 s2, $0x0  }
0x60: {  	s3 =	rddreg [dreg:$0x2];
	[bflag:$0x3] =	sbarrier.arrive $0xFFFF;
	s2 =	simm.s32 @!p0 $0x1C01  }
0x61: {  	[timem:s3], [sflag:s2] =	dma.local @!p0 [hbm:s0], s1  }
0x62: {  	s0 =	simm.s32 @!p0 $0x1  }
0x63: {  	_ =	swait.ge @!p0 [sflag:s0], s1  }
0x64: {  	s1 =	ssub.s32 @!p0 $0x0, s1;
	[sflag:s0] =	ssyncset.done @!p0 $0x0  }
0x65: {  	[sflag:s0] =	ssyncadd.s32 @!p0 s1  }
0x66: {  	[bflag:$0x3] =	sbarrier.arrive $0xFFFF  }
0x67: {  	_ =	shalt  }

// kernel: gather_offload_async_start.2
scs
__scs_entry_jumppad:
0x0: {  	(pc) =	sbr.rel $0x88, $3  }
0x1: {  	(tag) =	ssettag $0x0;
	lr =	simm.s32 $0x1  }
0x2: {  	[smem:$0x3F7D] =	sst lr;
	_ =	strace $0xD0000000  }
0x3: {  	_ = 	snop  }
0x4: {  	_ = 	snop  }
0x5: {  	_ = 	snop  }
0x6: {  	_ = 	snop  }
0x7: {  	_ = 	snop  }
__scs_overlays_trampoline_lowered:
0x8: {  	[smem:$0x3F8C] =	sst s0  }
0x9: {  	[smem:$0x3F8D] =	sst s1  }
0xa: {  	[smem:$0x3F8E] =	sst s2  }
0xb: {  	[smem:$0x3F8F] =	sst s3  }
0xc: {  	[smem:$0x3F90] =	sst s4  }
0xd: {  	[smem:$0x3F91] =	sst s5  }
0xe: {  	[smem:$0x3F92] =	sst s6  }
0xf: {  	[smem:$0x3F93] =	sst s7  }
0x10: {  	[smem:$0x3F94] =	sst s8  }
0x11: {  	[smem:$0x3F95] =	sst s9;
	s0 =	simm.s32 @!p0 $0x0  }
0x12: {  	s1 =	sld [smem:$0x3F7B];
	s0 =	simm.s32 @p0 $0x1  }
0x13: {  	[smem:$0x3F96] =	sst s0;
	s0 =	simm.s32 @!p1 $0x0  }
0x14: {  	s2 =	sld [smem:$0x3F7A];
	s0 =	simm.s32 @p1 $0x1  }
0x15: {  	[smem:$0x3F97] =	sst s0;
	s0 =	simm.s32 @!p2 $0x0  }
0x16: {  	s3 =	sld [smem:$0x3FDB];
	s0 =	simm.s32 @p2 $0x1  }
0x17: {  	s4 =	simm.s32 $0x1BF5;
	[smem:$0x3F99] =	sst s0  }
0x18: {  	s0 =	sld [smem:$0x3F7C];
	_ =	swait.ge [sflag:s4], $0x0  }
0x19: {  	s7 =	sld [smem:$0x3F7D]  }
0x1a: {  	s8 =	sadd.s32 $0xFFFFE003, lr  }
0x1b: {  	s9 =	sadd.s32 $0xFFFFFEF7, lr;
	s5 =	simm.s32 $0xFFFFFFFF;
	p2 =	slt.u32 s8, $0xFFFFF086  }
0x1c: {  	p1 =	slt.u32 s9, $0xF7A;
	s5 =	simm.s32 @!p2 $0x0  }
0x1d: {  	s5 =	simm.s32 @p1 $0x1;
	p0 =	seq.s32 s7, s2  }
0x1e: {  	s7 =	smul.u32 @!p0 $0xF7A, s2;
	p2 =	seq.s32 @!p0 s5, $0x0  }
0x1f: {  	s9 =	smul.u32 $0xF7A, s1;
	s8 =	simm.s32 @!p0 $0x1BF5;
	p2 =	por !p2, p0  }
0x20: {  	[sflag:s8] =	ssyncset.s32 @!p0 $0xFFFFF086;
	s6 =	sadd.s32 @!p0 s3, s7;
	s7 =	simm.s32 @!p0 $0x108  }
0x21: {  	s3 =	sadd.s32 s3, s9;
	s6 =	sadd.s32 @!p0 $0x88, s6;
	s7 =	simm.s32 @p2 $0x1082  }
0x22: {  	[simem:s7], [sflag:s8] =	dma.local @!p0 [hbm:s6], $0xF7A  }
0x23: {  	s9 =	sor.u32 $0xD0000000, s2;
	s6 =	simm.s32 $0x108;
	_ =	swait.ge @!p0 [sflag:s8], $0x0  }
0x24: {  	s3 =	sadd.s32 $0x88, s3;
	s6 =	simm.s32 @!p1 $0x1082;
	[sflag:s4] =	ssyncset.s32 $0xFFFFF086  }
0x25: {  	[simem:s6], [sflag:s4] =	dma.local [hbm:s3], $0xF7A  }
0x26: {  	[smem:$0x3F7D] =	sst s1;
	(tag) =	ssettag s2;
	_ =	strace s9  }
0x27: {  	s1 =	sld [smem:$0x3F8D]  }
0x28: {  	s2 =	sld [smem:$0x3F8E]  }
0x29: {  	s4 =	sld [smem:$0x3F90]  }
0x2a: {  	p0 =	seq.s32 s5, $0x0;
	s5 =	sld [smem:$0x3F91]  }
0x2b: {  	s6 =	sld [smem:$0x3F92]  }
0x2c: {  	s7 =	sld [smem:$0x3F93]  }
0x2d: {  	s3 =	simm.s32 $0x108;
	s8 =	sld [smem:$0x3F94]  }
0x2e: {  	s3 =	simm.s32 @!p0 $0x1082;
	s9 =	sld [smem:$0x3F95]  }
0x2f: {  	lr =	sadd.s32 s0, s3;
	s0 =	sld [smem:$0x3F8C]  }
0x30: {  	s3 =	sld [smem:$0x3F8F]  }
0x31: {  	[smem:$0x3F98] =	sst s10  }
0x32: {  	s10 =	sld [smem:$0x3F96];
	_ =	sdelay $0x3  }
0x33: {  	p0 =	seq.s32 s10, $0x1;
	s10 =	sld [smem:$0x3F98];
	_ =	sdelay $0x3  }
0x34: {  	[smem:$0x3F98] =	sst s10  }
0x35: {  	s10 =	sld [smem:$0x3F97];
	_ =	sdelay $0x3  }
0x36: {  	p1 =	seq.s32 s10, $0x1;
	s10 =	sld [smem:$0x3F98];
	_ =	sdelay $0x3  }
0x37: {  	[smem:$0x3F98] =	sst s10  }
0x38: {  	s10 =	sld [smem:$0x3F99]  }
0x39: {  	_ = 	snop;
	(pc) =	sbr.ind lr, $3  }
0x3a: {  	_ = 	snop  }
0x3b: {  	_ = 	snop  }
0x3c: {  	p2 =	seq.s32 s10, $0x1;
	s10 =	sld [smem:$0x3F98]  }
0x3d: {  	_ =	shalt  }
0x3e: {  	_ =	shalt  }
0x3f: {  	_ =	shalt  }
0x40: {  	_ =	shalt  }
0x41: {  	_ =	shalt  }
0x42: {  	_ =	shalt  }
0x43: {  	_ =	shalt  }
0x44: {  	_ =	shalt  }
0x45: {  	_ =	shalt  }
0x46: {  	_ =	shalt  }
0x47: {  	_ =	shalt  }
0x48: {  	_ =	shalt  }
0x49: {  	_ =	shalt  }
0x4a: {  	_ =	shalt  }
0x4b: {  	_ =	shalt  }
0x4c: {  	_ =	shalt  }
0x4d: {  	_ =	shalt  }
0x4e: {  	_ =	shalt  }
0x4f: {  	_ =	shalt  }
0x50: {  	_ =	shalt  }
0x51: {  	_ =	shalt  }
0x52: {  	_ =	shalt  }
0x53: {  	_ =	shalt  }
0x54: {  	_ =	shalt  }
0x55: {  	_ =	shalt  }
0x56: {  	_ =	shalt  }
0x57: {  	_ =	shalt  }
0x58: {  	_ =	shalt  }
0x59: {  	_ =	shalt  }
0x5a: {  	_ =	shalt  }
0x5b: {  	_ =	shalt  }
0x5c: {  	_ =	shalt  }
0x5d: {  	_ =	shalt  }
0x5e: {  	_ =	shalt  }
0x5f: {  	_ =	shalt  }
0x60: {  	_ =	shalt  }
0x61: {  	_ =	shalt  }
0x62: {  	_ =	shalt  }
0x63: {  	_ =	shalt  }
0x64: {  	_ =	shalt  }
0x65: {  	_ =	shalt  }
0x66: {  	_ =	shalt  }
0x67: {  	_ =	shalt  }
0x68: {  	_ =	shalt  }
0x69: {  	_ =	shalt  }
0x6a: {  	_ =	shalt  }
0x6b: {  	_ =	shalt  }
0x6c: {  	_ =	shalt  }
0x6d: {  	_ =	shalt  }
0x6e: {  	_ =	shalt  }
0x6f: {  	_ =	shalt  }
0x70: {  	_ =	shalt  }
0x71: {  	_ =	shalt  }
0x72: {  	_ =	shalt  }
0x73: {  	_ =	shalt  }
0x74: {  	_ =	shalt  }
0x75: {  	_ =	shalt  }
0x76: {  	_ =	shalt  }
0x77: {  	_ =	shalt  }
0x78: {  	_ =	shalt  }
0x79: {  	_ =	shalt  }
0x7a: {  	_ =	shalt  }
0x7b: {  	_ =	shalt  }
0x7c: {  	_ =	shalt  }
0x7d: {  	_ =	shalt  }
0x7e: {  	_ =	shalt  }
0x7f: {  	_ =	shalt  }
0x80: {  	_ =	shalt  }
0x81: {  	_ =	shalt  }
0x82: {  	_ =	shalt  }
0x83: {  	_ =	shalt  }
0x84: {  	_ =	shalt  }
0x85: {  	_ =	shalt  }
0x86: {  	_ =	shalt  }
0x87: {  	_ =	shalt  }
.Lfunc_end0:
.L_simem_size_0:
called_computation.2_lowered:
.L_overlay_start_0:
0x88: {  	s2 =	sld [smem:$0x3FD9]  }
0x89: {  	s3 =	sld [smem:$0x3FFE];
	_ =	sdelay $0x1  }
0x8a: {  	s1 =	srdreg.scid  }
0x8b: {  	s0 =	sand.u32 $0x1, s1  }
0x8c: {  	s16 =	sshll.u32 s0, $0xA;
	s2 =	sadd.s32 s3, s2  }
0x8d: {  	s2 =	sadd.s32 s2, s16  }
0x8e: {  	[smem:$0x3FA4] =	sst s2  }
0x8f: {  	_ = 	snop  }
0x90: {  	(tm) =	ssettm $0x1  }
0x91: {  	s17 =	sld [smem:$0x3FFB];
	_ =	sdelay $0x3  }
0x92: {  	_ =	strace s17  }
0x93: {  	s2 =	sld [smem:$0x3FFC];
	_ =	sdelay $0x3  }
0x94: {  	_ =	strace s2  }
0x95: {  	s2 =	sld [smem:$0x3FFD];
	_ =	sdelay $0x3  }
0x96: {  	_ =	strace s2  }
0x97: {  	_ =	strace $0x8FFFFFFF  }
0x98: {  	s18 =	sld [smem:$0x3FDB];
	_ =	sdelay $0x1  }
0x99: {  	s19 =	simm.s32 $_scs_section_size  }
0x9a: {  	s4 =	simm.s32 $_size__tile_overlayer_lowered;
	s5 =	simm.s32 $_tile_overlayer_lowered  }
0x9b: {  	s22 =	simm.s32 $0x1BFF;
	s21 =	sshll.u32 s5, $0x1;
	s2 =	sadd.s32 s19, s18  }
0x9c: {  	s6 =	simm.s32 $0x0;
	s20 =	sshll.u32 s4, $0x1;
	s4 =	sadd.s32 s21, s2  }
0x9d: {  	[timem:s6], [sflag:s22] =	dma.local [hbm:s4], s20  }
0x9e: {  	_ =	swait.ge [sflag:s22], s20  }
0x9f: {  	s3 =	ssub.s32 $0x0, s20;
	[sflag:s22] =	ssyncset.done $0x0  }
0xa0: {  	[sflag:s22] =	ssyncadd.s32 s3;
	_ =	sdelay $0x1  }
0xa1: {  	s23 =	simm.s32 $0x1B8B  }
0xa2: {  	_ =	swait.ge [sflag:s23], $0x1  }
0xa3: {  	[sflag:s23] =	ssyncset.done $0x0  }
0xa4: {  	s25 =	simm.s32 $0x1B8E;
	s24 =	sld [smem:$0x3FFE];
	[sflag:s23] =	ssyncadd.s32 $0xFFFFFFFF  }
0xa5: {  	s26 =	simm.s32 $execute0_lowered;
	[smem:$0x3FD2] =	sst s25  }
0xa6: {  	s4 =	sshll.u32 s26, $0x1;
	_ =	strace $0x80000049;
	[dreg:$0x1] =	wrdreg $0xFFFFFFFF  }
0xa7: {  	s28 =	simm.s32 $_size_execute0_lowered;
	s2 =	sadd.s32 s2, s4;
	[dreg:$0x0] =	wrdreg $0x0  }
0xa8: {  	s4 =	sshll.u32 s28, $0x1;
	[dreg:$0x2] =	wrdreg s2  }
0xa9: {  	[dreg:$0x3] =	wrdreg s4  }
0xaa: {  	[dreg:$0x4] =	wrdreg $0xC0  }
0xab: {  	_ =	task [dreg:s6], $0x5FFFF  }
0xac: {  	[dreg:$0x1] =	wrdreg $0xFFFFFFFF  }
0xad: {  	[dreg:$0x0] =	wrdreg $0x60  }
0xae: {  	[dreg:$0x2] =	wrdreg s24  }
0xaf: {  	[dreg:$0x3] =	wrdreg $0x9  }
0xb0: {  	_ =	task.clear_ibuf [dreg:s6], $0x4FFFF;
	_ =	strace $0x90000049  }
0xb1: {  	s29 =	simm.s32 $0x9;
	_ =	strace $0x8000004B  }
0xb2: {  	_ =	swait.ge [sflag:s29], $0x1  }
0xb3: {  	[sflag:s29] =	ssyncadd.s32 $0xFFFFFFFF  }
0xb4: {  	_ =	strace $0x9000004B  }
0xb5: {  	_ =	sfence  }
0xb6: {  	s30 =	sld [smem:$0x0];
	_ =	sdelay $0x2  }
0xb7: {  	s31 =	sshll.u32 s1, $0xD;
	s1 =	sshrl.u32 s1, $0x2  }
0xb8: {  	s3 =	sand.u32 $0x4000, s31;
	s1 =	sadd.s32 s1, s30  }
0xb9: {  	s0 =	sor.u32 s3, s0;
	s1 =	sshll.u32 s1, $0x11  }
0xba: {  	s0 =	sor.u32 s1, s0  }
0xbb: {  	s0 =	sadd.s32 $0x8F2B, s0  }
0xbc: {  	[sflag:s0] =	ssyncadd.remote.s32 $0x1  }
0xbd: {  	_ =	sfence.sel $0xFFFF  }
0xbe: {  	[dreg:$0x0] =	wrdreg $0xFFFFFFFF;
	(pc) =	sbr.abs _section_cstart, $3  }
0xbf: {  	[dreg:$0x1] =	wrdreg $0xFFFFFFFF  }
0xc0: {  	_ =	task.clear_ibuf [dreg:s6], $0x2FFFF;
	_ =	strace $0x9FFFFFFF  }
0xc1: {  	(tm) =	ssettm $0x7FFFFFFF  }
tec
execute0_lowered:
.L_overlay_start_1:
0x0: {  	(tag) =	ssettag $0x1  }
0x1: {  	s7 =	rddreg [dreg:$0x0]  }
0x2: {  	s0 =	rddreg [dreg:$0x1];
	_ =	strace $0x8000004A  }
0x3: {  	s1 =	srdreg.scid;
	s4 =	simm.s32 $0x1;
	s9 =	simm.s32 $0x3  }
0x4: {  	s12 =	simm.s32 $0x0;
	s10 =	simm.s32 $0x0;
	s5 =	sshll.u32 s1, $0x4  }
.Ltmp0:
0x5: {  	s1 =	stileid.u32;
	s5 =	sand.u32 $0x10, s5;
	(pc) =	sbr.rel .LBB2_1-.Ltmp0, $4  }
0x6: {  	s2 =	sadd.s32 $0x102800, s7;
	s3 =	sadd.s32 $0x227600, s7;
	s6 =	sor.u32 s1, s5  }
0x7: {  	[sflag:s4] =	ssyncpa.u1 $0x0;
	s5 =	simm.s32 $0x2;
	s6 =	sshll.u32 s6, $0x8  }
0x8: {  	s7 =	sadd.s32 $0x1728800, s7;
	[sflag:s5] =	ssyncpa.u1 $0x0;
	s8 =	sadd.s32 $0x100, s6  }
0x9: {  	vm0 =	vmmov $0xff;
	vm1 =	vcmask $0x3F20;
	[sflag:s9] =	ssyncpa.u1 $0x0;
	s9 =	simm.s32 $0x100;
	s11 =	smov.u32 s6  }
.LBB2_9:
0xa: {  	p0 =	seq.s32 s10, $0x2  }
.Ltmp1:
0xb: {  	_ = 	snop;
	(pc) =	sbr.rel @p0 .LBB2_11-.Ltmp1, $1  }
0xc: {  	_ =	sdelay $0x3  }
.LBB2_10:
0xd: {  	s12 =	sadd.s32 $0x100, s11  }
0xe: {  	s13 =	smov.u32 s6;
	p0 =	slt.s32 s12, s8  }
0xf: {  	s13 =	smov.u32 @p0 s12  }
0x10: {  	s10 =	sadd.s32 $0x1, s10;
	s12 =	smov.u32 s11;
	s11 =	smov.u32 s13  }
.LBB2_1:
0x11: {  	p0 =	sne.s32 s10, $0x0  }
.Ltmp2:
0x12: {  	_ = 	snop;
	(pc) =	sbr.rel @!p0 .LBB2_2-.Ltmp2, $1  }
0x13: {  	_ =	sdelay $0x3  }
0x14: {  	s13 =	sand.u32 $0x1, s10  }
0x15: {  	p0 =	seq.s32 s13, $0x0  }
.Ltmp3:
0x16: {  	_ = 	snop;
	(pc) =	sbr.rel @p0 .LBB2_9-.Ltmp3, $1  }
0x17: {  	_ =	sdelay $0x3  }
0x18: {  	_ =	swait.ge [sflag:s5], $0x100  }
0x19: {  	[sflag:s5] =	ssyncset.done $0x0  }
0x1a: {  	s13 =	simm.s32 $0x0;
	[sflag:s5] =	ssyncadd.s32 $0xFFFFFF00  }
0x1b: {  	v0 =	vld.msk [tilespmem:s13+$0x100 ss:$0x1], $0xffff;
	_ =	sdelay $0x4  }
0x1c: {  	v1 =	vshll.u32 v0, $0x3  }
0x1d: {  	vm2 =	veq.s32 v0, $0x80000000;
	v0 =	vshll.u32 v0, $0x13;
	v1 =	vand.u32 $0x7FF80, v1  }
0x1e: {  	v0 =	vand.u32 $0x780000, v0;
	v1 =	vsel vm2, $0xFFFFFF80, v1  }
0x1f: {  	v0 =	vsel vm2, $0xFFF80000, v0;
	v2 =	vand.u32 $0xFFFFFC00, v1  }
0x20: {  	v1 =	vand.u32 $0x380, v1;
	v0 =	vadd.s32 v0, v2  }
0x21: {  	v0 =	vor.u32 v1, v0  }
0x22: {  	v0 =	vshrl.u32 v0, $0x3;
	_ =	sdelay $0x3  }
0x23: {  	s13 =	simm.s32 $0x8200  }
0x24: {  	[tilespmem:s13], [sflag:$0x1] =	stream.indirect_vreg.gather [hbm:s2], $0x80, v0, vm0, $0x38;
	[tilespmem:$0x10200] =	vst v63  }
0x25: {  	s14 =	simm.s32 $0x8600;
	s31 =	simm.s32 $0x10  }
0x26: {  	[tilespmem:s14], [sflag:$0x1] =	stream.indirect_vreg.gather [hbm:s2], $0x80, v0, vm1, $0x38;
	[tilespmem:$0x10200] =	vst v63  }
0x27: {  	s14 =	simm.s32 $0x80;
	v0 =	vld.msk [tilespmem:s31+$0x100 ss:$0x1], $0xffff  }
.LBB2_5:
0x28: {  	p0 =	sne.s32 s14, $0x3C0;
	_ =	sdelay $0x4  }
0x29: {  	v1 =	vshll.u32 v0, $0x3  }
0x2a: {  	vm2 =	veq.s32 v0, $0x80000000;
	v0 =	vshll.u32 v0, $0x13;
	v1 =	vand.u32 $0x7FF80, v1  }
0x2b: {  	v0 =	vand.u32 $0x780000, v0;
	v1 =	vsel vm2, $0xFFFFFF80, v1  }
0x2c: {  	v0 =	vsel vm2, $0xFFF80000, v0;
	v2 =	vand.u32 $0xFFFFFC00, v1  }
0x2d: {  	v1 =	vand.u32 $0x380, v1;
	v0 =	vadd.s32 v0, v2  }
0x2e: {  	v0 =	vor.u32 v1, v0  }
0x2f: {  	v0 =	vshrl.u32 v0, $0x3;
	_ =	sdelay $0x3  }
.Ltmp4:
0x30: {  	s13 =	sadd.s32 $0x800, s13;
	(pc) =	sbr.rel @p0 .LBB2_5-.Ltmp4, $4  }
0x31: {  	[tilespmem:s13], [sflag:$0x1] =	stream.indirect_vreg.gather [hbm:s2], $0x80, v0, vm0, $0x38;
	[tilespmem:$0x10200] =	vst v63  }
0x32: {  	s15 =	sshra.s32 s14, $0x2;
	s16 =	sadd.s32 $0x400, s13  }
0x33: {  	[tilespmem:s16], [sflag:$0x1] =	stream.indirect_vreg.gather [hbm:s2], $0x80, v0, vm1, $0x38;
	[tilespmem:$0x10200] =	vst v63  }
0x34: {  	s14 =	sadd.s32 $0x40, s14;
	v0 =	vld.msk [tilespmem:s15+$0x100 ss:$0x1], $0xffff  }
0x35: {  	_ =	sdelay $0x3  }
0x36: {  	v1 =	vshll.u32 v0, $0x3  }
0x37: {  	vm2 =	veq.s32 v0, $0x80000000;
	v63 =	vshll.u32 v0, $0x13;
	v1 =	vand.u32 $0x7FF80, v1  }
0x38: {  	v0 =	vand.u32 $0x780000, v63;
	v1 =	vsel vm2, $0xFFFFFF80, v1  }
0x39: {  	v0 =	vsel vm2, $0xFFF80000, v0;
	v2 =	vand.u32 $0xFFFFFC00, v1  }
0x3a: {  	v1 =	vand.u32 $0x380, v1;
	v0 =	vadd.s32 v0, v2  }
0x3b: {  	v0 =	vor.u32 v1, v0  }
0x3c: {  	v0 =	vshrl.u32 v0, $0x3;
	_ =	sdelay $0x3  }
0x3d: {  	s13 =	sadd.s32 $0x800, s13  }
0x3e: {  	[tilespmem:s13], [sflag:$0x1] =	stream.indirect_vreg.gather [hbm:s2], $0x80, v0, vm0, $0x38;
	[tilespmem:$0x10200] =	vst v63  }
0x3f: {  	s13 =	sadd.s32 $0x400, s13  }
0x40: {  	[tilespmem:s13], [sflag:$0x1] =	stream.indirect_vreg.gather [hbm:s2], $0x80, v0, vm1, $0x38;
	[tilespmem:$0x10200] =	vst v63  }
0x41: {  	s12 =	sshll.u32 s12, $0x4;
	s14 =	simm.s32 $0x80;
	_ =	swait.ge [sflag:s4], $0x8000  }
0x42: {  	s15 =	simm.s32 $0x8600;
	s12 =	sadd.s32 s12, s7;
	[sflag:s4] =	ssyncset.done $0x0  }
0x43: {  	s16 =	sadd.s32 $0x0, s12;
	s13 =	simm.s32 $0x8200;
	[sflag:s4] =	ssyncadd.s32 $0xFFFF8000  }
.LBB2_7:
0x44: {  	[hbm:s16] =	stream.linear.scatter [tilespmem:s13], [sflag:$0x3], $0x400, $0x38;
	[tilespmem:$0x10200] =	vst v63  }
0x45: {  	s16 =	smov.u32 s14;
	s13 =	smov.u32 s15;
	p0 =	sne.s32 s14, $0xF80  }
.Ltmp5:
0x46: {  	s14 =	sadd.s32 $0x80, s14;
	(pc) =	sbr.rel @p0 .LBB2_7-.Ltmp5, $2  }
0x47: {  	_ =	sdelay $0x2  }
0x48: {  	s15 =	sadd.s32 $0x400, s15;
	s16 =	sadd.s32 s16, s12  }
.Ltmp6:
0x49: {  	(pc) =	sbr.rel .LBB2_9-.Ltmp6, $2  }
0x4a: {  	_ =	sdelay $0x2  }
0x4b: {  	[hbm:s16] =	stream.linear.scatter [tilespmem:s13], [sflag:$0x3], $0x400, $0x38;
	[tilespmem:$0x10200] =	vst v63  }
.LBB2_2:
.Ltmp7:
0x4c: {  	(pc) =	sbr.rel .LBB2_10-.Ltmp7, $4  }
0x4d: {  	_ = 	snop  }
0x4e: {  	s12 =	sshrl.u32 s11, $0x3  }
0x4f: {  	s13 =	sand.u32 $0x7, s11;
	s12 =	sadd.s32 s3, s12  }
0x50: {  	[tilespmem:s9], [sflag:$0x2] =	stream.linear.gather [hbm4b:s12+s13], $0x100, $0x38;
	[tilespmem:$0x10200] =	vst v63  }
.LBB2_11:
0x51: {  	s2 =	simm.s32 $0x3  }
0x52: {  	_ =	swait.ge [sflag:s2], $0x8000  }
0x53: {  	[sflag:s2] =	ssyncset.done $0x0  }
0x54: {  	[sflag:s2] =	ssyncadd.s32 $0xFFFF8000  }
0x55: {  	_ =	sfence.sel $0x180000  }
0x56: {  	s3 =	simm.s32 $0x2;
	[bflag:$0x0] =	sbarrier.arrive $0xFFFF  }
0x57: {  	[sflag:s3] =	ssyncpa.u1 $0x1  }
0x58: {  	s31 =	simm.s32 $0x1;
	[sflag:s2] =	ssyncpa.u1 $0x1  }
0x59: {  	[sflag:s31] =	ssyncpa.u1 $0x1  }
0x5a: {  	p0 =	sne.s32 s1, $0x0;
	_ =	strace $0x9000004A  }
0x5b: {  	s0 =	sadd.s32 @!p0 $0x100000, s0;
	[bflag:$0x2] =	sbarrier.arrive $0xFFFF  }
0x5c: {  	[sflag:s0] =	ssyncadd.tile.s32 @!p0 $0x1;
	_ =	shalt  }
.Lfunc_end2:
_tile_overlayer_lowered:
.L_overlay_start_2:
0x5d: {  	(tag) =	ssettag $0x2  }
0x5e: {  	s0 =	rddreg [dreg:$0x0];
	s2 =	stileid.u32  }
0x5f: {  	s1 =	rddreg [dreg:$0x1];
	p0 =	sne.s32 s2, $0x0  }
0x60: {  	s3 =	rddreg [dreg:$0x2];
	[bflag:$0x3] =	sbarrier.arrive $0xFFFF;
	s2 =	simm.s32 @!p0 $0x1C01  }
0x61: {  	[timem:s3], [sflag:s2] =	dma.local @!p0 [hbm:s0], s1  }
0x62: {  	s0 =	simm.s32 @!p0 $0x1  }
0x63: {  	_ =	swait.ge @!p0 [sflag:s0], s1  }
0x64: {  	s1 =	ssub.s32 @!p0 $0x0, s1;
	[sflag:s0] =	ssyncset.done @!p0 $0x0  }
0x65: {  	[sflag:s0] =	ssyncadd.s32 @!p0 s1  }
0x66: {  	[bflag:$0x3] =	sbarrier.arrive $0xFFFF  }
0x67: {  	_ =	shalt  }

// kernel: gather_offload_async_start.3
scs
__scs_entry_jumppad:
0x0: {  	(pc) =	sbr.rel $0x88, $3  }
0x1: {  	(tag) =	ssettag $0x0;
	lr =	simm.s32 $0x1  }
0x2: {  	[smem:$0x3F7D] =	sst lr;
	_ =	strace $0xD0000000  }
0x3: {  	_ = 	snop  }
0x4: {  	_ = 	snop  }
0x5: {  	_ = 	snop  }
0x6: {  	_ = 	snop  }
0x7: {  	_ = 	snop  }
__scs_overlays_trampoline_lowered:
0x8: {  	[smem:$0x3F8C] =	sst s0  }
0x9: {  	[smem:$0x3F8D] =	sst s1  }
0xa: {  	[smem:$0x3F8E] =	sst s2  }
0xb: {  	[smem:$0x3F8F] =	sst s3  }
0xc: {  	[smem:$0x3F90] =	sst s4  }
0xd: {  	[smem:$0x3F91] =	sst s5  }
0xe: {  	[smem:$0x3F92] =	sst s6  }
0xf: {  	[smem:$0x3F93] =	sst s7  }
0x10: {  	[smem:$0x3F94] =	sst s8  }
0x11: {  	[smem:$0x3F95] =	sst s9;
	s0 =	simm.s32 @!p0 $0x0  }
0x12: {  	s1 =	sld [smem:$0x3F7B];
	s0 =	simm.s32 @p0 $0x1  }
0x13: {  	[smem:$0x3F96] =	sst s0;
	s0 =	simm.s32 @!p1 $0x0  }
0x14: {  	s2 =	sld [smem:$0x3F7A];
	s0 =	simm.s32 @p1 $0x1  }
0x15: {  	[smem:$0x3F97] =	sst s0;
	s0 =	simm.s32 @!p2 $0x0  }
0x16: {  	s3 =	sld [smem:$0x3FDB];
	s0 =	simm.s32 @p2 $0x1  }
0x17: {  	s4 =	simm.s32 $0x1BF5;
	[smem:$0x3F99] =	sst s0  }
0x18: {  	s0 =	sld [smem:$0x3F7C];
	_ =	swait.ge [sflag:s4], $0x0  }
0x19: {  	s7 =	sld [smem:$0x3F7D]  }
0x1a: {  	s8 =	sadd.s32 $0xFFFFE003, lr  }
0x1b: {  	s9 =	sadd.s32 $0xFFFFFEF7, lr;
	s5 =	simm.s32 $0xFFFFFFFF;
	p2 =	slt.u32 s8, $0xFFFFF086  }
0x1c: {  	p1 =	slt.u32 s9, $0xF7A;
	s5 =	simm.s32 @!p2 $0x0  }
0x1d: {  	s5 =	simm.s32 @p1 $0x1;
	p0 =	seq.s32 s7, s2  }
0x1e: {  	s7 =	smul.u32 @!p0 $0xF7A, s2;
	p2 =	seq.s32 @!p0 s5, $0x0  }
0x1f: {  	s9 =	smul.u32 $0xF7A, s1;
	s8 =	simm.s32 @!p0 $0x1BF5;
	p2 =	por !p2, p0  }
0x20: {  	[sflag:s8] =	ssyncset.s32 @!p0 $0xFFFFF086;
	s6 =	sadd.s32 @!p0 s3, s7;
	s7 =	simm.s32 @!p0 $0x108  }
0x21: {  	s3 =	sadd.s32 s3, s9;
	s6 =	sadd.s32 @!p0 $0x88, s6;
	s7 =	simm.s32 @p2 $0x1082  }
0x22: {  	[simem:s7], [sflag:s8] =	dma.local @!p0 [hbm:s6], $0xF7A  }
0x23: {  	s9 =	sor.u32 $0xD0000000, s2;
	s6 =	simm.s32 $0x108;
	_ =	swait.ge @!p0 [sflag:s8], $0x0  }
0x24: {  	s3 =	sadd.s32 $0x88, s3;
	s6 =	simm.s32 @!p1 $0x1082;
	[sflag:s4] =	ssyncset.s32 $0xFFFFF086  }
0x25: {  	[simem:s6], [sflag:s4] =	dma.local [hbm:s3], $0xF7A  }
0x26: {  	[smem:$0x3F7D] =	sst s1;
	(tag) =	ssettag s2;
	_ =	strace s9  }
0x27: {  	s1 =	sld [smem:$0x3F8D]  }
0x28: {  	s2 =	sld [smem:$0x3F8E]  }
0x29: {  	s4 =	sld [smem:$0x3F90]  }
0x2a: {  	p0 =	seq.s32 s5, $0x0;
	s5 =	sld [smem:$0x3F91]  }
0x2b: {  	s6 =	sld [smem:$0x3F92]  }
0x2c: {  	s7 =	sld [smem:$0x3F93]  }
0x2d: {  	s3 =	simm.s32 $0x108;
	s8 =	sld [smem:$0x3F94]  }
0x2e: {  	s3 =	simm.s32 @!p0 $0x1082;
	s9 =	sld [smem:$0x3F95]  }
0x2f: {  	lr =	sadd.s32 s0, s3;
	s0 =	sld [smem:$0x3F8C]  }
0x30: {  	s3 =	sld [smem:$0x3F8F]  }
0x31: {  	[smem:$0x3F98] =	sst s10  }
0x32: {  	s10 =	sld [smem:$0x3F96];
	_ =	sdelay $0x3  }
0x33: {  	p0 =	seq.s32 s10, $0x1;
	s10 =	sld [smem:$0x3F98];
	_ =	sdelay $0x3  }
0x34: {  	[smem:$0x3F98] =	sst s10  }
0x35: {  	s10 =	sld [smem:$0x3F97];
	_ =	sdelay $0x3  }
0x36: {  	p1 =	seq.s32 s10, $0x1;
	s10 =	sld [smem:$0x3F98];
	_ =	sdelay $0x3  }
0x37: {  	[smem:$0x3F98] =	sst s10  }
0x38: {  	s10 =	sld [smem:$0x3F99]  }
0x39: {  	_ = 	snop;
	(pc) =	sbr.ind lr, $3  }
0x3a: {  	_ = 	snop  }
0x3b: {  	_ = 	snop  }
0x3c: {  	p2 =	seq.s32 s10, $0x1;
	s10 =	sld [smem:$0x3F98]  }
0x3d: {  	_ =	shalt  }
0x3e: {  	_ =	shalt  }
0x3f: {  	_ =	shalt  }
0x40: {  	_ =	shalt  }
0x41: {  	_ =	shalt  }
0x42: {  	_ =	shalt  }
0x43: {  	_ =	shalt  }
0x44: {  	_ =	shalt  }
0x45: {  	_ =	shalt  }
0x46: {  	_ =	shalt  }
0x47: {  	_ =	shalt  }
0x48: {  	_ =	shalt  }
0x49: {  	_ =	shalt  }
0x4a: {  	_ =	shalt  }
0x4b: {  	_ =	shalt  }
0x4c: {  	_ =	shalt  }
0x4d: {  	_ =	shalt  }
0x4e: {  	_ =	shalt  }
0x4f: {  	_ =	shalt  }
0x50: {  	_ =	shalt  }
0x51: {  	_ =	shalt  }
0x52: {  	_ =	shalt  }
0x53: {  	_ =	shalt  }
0x54: {  	_ =	shalt  }
0x55: {  	_ =	shalt  }
0x56: {  	_ =	shalt  }
0x57: {  	_ =	shalt  }
0x58: {  	_ =	shalt  }
0x59: {  	_ =	shalt  }
0x5a: {  	_ =	shalt  }
0x5b: {  	_ =	shalt  }
0x5c: {  	_ =	shalt  }
0x5d: {  	_ =	shalt  }
0x5e: {  	_ =	shalt  }
0x5f: {  	_ =	shalt  }
0x60: {  	_ =	shalt  }
0x61: {  	_ =	shalt  }
0x62: {  	_ =	shalt  }
0x63: {  	_ =	shalt  }
0x64: {  	_ =	shalt  }
0x65: {  	_ =	shalt  }
0x66: {  	_ =	shalt  }
0x67: {  	_ =	shalt  }
0x68: {  	_ =	shalt  }
0x69: {  	_ =	shalt  }
0x6a: {  	_ =	shalt  }
0x6b: {  	_ =	shalt  }
0x6c: {  	_ =	shalt  }
0x6d: {  	_ =	shalt  }
0x6e: {  	_ =	shalt  }
0x6f: {  	_ =	shalt  }
0x70: {  	_ =	shalt  }
0x71: {  	_ =	shalt  }
0x72: {  	_ =	shalt  }
0x73: {  	_ =	shalt  }
0x74: {  	_ =	shalt  }
0x75: {  	_ =	shalt  }
0x76: {  	_ =	shalt  }
0x77: {  	_ =	shalt  }
0x78: {  	_ =	shalt  }
0x79: {  	_ =	shalt  }
0x7a: {  	_ =	shalt  }
0x7b: {  	_ =	shalt  }
0x7c: {  	_ =	shalt  }
0x7d: {  	_ =	shalt  }
0x7e: {  	_ =	shalt  }
0x7f: {  	_ =	shalt  }
0x80: {  	_ =	shalt  }
0x81: {  	_ =	shalt  }
0x82: {  	_ =	shalt  }
0x83: {  	_ =	shalt  }
0x84: {  	_ =	shalt  }
0x85: {  	_ =	shalt  }
0x86: {  	_ =	shalt  }
0x87: {  	_ =	shalt  }
.Lfunc_end0:
.L_simem_size_0:
called_computation.3_lowered:
.L_overlay_start_0:
0x88: {  	s2 =	sld [smem:$0x3FD9]  }
0x89: {  	s3 =	sld [smem:$0x3FFE];
	_ =	sdelay $0x1  }
0x8a: {  	s1 =	srdreg.scid  }
0x8b: {  	s0 =	sand.u32 $0x1, s1  }
0x8c: {  	s17 =	sshll.u32 s0, $0xA;
	s2 =	sadd.s32 s3, s2  }
0x8d: {  	s2 =	sadd.s32 s2, s17  }
0x8e: {  	[smem:$0x3FA4] =	sst s2  }
0x8f: {  	_ = 	snop  }
0x90: {  	s2 =	sld [smem:$0x3FD0];
	(tm) =	ssettm $0x1  }
0x91: {  	s18 =	sld [smem:$0x3FFB];
	_ =	sdelay $0x3  }
0x92: {  	_ =	strace s18  }
0x93: {  	s3 =	sld [smem:$0x3FFC];
	_ =	sdelay $0x3  }
0x94: {  	_ =	strace s3  }
0x95: {  	s3 =	sld [smem:$0x3FFD];
	_ =	sdelay $0x3  }
0x96: {  	_ =	strace s3  }
0x97: {  	_ =	strace $0x8FFFFFFF  }
0x98: {  	s19 =	sld [smem:$0x3FDB];
	_ =	sdelay $0x1  }
0x99: {  	s4 =	simm.s32 $_scs_section_size  }
0x9a: {  	s5 =	simm.s32 $_size__tile_overlayer_lowered;
	s6 =	simm.s32 $_tile_overlayer_lowered  }
0x9b: {  	s22 =	simm.s32 $0x1BFF;
	s21 =	sshll.u32 s6, $0x1;
	s3 =	sadd.s32 s4, s19  }
0x9c: {  	s7 =	simm.s32 $0x0;
	s20 =	sshll.u32 s5, $0x1;
	s5 =	sadd.s32 s21, s3  }
0x9d: {  	[timem:s7], [sflag:s22] =	dma.local [hbm:s5], s20  }
0x9e: {  	_ =	swait.ge [sflag:s22], s20  }
0x9f: {  	s4 =	ssub.s32 $0x0, s20;
	[sflag:s22] =	ssyncset.done $0x0  }
0xa0: {  	[sflag:s22] =	ssyncadd.s32 s4;
	_ =	sdelay $0x1  }
0xa1: {  	s23 =	simm.s32 $0x1B8B  }
0xa2: {  	_ =	swait.ge [sflag:s23], $0x1  }
0xa3: {  	[sflag:s23] =	ssyncset.done $0x0  }
0xa4: {  	s25 =	simm.s32 $0x1B8E;
	s24 =	sld [smem:$0x3FFE];
	[sflag:s23] =	ssyncadd.s32 $0xFFFFFFFF  }
0xa5: {  	s26 =	simm.s32 $execute0_lowered;
	[smem:$0x3FD2] =	sst s25  }
0xa6: {  	s5 =	sshll.u32 s26, $0x1;
	_ =	strace $0x80000055;
	[dreg:$0x1] =	wrdreg $0xFFFFFFFF  }
0xa7: {  	s28 =	simm.s32 $_size_execute0_lowered;
	s3 =	sadd.s32 s3, s5;
	[dreg:$0x0] =	wrdreg $0x0  }
0xa8: {  	s5 =	sshll.u32 s28, $0x1;
	[dreg:$0x2] =	wrdreg s3  }
0xa9: {  	[dreg:$0x3] =	wrdreg s5  }
0xaa: {  	[dreg:$0x4] =	wrdreg $0xC0  }
0xab: {  	_ =	task [dreg:s7], $0x5FFFF  }
0xac: {  	[dreg:$0x1] =	wrdreg $0xFFFFFFFF  }
0xad: {  	[dreg:$0x0] =	wrdreg $0x60  }
0xae: {  	[dreg:$0x2] =	wrdreg s24  }
0xaf: {  	[dreg:$0x3] =	wrdreg s2  }
0xb0: {  	[dreg:$0x4] =	wrdreg $0x9  }
0xb1: {  	_ =	task.clear_ibuf [dreg:s7], $0x5FFFF;
	_ =	strace $0x90000055  }
0xb2: {  	s29 =	simm.s32 $0x9;
	_ =	strace $0x80000057  }
0xb3: {  	_ =	swait.ge [sflag:s29], $0x1  }
0xb4: {  	[sflag:s29] =	ssyncadd.s32 $0xFFFFFFFF  }
0xb5: {  	_ =	strace $0x90000057  }
0xb6: {  	_ =	sfence  }
0xb7: {  	s30 =	sld [smem:$0x0];
	_ =	sdelay $0x2  }
0xb8: {  	s31 =	sshll.u32 s1, $0xD;
	s1 =	sshrl.u32 s1, $0x2  }
0xb9: {  	s3 =	sand.u32 $0x4000, s31;
	s1 =	sadd.s32 s1, s30  }
0xba: {  	s0 =	sor.u32 s3, s0;
	s1 =	sshll.u32 s1, $0x11  }
0xbb: {  	s0 =	sor.u32 s1, s0  }
0xbc: {  	s0 =	sadd.s32 $0x8F2B, s0  }
0xbd: {  	[sflag:s0] =	ssyncadd.remote.s32 $0x1  }
0xbe: {  	_ =	sfence.sel $0xFFFF  }
0xbf: {  	[dreg:$0x0] =	wrdreg $0xFFFFFFFF;
	(pc) =	sbr.abs _section_cstart, $3  }
0xc0: {  	[dreg:$0x1] =	wrdreg $0xFFFFFFFF  }
0xc1: {  	_ =	task.clear_ibuf [dreg:s7], $0x2FFFF;
	_ =	strace $0x9FFFFFFF  }
0xc2: {  	(tm) =	ssettm $0x7FFFFFFF  }
0xc3: {  	_ =	shalt  }
tec
execute0_lowered:
.L_overlay_start_1:
0x0: {  	(tag) =	ssettag $0x1  }
0x1: {  	s7 =	rddreg [dreg:$0x0]  }
0x2: {  	s2 =	rddreg [dreg:$0x1]  }
0x3: {  	s0 =	rddreg [dreg:$0x2]  }
0x4: {  	s1 =	srdreg.scid;
	_ =	strace $0x80000056;
	s4 =	simm.s32 $0x1  }
0x5: {  	s9 =	simm.s32 $0x3;
	s12 =	simm.s32 $0x0;
	s5 =	sshll.u32 s1, $0x4  }
.Ltmp0:
0x6: {  	s1 =	stileid.u32;
	s5 =	sand.u32 $0x10, s5;
	(pc) =	sbr.rel .LBB2_1-.Ltmp0, $4  }
0x7: {  	s10 =	simm.s32 $0x0;
	s3 =	sadd.s32 $0x1728800, s7;
	s6 =	sor.u32 s1, s5  }
0x8: {  	[sflag:s4] =	ssyncpa.u1 $0x0;
	s5 =	simm.s32 $0x2;
	s6 =	sshll.u32 s6, $0x6  }
0x9: {  	s7 =	sadd.s32 $0x224200, s7;
	[sflag:s5] =	ssyncpa.u1 $0x0;
	s8 =	sadd.s32 $0x40, s6  }
0xa: {  	vm0 =	vmmov $0xff;
	vm1 =	vcmask $0x3F20;
	[sflag:s9] =	ssyncpa.u1 $0x0;
	s9 =	simm.s32 $0x40;
	s11 =	smov.u32 s6  }
.LBB2_9:
0xb: {  	p0 =	seq.s32 s10, $0x2  }
.Ltmp1:
0xc: {  	_ = 	snop;
	(pc) =	sbr.rel @p0 .LBB2_11-.Ltmp1, $1  }
0xd: {  	_ =	sdelay $0x3  }
.LBB2_10:
0xe: {  	s12 =	sadd.s32 $0x40, s11  }
0xf: {  	s13 =	smov.u32 s6;
	p0 =	slt.s32 s12, s8  }
0x10: {  	s13 =	smov.u32 @p0 s12  }
0x11: {  	s10 =	sadd.s32 $0x1, s10;
	s12 =	smov.u32 s11;
	s11 =	smov.u32 s13  }
.LBB2_1:
0x12: {  	p0 =	sne.s32 s10, $0x0  }
.Ltmp2:
0x13: {  	_ = 	snop;
	(pc) =	sbr.rel @!p0 .LBB2_2-.Ltmp2, $1  }
0x14: {  	_ =	sdelay $0x3  }
0x15: {  	s13 =	sand.u32 $0x1, s10  }
0x16: {  	p0 =	seq.s32 s13, $0x0  }
.Ltmp3:
0x17: {  	_ = 	snop;
	(pc) =	sbr.rel @p0 .LBB2_9-.Ltmp3, $1  }
0x18: {  	_ =	sdelay $0x3  }
0x19: {  	_ =	swait.ge [sflag:s5], $0x40  }
0x1a: {  	[sflag:s5] =	ssyncset.done $0x0  }
0x1b: {  	s13 =	simm.s32 $0x0;
	[sflag:s5] =	ssyncadd.s32 $0xFFFFFFC0  }
0x1c: {  	v0 =	vld.msk [tilespmem:s13+$0x40 ss:$0x1], $0xffff;
	_ =	sdelay $0x4  }
0x1d: {  	v1 =	vshll.u32 v0, $0x3  }
0x1e: {  	vm2 =	veq.s32 v0, $0x80000000;
	v0 =	vshll.u32 v0, $0x10;
	v1 =	vand.u32 $0xFF80, v1  }
0x1f: {  	v0 =	vand.u32 $0xF0000, v0;
	v1 =	vsel vm2, $0xFFFFFF80, v1  }
0x20: {  	v0 =	vsel vm2, $0xFFFF0000, v0;
	v2 =	vand.u32 $0xFFFFFC00, v1  }
0x21: {  	v1 =	vand.u32 $0x380, v1;
	v0 =	vadd.s32 v0, v2  }
0x22: {  	v0 =	vor.u32 v1, v0  }
0x23: {  	v0 =	vshrl.u32 v0, $0x3;
	_ =	sdelay $0x3  }
0x24: {  	s13 =	simm.s32 $0x2080  }
0x25: {  	[tilespmem:s13], [sflag:$0x1] =	stream.indirect_vreg.gather [hbm:s3], $0x80, v0, vm0, $0x38;
	[tilespmem:$0x4080] =	vst v63  }
0x26: {  	s14 =	simm.s32 $0x2480;
	s31 =	simm.s32 $0x10  }
0x27: {  	[tilespmem:s14], [sflag:$0x1] =	stream.indirect_vreg.gather [hbm:s3], $0x80, v0, vm1, $0x38;
	[tilespmem:$0x4080] =	vst v63  }
0x28: {  	s14 =	simm.s32 $0x80;
	v0 =	vld.msk [tilespmem:s31+$0x40 ss:$0x1], $0xffff  }
.LBB2_5:
0x29: {  	p0 =	sne.s32 s14, $0xC0;
	_ =	sdelay $0x4  }
0x2a: {  	v1 =	vshll.u32 v0, $0x3  }
0x2b: {  	vm2 =	veq.s32 v0, $0x80000000;
	v0 =	vshll.u32 v0, $0x10;
	v1 =	vand.u32 $0xFF80, v1  }
0x2c: {  	v0 =	vand.u32 $0xF0000, v0;
	v1 =	vsel vm2, $0xFFFFFF80, v1  }
0x2d: {  	v0 =	vsel vm2, $0xFFFF0000, v0;
	v2 =	vand.u32 $0xFFFFFC00, v1  }
0x2e: {  	v1 =	vand.u32 $0x380, v1;
	v0 =	vadd.s32 v0, v2  }
0x2f: {  	v0 =	vor.u32 v1, v0  }
0x30: {  	v0 =	vshrl.u32 v0, $0x3;
	_ =	sdelay $0x3  }
.Ltmp4:
0x31: {  	s13 =	sadd.s32 $0x800, s13;
	(pc) =	sbr.rel @p0 .LBB2_5-.Ltmp4, $4  }
0x32: {  	[tilespmem:s13], [sflag:$0x1] =	stream.indirect_vreg.gather [hbm:s3], $0x80, v0, vm0, $0x38;
	[tilespmem:$0x4080] =	vst v63  }
0x33: {  	s15 =	sshra.s32 s14, $0x2;
	s16 =	sadd.s32 $0x400, s13  }
0x34: {  	[tilespmem:s16], [sflag:$0x1] =	stream.indirect_vreg.gather [hbm:s3], $0x80, v0, vm1, $0x38;
	[tilespmem:$0x4080] =	vst v63  }
0x35: {  	s14 =	sadd.s32 $0x40, s14;
	v0 =	vld.msk [tilespmem:s15+$0x40 ss:$0x1], $0xffff  }
0x36: {  	_ =	sdelay $0x3  }
0x37: {  	v1 =	vshll.u32 v0, $0x3  }
0x38: {  	vm2 =	veq.s32 v0, $0x80000000;
	v63 =	vshll.u32 v0, $0x10;
	v1 =	vand.u32 $0xFF80, v1  }
0x39: {  	v0 =	vand.u32 $0xF0000, v63;
	v1 =	vsel vm2, $0xFFFFFF80, v1  }
0x3a: {  	v0 =	vsel vm2, $0xFFFF0000, v0;
	v2 =	vand.u32 $0xFFFFFC00, v1  }
0x3b: {  	v1 =	vand.u32 $0x380, v1;
	v0 =	vadd.s32 v0, v2  }
0x3c: {  	v0 =	vor.u32 v1, v0  }
0x3d: {  	v0 =	vshrl.u32 v0, $0x3;
	_ =	sdelay $0x3  }
0x3e: {  	s13 =	sadd.s32 $0x800, s13  }
0x3f: {  	[tilespmem:s13], [sflag:$0x1] =	stream.indirect_vreg.gather [hbm:s3], $0x80, v0, vm0, $0x38;
	[tilespmem:$0x4080] =	vst v63  }
0x40: {  	s13 =	sadd.s32 $0x400, s13  }
0x41: {  	[tilespmem:s13], [sflag:$0x1] =	stream.indirect_vreg.gather [hbm:s3], $0x80, v0, vm1, $0x38;
	[tilespmem:$0x4080] =	vst v63  }
0x42: {  	s12 =	sshll.u32 s12, $0x4;
	s14 =	simm.s32 $0x80;
	_ =	swait.ge [sflag:s4], $0x2000  }
0x43: {  	s15 =	simm.s32 $0x2480;
	s12 =	sadd.s32 s12, s2;
	[sflag:s4] =	ssyncset.done $0x0  }
0x44: {  	s16 =	sadd.s32 $0x0, s12;
	s13 =	simm.s32 $0x2080;
	[sflag:s4] =	ssyncadd.s32 $0xFFFFE000  }
.LBB2_7:
0x45: {  	[hbm:s16] =	stream.linear.scatter [tilespmem:s13], [sflag:$0x3], $0x400, $0x38;
	[tilespmem:$0x4080] =	vst v63  }
0x46: {  	s16 =	smov.u32 s14;
	s13 =	smov.u32 s15;
	p0 =	sne.s32 s14, $0x380  }
.Ltmp5:
0x47: {  	s14 =	sadd.s32 $0x80, s14;
	(pc) =	sbr.rel @p0 .LBB2_7-.Ltmp5, $2  }
0x48: {  	_ =	sdelay $0x2  }
0x49: {  	s15 =	sadd.s32 $0x400, s15;
	s16 =	sadd.s32 s16, s12  }
.Ltmp6:
0x4a: {  	(pc) =	sbr.rel .LBB2_9-.Ltmp6, $2  }
0x4b: {  	_ =	sdelay $0x2  }
0x4c: {  	[hbm:s16] =	stream.linear.scatter [tilespmem:s13], [sflag:$0x3], $0x400, $0x38;
	[tilespmem:$0x4080] =	vst v63  }
.LBB2_2:
.Ltmp7:
0x4d: {  	(pc) =	sbr.rel .LBB2_10-.Ltmp7, $4  }
0x4e: {  	_ = 	snop  }
0x4f: {  	s12 =	sshrl.u32 s11, $0x3  }
0x50: {  	s13 =	sand.u32 $0x7, s11;
	s12 =	sadd.s32 s7, s12  }
0x51: {  	[tilespmem:s9], [sflag:$0x2] =	stream.linear.gather [hbm4b:s12+s13], $0x40, $0x38;
	[tilespmem:$0x4080] =	vst v63  }
.LBB2_11:
0x52: {  	s2 =	simm.s32 $0x3  }
0x53: {  	_ =	swait.ge [sflag:s2], $0x2000  }
0x54: {  	[sflag:s2] =	ssyncset.done $0x0  }
0x55: {  	[sflag:s2] =	ssyncadd.s32 $0xFFFFE000  }
0x56: {  	_ =	sfence.sel $0x180000  }
0x57: {  	s3 =	simm.s32 $0x2;
	[bflag:$0x0] =	sbarrier.arrive $0xFFFF  }
0x58: {  	[sflag:s3] =	ssyncpa.u1 $0x1  }
0x59: {  	s31 =	simm.s32 $0x1;
	[sflag:s2] =	ssyncpa.u1 $0x1  }
0x5a: {  	[sflag:s31] =	ssyncpa.u1 $0x1  }
0x5b: {  	p0 =	sne.s32 s1, $0x0;
	_ =	strace $0x90000056  }
0x5c: {  	s0 =	sadd.s32 @!p0 $0x100000, s0;
	[bflag:$0x2] =	sbarrier.arrive $0xFFFF  }
0x5d: {  	[sflag:s0] =	ssyncadd.tile.s32 @!p0 $0x1;
	_ =	shalt  }
.Lfunc_end2:
_tile_overlayer_lowered:
.L_overlay_start_2:
0x5e: {  	(tag) =	ssettag $0x2  }
0x5f: {  	s0 =	rddreg [dreg:$0x0];
	s2 =	stileid.u32  }
0x60: {  	s1 =	rddreg [dreg:$0x1];
	p0 =	sne.s32 s2, $0x0  }
0x61: {  	s3 =	rddreg [dreg:$0x2];
	[bflag:$0x3] =	sbarrier.arrive $0xFFFF;
	s2 =	simm.s32 @!p0 $0x1C01  }
0x62: {  	[timem:s3], [sflag:s2] =	dma.local @!p0 [hbm:s0], s1  }
0x63: {  	s0 =	simm.s32 @!p0 $0x1  }
0x64: {  	_ =	swait.ge @!p0 [sflag:s0], s1  }
0x65: {  	s1 =	ssub.s32 @!p0 $0x0, s1;
	[sflag:s0] =	ssyncset.done @!p0 $0x0  }
0x66: {  	[sflag:s0] =	ssyncadd.s32 @!p0 s1  }
0x67: {  	[bflag:$0x3] =	sbarrier.arrive $0xFFFF  }
0x68: {  	_ =	shalt  }

// kernel: gather_offload_async_start.4
scs
__scs_entry_jumppad:
0x0: {  	(pc) =	sbr.rel $0x88, $3  }
0x1: {  	(tag) =	ssettag $0x0;
	lr =	simm.s32 $0x1  }
0x2: {  	[smem:$0x3F7D] =	sst lr;
	_ =	strace $0xD0000000  }
0x3: {  	_ = 	snop  }
0x4: {  	_ = 	snop  }
0x5: {  	_ = 	snop  }
0x6: {  	_ = 	snop  }
0x7: {  	_ = 	snop  }
__scs_overlays_trampoline_lowered:
0x8: {  	[smem:$0x3F8C] =	sst s0  }
0x9: {  	[smem:$0x3F8D] =	sst s1  }
0xa: {  	[smem:$0x3F8E] =	sst s2  }
0xb: {  	[smem:$0x3F8F] =	sst s3  }
0xc: {  	[smem:$0x3F90] =	sst s4  }
0xd: {  	[smem:$0x3F91] =	sst s5  }
0xe: {  	[smem:$0x3F92] =	sst s6  }
0xf: {  	[smem:$0x3F93] =	sst s7  }
0x10: {  	[smem:$0x3F94] =	sst s8  }
0x11: {  	[smem:$0x3F95] =	sst s9;
	s0 =	simm.s32 @!p0 $0x0  }
0x12: {  	s1 =	sld [smem:$0x3F7B];
	s0 =	simm.s32 @p0 $0x1  }
0x13: {  	[smem:$0x3F96] =	sst s0;
	s0 =	simm.s32 @!p1 $0x0  }
0x14: {  	s2 =	sld [smem:$0x3F7A];
	s0 =	simm.s32 @p1 $0x1  }
0x15: {  	[smem:$0x3F97] =	sst s0;
	s0 =	simm.s32 @!p2 $0x0  }
0x16: {  	s3 =	sld [smem:$0x3FDB];
	s0 =	simm.s32 @p2 $0x1  }
0x17: {  	s4 =	simm.s32 $0x1BF5;
	[smem:$0x3F99] =	sst s0  }
0x18: {  	s0 =	sld [smem:$0x3F7C];
	_ =	swait.ge [sflag:s4], $0x0  }
0x19: {  	s7 =	sld [smem:$0x3F7D]  }
0x1a: {  	s8 =	sadd.s32 $0xFFFFE003, lr  }
0x1b: {  	s9 =	sadd.s32 $0xFFFFFEF7, lr;
	s5 =	simm.s32 $0xFFFFFFFF;
	p2 =	slt.u32 s8, $0xFFFFF086  }
0x1c: {  	p1 =	slt.u32 s9, $0xF7A;
	s5 =	simm.s32 @!p2 $0x0  }
0x1d: {  	s5 =	simm.s32 @p1 $0x1;
	p0 =	seq.s32 s7, s2  }
0x1e: {  	s7 =	smul.u32 @!p0 $0xF7A, s2;
	p2 =	seq.s32 @!p0 s5, $0x0  }
0x1f: {  	s9 =	smul.u32 $0xF7A, s1;
	s8 =	simm.s32 @!p0 $0x1BF5;
	p2 =	por !p2, p0  }
0x20: {  	[sflag:s8] =	ssyncset.s32 @!p0 $0xFFFFF086;
	s6 =	sadd.s32 @!p0 s3, s7;
	s7 =	simm.s32 @!p0 $0x108  }
0x21: {  	s3 =	sadd.s32 s3, s9;
	s6 =	sadd.s32 @!p0 $0x88, s6;
	s7 =	simm.s32 @p2 $0x1082  }
0x22: {  	[simem:s7], [sflag:s8] =	dma.local @!p0 [hbm:s6], $0xF7A  }
0x23: {  	s9 =	sor.u32 $0xD0000000, s2;
	s6 =	simm.s32 $0x108;
	_ =	swait.ge @!p0 [sflag:s8], $0x0  }
0x24: {  	s3 =	sadd.s32 $0x88, s3;
	s6 =	simm.s32 @!p1 $0x1082;
	[sflag:s4] =	ssyncset.s32 $0xFFFFF086  }
0x25: {  	[simem:s6], [sflag:s4] =	dma.local [hbm:s3], $0xF7A  }
0x26: {  	[smem:$0x3F7D] =	sst s1;
	(tag) =	ssettag s2;
	_ =	strace s9  }
0x27: {  	s1 =	sld [smem:$0x3F8D]  }
0x28: {  	s2 =	sld [smem:$0x3F8E]  }
0x29: {  	s4 =	sld [smem:$0x3F90]  }
0x2a: {  	p0 =	seq.s32 s5, $0x0;
	s5 =	sld [smem:$0x3F91]  }
0x2b: {  	s6 =	sld [smem:$0x3F92]  }
0x2c: {  	s7 =	sld [smem:$0x3F93]  }
0x2d: {  	s3 =	simm.s32 $0x108;
	s8 =	sld [smem:$0x3F94]  }
0x2e: {  	s3 =	simm.s32 @!p0 $0x1082;
	s9 =	sld [smem:$0x3F95]  }
0x2f: {  	lr =	sadd.s32 s0, s3;
	s0 =	sld [smem:$0x3F8C]  }
0x30: {  	s3 =	sld [smem:$0x3F8F]  }
0x31: {  	[smem:$0x3F98] =	sst s10  }
0x32: {  	s10 =	sld [smem:$0x3F96];
	_ =	sdelay $0x3  }
0x33: {  	p0 =	seq.s32 s10, $0x1;
	s10 =	sld [smem:$0x3F98];
	_ =	sdelay $0x3  }
0x34: {  	[smem:$0x3F98] =	sst s10  }
0x35: {  	s10 =	sld [smem:$0x3F97];
	_ =	sdelay $0x3  }
0x36: {  	p1 =	seq.s32 s10, $0x1;
	s10 =	sld [smem:$0x3F98];
	_ =	sdelay $0x3  }
0x37: {  	[smem:$0x3F98] =	sst s10  }
0x38: {  	s10 =	sld [smem:$0x3F99]  }
0x39: {  	_ = 	snop;
	(pc) =	sbr.ind lr, $3  }
0x3a: {  	_ = 	snop  }
0x3b: {  	_ = 	snop  }
0x3c: {  	p2 =	seq.s32 s10, $0x1;
	s10 =	sld [smem:$0x3F98]  }
0x3d: {  	_ =	shalt  }
0x3e: {  	_ =	shalt  }
0x3f: {  	_ =	shalt  }
0x40: {  	_ =	shalt  }
0x41: {  	_ =	shalt  }
0x42: {  	_ =	shalt  }
0x43: {  	_ =	shalt  }
0x44: {  	_ =	shalt  }
0x45: {  	_ =	shalt  }
0x46: {  	_ =	shalt  }
0x47: {  	_ =	shalt  }
0x48: {  	_ =	shalt  }
0x49: {  	_ =	shalt  }
0x4a: {  	_ =	shalt  }
0x4b: {  	_ =	shalt  }
0x4c: {  	_ =	shalt  }
0x4d: {  	_ =	shalt  }
0x4e: {  	_ =	shalt  }
0x4f: {  	_ =	shalt  }
0x50: {  	_ =	shalt  }
0x51: {  	_ =	shalt  }
0x52: {  	_ =	shalt  }
0x53: {  	_ =	shalt  }
0x54: {  	_ =	shalt  }
0x55: {  	_ =	shalt  }
0x56: {  	_ =	shalt  }
0x57: {  	_ =	shalt  }
0x58: {  	_ =	shalt  }
0x59: {  	_ =	shalt  }
0x5a: {  	_ =	shalt  }
0x5b: {  	_ =	shalt  }
0x5c: {  	_ =	shalt  }
0x5d: {  	_ =	shalt  }
0x5e: {  	_ =	shalt  }
0x5f: {  	_ =	shalt  }
0x60: {  	_ =	shalt  }
0x61: {  	_ =	shalt  }
0x62: {  	_ =	shalt  }
0x63: {  	_ =	shalt  }
0x64: {  	_ =	shalt  }
0x65: {  	_ =	shalt  }
0x66: {  	_ =	shalt  }
0x67: {  	_ =	shalt  }
0x68: {  	_ =	shalt  }
0x69: {  	_ =	shalt  }
0x6a: {  	_ =	shalt  }
0x6b: {  	_ =	shalt  }
0x6c: {  	_ =	shalt  }
0x6d: {  	_ =	shalt  }
0x6e: {  	_ =	shalt  }
0x6f: {  	_ =	shalt  }
0x70: {  	_ =	shalt  }
0x71: {  	_ =	shalt  }
0x72: {  	_ =	shalt  }
0x73: {  	_ =	shalt  }
0x74: {  	_ =	shalt  }
0x75: {  	_ =	shalt  }
0x76: {  	_ =	shalt  }
0x77: {  	_ =	shalt  }
0x78: {  	_ =	shalt  }
0x79: {  	_ =	shalt  }
0x7a: {  	_ =	shalt  }
0x7b: {  	_ =	shalt  }
0x7c: {  	_ =	shalt  }
0x7d: {  	_ =	shalt  }
0x7e: {  	_ =	shalt  }
0x7f: {  	_ =	shalt  }
0x80: {  	_ =	shalt  }
0x81: {  	_ =	shalt  }
0x82: {  	_ =	shalt  }
0x83: {  	_ =	shalt  }
0x84: {  	_ =	shalt  }
0x85: {  	_ =	shalt  }
0x86: {  	_ =	shalt  }
0x87: {  	_ =	shalt  }
.Lfunc_end0:
.L_simem_size_0:
called_computation.4_lowered:
.L_overlay_start_0:
0x88: {  	s2 =	sld [smem:$0x3FD9]  }
0x89: {  	s3 =	sld [smem:$0x3FFE];
	_ =	sdelay $0x1  }
0x8a: {  	s1 =	srdreg.scid  }
0x8b: {  	s0 =	sand.u32 $0x1, s1  }
0x8c: {  	s16 =	sshll.u32 s0, $0xA;
	s2 =	sadd.s32 s3, s2  }
0x8d: {  	s2 =	sadd.s32 s2, s16  }
0x8e: {  	[smem:$0x3FA4] =	sst s2  }
0x8f: {  	_ = 	snop  }
0x90: {  	(tm) =	ssettm $0x1  }
0x91: {  	s17 =	sld [smem:$0x3FFB];
	_ =	sdelay $0x3  }
0x92: {  	_ =	strace s17  }
0x93: {  	s2 =	sld [smem:$0x3FFC];
	_ =	sdelay $0x3  }
0x94: {  	_ =	strace s2  }
0x95: {  	s2 =	sld [smem:$0x3FFD];
	_ =	sdelay $0x3  }
0x96: {  	_ =	strace s2  }
0x97: {  	_ =	strace $0x8FFFFFFF  }
0x98: {  	s18 =	sld [smem:$0x3FDB];
	_ =	sdelay $0x1  }
0x99: {  	s19 =	simm.s32 $_scs_section_size  }
0x9a: {  	s4 =	simm.s32 $_size__tile_overlayer_lowered;
	s5 =	simm.s32 $_tile_overlayer_lowered  }
0x9b: {  	s22 =	simm.s32 $0x1BFF;
	s21 =	sshll.u32 s5, $0x1;
	s2 =	sadd.s32 s19, s18  }
0x9c: {  	s6 =	simm.s32 $0x0;
	s20 =	sshll.u32 s4, $0x1;
	s4 =	sadd.s32 s21, s2  }
0x9d: {  	[timem:s6], [sflag:s22] =	dma.local [hbm:s4], s20  }
0x9e: {  	_ =	swait.ge [sflag:s22], s20  }
0x9f: {  	s3 =	ssub.s32 $0x0, s20;
	[sflag:s22] =	ssyncset.done $0x0  }
0xa0: {  	[sflag:s22] =	ssyncadd.s32 s3;
	_ =	sdelay $0x1  }
0xa1: {  	s23 =	simm.s32 $0x1B8B  }
0xa2: {  	_ =	swait.ge [sflag:s23], $0x1  }
0xa3: {  	[sflag:s23] =	ssyncset.done $0x0  }
0xa4: {  	s25 =	simm.s32 $0x1B8E;
	s24 =	sld [smem:$0x3FFE];
	[sflag:s23] =	ssyncadd.s32 $0xFFFFFFFF  }
0xa5: {  	s26 =	simm.s32 $execute0_lowered;
	[smem:$0x3FD2] =	sst s25  }
0xa6: {  	s4 =	sshll.u32 s26, $0x1;
	_ =	strace $0x80000058;
	[dreg:$0x1] =	wrdreg $0xFFFFFFFF  }
0xa7: {  	s28 =	simm.s32 $_size_execute0_lowered;
	s2 =	sadd.s32 s2, s4;
	[dreg:$0x0] =	wrdreg $0x0  }
0xa8: {  	s4 =	sshll.u32 s28, $0x1;
	[dreg:$0x2] =	wrdreg s2  }
0xa9: {  	[dreg:$0x3] =	wrdreg s4  }
0xaa: {  	[dreg:$0x4] =	wrdreg $0xC0  }
0xab: {  	_ =	task [dreg:s6], $0x5FFFF  }
0xac: {  	[dreg:$0x1] =	wrdreg $0xFFFFFFFF  }
0xad: {  	[dreg:$0x0] =	wrdreg $0x60  }
0xae: {  	[dreg:$0x2] =	wrdreg s24  }
0xaf: {  	[dreg:$0x3] =	wrdreg $0x9  }
0xb0: {  	_ =	task.clear_ibuf [dreg:s6], $0x4FFFF;
	_ =	strace $0x90000058  }
0xb1: {  	s29 =	simm.s32 $0x9;
	_ =	strace $0x8000005A  }
0xb2: {  	_ =	swait.ge [sflag:s29], $0x1  }
0xb3: {  	[sflag:s29] =	ssyncadd.s32 $0xFFFFFFFF  }
0xb4: {  	_ =	strace $0x9000005A  }
0xb5: {  	_ =	sfence  }
0xb6: {  	s30 =	sld [smem:$0x0];
	_ =	sdelay $0x2  }
0xb7: {  	s31 =	sshll.u32 s1, $0xD;
	s1 =	sshrl.u32 s1, $0x2  }
0xb8: {  	s3 =	sand.u32 $0x4000, s31;
	s1 =	sadd.s32 s1, s30  }
0xb9: {  	s0 =	sor.u32 s3, s0;
	s1 =	sshll.u32 s1, $0x11  }
0xba: {  	s0 =	sor.u32 s1, s0  }
0xbb: {  	s0 =	sadd.s32 $0x8F2B, s0  }
0xbc: {  	[sflag:s0] =	ssyncadd.remote.s32 $0x1  }
0xbd: {  	_ =	sfence.sel $0xFFFF  }
0xbe: {  	[dreg:$0x0] =	wrdreg $0xFFFFFFFF;
	(pc) =	sbr.abs _section_cstart, $3  }
0xbf: {  	[dreg:$0x1] =	wrdreg $0xFFFFFFFF  }
0xc0: {  	_ =	task.clear_ibuf [dreg:s6], $0x2FFFF;
	_ =	strace $0x9FFFFFFF  }
0xc1: {  	(tm) =	ssettm $0x7FFFFFFF  }
tec
execute0_lowered:
.L_overlay_start_1:
0x0: {  	(tag) =	ssettag $0x1  }
0x1: {  	s0 =	srdreg.scid  }
0x2: {  	s2 =	rddreg [dreg:$0x0];
	s1 =	stileid.u32;
	s6 =	simm.s32 $0x1  }
0x3: {  	s9 =	simm.s32 $0x1;
	s10 =	simm.s32 $0x3;
	s3 =	sshll.u32 s0, $0x9  }
0x4: {  	s13 =	simm.s32 $0x0;
	s4 =	sshll.u32 s1, $0xA;
	s3 =	sand.u32 $0x200, s3  }
0x5: {  	s0 =	rddreg [dreg:$0x1];
	_ =	strace $0x80000059;
	s3 =	sor.u32 s4, s3  }
0x6: {  	s12 =	simm.s32 $0x0;
	s5 =	sadd.s32 $0x202800, s2;
	s8 =	ssub.s32 $0x6000, s3  }
.Ltmp0:
0x7: {  	[sflag:s6] =	ssyncpa.u1 $0x0;
	s7 =	sand.u32 $0x3E00, s8;
	(pc) =	sbr.rel .LBB2_1-.Ltmp0, $4  }
0x8: {  	s4 =	sadd.s32 $0x203E00, s2;
	s11 =	smov.u32 s3;
	p0 =	sne.s32 s7, $0x0  }
0x9: {  	s8 =	sshrl.u32 s8, $0xE;
	s7 =	simm.s32 $0x2;
	s9 =	simm.s32 @!p0 $0x0  }
0xa: {  	[sflag:s7] =	ssyncpa.u1 $0x0;
	p0 =	por $0x0, $0x0;
	s8 =	sadd.s32 s9, s8  }
0xb: {  	vm0 =	vmmov $0xffff;
	[sflag:s10] =	ssyncpa.u1 $0x0;
	s10 =	simm.s32 $0x0;
	s9 =	sadd.s32 $0x1, s8  }
.LBB2_4:
0xc: {  	v3 =	vshrl.u32 v0, $0xD;
	v62 =	vshll.u32 v0, $0x10;
	v2 =	vand.u32 $0xFF80, v2  }
0xd: {  	v3 =	vand.u32 $0x7F, v3;
	v0 =	vand.u32 $0xF0000, v62;
	v2 =	vsel vm1, $0xFFFFFF80, v2  }
0xe: {  	v3 =	vsel vm1, $0xFFFFFFFF, v3;
	v0 =	vsel vm1, $0xFFFF0000, v0;
	v4 =	vand.u32 $0xFFFFFC00, v2  }
0xf: {  	v0 =	vadd.s32 v0, v4;
	v63 =	vand.u32 $0xFFFFFC00, v3  }
0x10: {  	v2 =	vand.u32 $0x380, v2;
	v0 =	vadd.s32 v63, v0  }
0x11: {  	v3 =	vand.u32 $0x7F, v3;
	v0 =	vor.u32 v2, v0  }
0x12: {  	v0 =	vor.u32 v3, v0;
	_ =	sdelay $0x1  }
0x13: {  	(ifvalue) =	ssetifvalue $0x7FFFFFFF;
	s15 =	sadd.s32 $0x10, s15  }
0x14: {  	[tilespmem:s15], [sflag:$0x1] =	stream.indirect_vreg.gather [hbm4b:s4+s10], $0x1, v1, vm0, $0x4038;
	[tilespmem:$0x800] =	vst v63  }
0x15: {  	(ifvalue) =	ssetifvalue $0x7FFFFFFF;
	s15 =	sadd.s32 $0x10, s15  }
0x16: {  	[tilespmem:s15], [sflag:$0x1] =	stream.indirect_vreg.gather [hbm4b:s4+s10], $0x1, v0, vm0, $0x4038;
	[tilespmem:$0x800] =	vst v63  }
0x17: {  	_ =	swait.ge [sflag:s6], $0x200  }
0x18: {  	s30 =	sshrl.u32 s13, $0x3;
	[sflag:s6] =	ssyncset.done $0x0  }
0x19: {  	s31 =	sand.u32 $0x7, s13;
	s15 =	sadd.s32 s5, s30;
	[sflag:s6] =	ssyncadd.s32 $0xFFFFFE00  }
0x1a: {  	[hbm4b:s15+s31] =	stream.linear.scatter [tilespmem:s14], [sflag:$0x3], $0x200, $0x38;
	[tilespmem:$0x800] =	vst v63  }
.LBB2_5:
0x1b: {  	s15 =	sadd.s32 $0x4000, s11  }
0x1c: {  	p2 =	sgt.s32 s15, $0x5FFF  }
0x1d: {  	s15 =	smov.u32 @p2 s3;
	p2 =	sne.s32 s12, s9  }
.Ltmp1:
0x1e: {  	p1 =	slt.u32 s12, $0x2;
	(pc) =	sbr.rel @!p2 .LBB2_6-.Ltmp1, $4  }
0x1f: {  	s14 =	simm.s32 @!p1 $0x3  }
0x20: {  	s16 =	sadd.s32 $0x1, s12;
	_ =	swait.ge @!p1 [sflag:s14], $0x200  }
0x21: {  	s13 =	smov.u32 s11;
	p0 =	por !p0, !p0;
	[sflag:s14] =	ssyncset.done @!p1 $0x0  }
0x22: {  	s12 =	smov.u32 s16;
	s11 =	smov.u32 s15;
	[sflag:s14] =	ssyncadd.s32 @!p1 $0xFFFFFE00  }
.LBB2_1:
0x23: {  	p1 =	sge.u32 s12, s8  }
0x24: {  	s14 =	sxor.u32 @!p1 $0xFFFFFFFF, s12  }
0x25: {  	s31 =	sadd.s32 $0xFFFFFFFF, s12;
	s15 =	sshrl.u32 @!p1 s11, $0x3;
	s14 =	sshll.u32 @!p1 s14, $0x9  }
0x26: {  	s16 =	sand.u32 @!p1 $0x7, s11;
	s15 =	sadd.s32 @!p1 s2, s15;
	s14 =	sand.u32 @!p1 $0x200, s14  }
0x27: {  	[tilespmem:s14], [sflag:$0x2] =	stream.linear.gather @!p1 [hbm4b:s15+s16], $0x200, $0x38;
	[tilespmem:$0x800] =	vst v63  }
0x28: {  	p1 =	sge.u32 s31, s8  }
.Ltmp2:
0x29: {  	_ = 	snop;
	(pc) =	sbr.rel @p1 .LBB2_5-.Ltmp2, $1  }
0x2a: {  	_ =	sdelay $0x3  }
0x2b: {  	s14 =	simm.s32 $0x1  }
0x2c: {  	_ =	swait.ge [sflag:s7], $0x200;
	s14 =	simm.s32 @!p0 $0x0  }
0x2d: {  	[sflag:s7] =	ssyncset.done $0x0;
	s14 =	sshll.u32 s14, $0x9  }
0x2e: {  	[sflag:s7] =	ssyncadd.s32 $0xFFFFFE00;
	(ifvalue) =	ssetifvalue $0x7FFFFFFF;
	v0 =	vld.msk [tilespmem:s14+$0x0 ss:$0x1], $0xffff;
	_ =	sdelay $0x2  }
0x2f: {  	s15 =	sadd.s32 $0x10, s14  }
0x30: {  	v3 =	vld.msk [tilespmem:s15+$0x0 ss:$0x1], $0xffff  }
0x31: {  	vm1 =	veq.s32 v0, $0x80000000;
	v1 =	vshll.u32 v0, $0x3  }
0x32: {  	v2 =	vshrl.u32 v0, $0xD;
	v0 =	vshll.u32 v0, $0x10;
	v1 =	vand.u32 $0xFF80, v1  }
0x33: {  	v2 =	vand.u32 $0x7F, v2;
	v0 =	vand.u32 $0xF0000, v0;
	v1 =	vsel vm1, $0xFFFFFF80, v1  }
0x34: {  	v2 =	vsel vm1, $0xFFFFFFFF, v2;
	v0 =	vsel vm1, $0xFFFF0000, v0;
	v4 =	vand.u32 $0xFFFFFC00, v1  }
0x35: {  	v62 =	vshrl.u32 v3, $0xD;
	v61 =	vand.u32 $0xFFFFFC00, v2;
	v0 =	vadd.s32 v0, v4  }
0x36: {  	vm1 =	veq.s32 v3, $0x80000000;
	v1 =	vand.u32 $0x380, v1;
	v0 =	vadd.s32 v61, v0  }
0x37: {  	v2 =	vand.u32 $0x7F, v2;
	v0 =	vor.u32 v1, v0;
	v1 =	vshll.u32 v3, $0x3  }
0x38: {  	s17 =	sadd.s32 $0x10, s15;
	v4 =	vand.u32 $0x7F, v62;
	v3 =	vshll.u32 v3, $0x10;
	v1 =	vand.u32 $0xFF80, v1  }
0x39: {  	v2 =	vor.u32 v2, v0;
	v0 =	vld.msk [tilespmem:s17+$0x0 ss:$0x1], $0xffff;
	v3 =	vand.u32 $0xF0000, v3;
	v1 =	vsel vm1, $0xFFFFFF80, v1  }
0x3a: {  	v4 =	vsel vm1, $0xFFFFFFFF, v4;
	v3 =	vsel vm1, $0xFFFF0000, v3;
	v5 =	vand.u32 $0xFFFFFC00, v1  }
0x3b: {  	s31 =	sshll.u32 s12, $0x9;
	v63 =	vand.u32 $0xFFFFFC00, v4;
	v3 =	vadd.s32 v3, v5  }
0x3c: {  	s16 =	simm.s32 $0x20;
	s15 =	sor.u32 $0x400, s14;
	s14 =	sand.u32 $0x200, s31;
	v1 =	vand.u32 $0x380, v1;
	v3 =	vadd.s32 v63, v3  }
0x3d: {  	s14 =	sor.u32 $0x400, s14;
	v4 =	vand.u32 $0x7F, v4;
	(ifvalue) =	ssetifvalue $0x7FFFFFFF;
	s17 =	sadd.s32 $0x10, s17;
	v1 =	vor.u32 v1, v3  }
0x3e: {  	[tilespmem:s15], [sflag:$0x1] =	stream.indirect_vreg.gather [hbm4b:s4+s10], $0x1, v2, vm0, $0x4038;
	vm1 =	veq.s32 v0, $0x80000000;
	v2 =	vshll.u32 v0, $0x3;
	v1 =	vor.u32 v4, v1;
	[tilespmem:$0x800] =	vst v63  }
.LBB2_3:
0x3f: {  	s16 =	sadd.s32 $0x10, s16;
	v3 =	vshrl.u32 v0, $0xD;
	v4 =	vshll.u32 v0, $0x10;
	v0 =	vld.msk [tilespmem:s17+$0x0 ss:$0x1], $0xffff;
	v2 =	vand.u32 $0xFF80, v2  }
0x40: {  	p1 =	slt.u32 s16, $0x1F0;
	v3 =	vand.u32 $0x7F, v3;
	v4 =	vand.u32 $0xF0000, v4;
	v2 =	vsel vm1, $0xFFFFFF80, v2  }
.Ltmp3:
0x41: {  	v3 =	vsel vm1, $0xFFFFFFFF, v3;
	v4 =	vsel vm1, $0xFFFF0000, v4;
	v5 =	vand.u32 $0xFFFFFC00, v2;
	(pc) =	sbr.rel @p1 .LBB2_3-.Ltmp3, $4  }
0x42: {  	s15 =	sadd.s32 $0x10, s15;
	v4 =	vadd.s32 v4, v5;
	v5 =	vand.u32 $0xFFFFFC00, v3;
	(ifvalue) =	ssetifvalue $0x7FFFFFFF  }
0x43: {  	v2 =	vand.u32 $0x380, v2;
	v4 =	vadd.s32 v5, v4;
	[tilespmem:s15], [sflag:$0x1] =	stream.indirect_vreg.gather [hbm4b:s4+s10], $0x1, v1, vm0, $0x4038;
	[tilespmem:$0x800] =	vst v63  }
0x44: {  	v1 =	vand.u32 $0x7F, v3;
	v3 =	vor.u32 v2, v4  }
0x45: {  	s17 =	sadd.s32 $0x10, s17;
	vm1 =	veq.s32 v0, $0x80000000;
	v2 =	vshll.u32 v0, $0x3;
	v1 =	vor.u32 v1, v3  }
.Ltmp4:
0x46: {  	_ = 	snop;
	(pc) =	sbr.rel .LBB2_4-.Ltmp4, $1  }
0x47: {  	_ =	sdelay $0x3  }
.LBB2_6:
0x48: {  	_ =	sfence.sel $0x180000  }
0x49: {  	s2 =	simm.s32 $0x2;
	[bflag:$0x0] =	sbarrier.arrive $0xFFFF  }
0x4a: {  	s30 =	simm.s32 $0x3;
	[sflag:s2] =	ssyncpa.u1 $0x1  }
0x4b: {  	s31 =	simm.s32 $0x1;
	[sflag:s30] =	ssyncpa.u1 $0x1  }
0x4c: {  	[sflag:s31] =	ssyncpa.u1 $0x1  }
0x4d: {  	p0 =	sne.s32 s1, $0x0;
	_ =	strace $0x90000059  }
0x4e: {  	s0 =	sadd.s32 @!p0 $0x100000, s0;
	[bflag:$0x2] =	sbarrier.arrive $0xFFFF  }
0x4f: {  	[sflag:s0] =	ssyncadd.tile.s32 @!p0 $0x1;
	_ =	shalt  }
.Lfunc_end2:
_tile_overlayer_lowered:
.L_overlay_start_2:
0x50: {  	(tag) =	ssettag $0x2  }
0x51: {  	s0 =	rddreg [dreg:$0x0];
	s2 =	stileid.u32  }
0x52: {  	s1 =	rddreg [dreg:$0x1];
	p0 =	sne.s32 s2, $0x0  }
0x53: {  	s3 =	rddreg [dreg:$0x2];
	[bflag:$0x3] =	sbarrier.arrive $0xFFFF;
	s2 =	simm.s32 @!p0 $0x1C01  }
0x54: {  	[timem:s3], [sflag:s2] =	dma.local @!p0 [hbm:s0], s1  }
0x55: {  	s0 =	simm.s32 @!p0 $0x1  }
0x56: {  	_ =	swait.ge @!p0 [sflag:s0], s1  }
0x57: {  	s1 =	ssub.s32 @!p0 $0x0, s1;
	[sflag:s0] =	ssyncset.done @!p0 $0x0  }
0x58: {  	[sflag:s0] =	ssyncadd.s32 @!p0 s1  }
0x59: {  	[bflag:$0x3] =	sbarrier.arrive $0xFFFF  }
0x5a: {  	_ =	shalt  }

// kernel: gather_offload_async_start.5
scs
__scs_entry_jumppad:
0x0: {  	(pc) =	sbr.rel $0x88, $3  }
0x1: {  	(tag) =	ssettag $0x0;
	lr =	simm.s32 $0x1  }
0x2: {  	[smem:$0x3F7D] =	sst lr;
	_ =	strace $0xD0000000  }
0x3: {  	_ = 	snop  }
0x4: {  	_ = 	snop  }
0x5: {  	_ = 	snop  }
0x6: {  	_ = 	snop  }
0x7: {  	_ = 	snop  }
__scs_overlays_trampoline_lowered:
0x8: {  	[smem:$0x3F8C] =	sst s0  }
0x9: {  	[smem:$0x3F8D] =	sst s1  }
0xa: {  	[smem:$0x3F8E] =	sst s2  }
0xb: {  	[smem:$0x3F8F] =	sst s3  }
0xc: {  	[smem:$0x3F90] =	sst s4  }
0xd: {  	[smem:$0x3F91] =	sst s5  }
0xe: {  	[smem:$0x3F92] =	sst s6  }
0xf: {  	[smem:$0x3F93] =	sst s7  }
0x10: {  	[smem:$0x3F94] =	sst s8  }
0x11: {  	[smem:$0x3F95] =	sst s9;
	s0 =	simm.s32 @!p0 $0x0  }
0x12: {  	s1 =	sld [smem:$0x3F7B];
	s0 =	simm.s32 @p0 $0x1  }
0x13: {  	[smem:$0x3F96] =	sst s0;
	s0 =	simm.s32 @!p1 $0x0  }
0x14: {  	s2 =	sld [smem:$0x3F7A];
	s0 =	simm.s32 @p1 $0x1  }
0x15: {  	[smem:$0x3F97] =	sst s0;
	s0 =	simm.s32 @!p2 $0x0  }
0x16: {  	s3 =	sld [smem:$0x3FDB];
	s0 =	simm.s32 @p2 $0x1  }
0x17: {  	s4 =	simm.s32 $0x1BF5;
	[smem:$0x3F99] =	sst s0  }
0x18: {  	s0 =	sld [smem:$0x3F7C];
	_ =	swait.ge [sflag:s4], $0x0  }
0x19: {  	s7 =	sld [smem:$0x3F7D]  }
0x1a: {  	s8 =	sadd.s32 $0xFFFFE003, lr  }
0x1b: {  	s9 =	sadd.s32 $0xFFFFFEF7, lr;
	s5 =	simm.s32 $0xFFFFFFFF;
	p2 =	slt.u32 s8, $0xFFFFF086  }
0x1c: {  	p1 =	slt.u32 s9, $0xF7A;
	s5 =	simm.s32 @!p2 $0x0  }
0x1d: {  	s5 =	simm.s32 @p1 $0x1;
	p0 =	seq.s32 s7, s2  }
0x1e: {  	s7 =	smul.u32 @!p0 $0xF7A, s2;
	p2 =	seq.s32 @!p0 s5, $0x0  }
0x1f: {  	s9 =	smul.u32 $0xF7A, s1;
	s8 =	simm.s32 @!p0 $0x1BF5;
	p2 =	por !p2, p0  }
0x20: {  	[sflag:s8] =	ssyncset.s32 @!p0 $0xFFFFF086;
	s6 =	sadd.s32 @!p0 s3, s7;
	s7 =	simm.s32 @!p0 $0x108  }
0x21: {  	s3 =	sadd.s32 s3, s9;
	s6 =	sadd.s32 @!p0 $0x88, s6;
	s7 =	simm.s32 @p2 $0x1082  }
0x22: {  	[simem:s7], [sflag:s8] =	dma.local @!p0 [hbm:s6], $0xF7A  }
0x23: {  	s9 =	sor.u32 $0xD0000000, s2;
	s6 =	simm.s32 $0x108;
	_ =	swait.ge @!p0 [sflag:s8], $0x0  }
0x24: {  	s3 =	sadd.s32 $0x88, s3;
	s6 =	simm.s32 @!p1 $0x1082;
	[sflag:s4] =	ssyncset.s32 $0xFFFFF086  }
0x25: {  	[simem:s6], [sflag:s4] =	dma.local [hbm:s3], $0xF7A  }
0x26: {  	[smem:$0x3F7D] =	sst s1;
	(tag) =	ssettag s2;
	_ =	strace s9  }
0x27: {  	s1 =	sld [smem:$0x3F8D]  }
0x28: {  	s2 =	sld [smem:$0x3F8E]  }
0x29: {  	s4 =	sld [smem:$0x3F90]  }
0x2a: {  	p0 =	seq.s32 s5, $0x0;
	s5 =	sld [smem:$0x3F91]  }
0x2b: {  	s6 =	sld [smem:$0x3F92]  }
0x2c: {  	s7 =	sld [smem:$0x3F93]  }
0x2d: {  	s3 =	simm.s32 $0x108;
	s8 =	sld [smem:$0x3F94]  }
0x2e: {  	s3 =	simm.s32 @!p0 $0x1082;
	s9 =	sld [smem:$0x3F95]  }
0x2f: {  	lr =	sadd.s32 s0, s3;
	s0 =	sld [smem:$0x3F8C]  }
0x30: {  	s3 =	sld [smem:$0x3F8F]  }
0x31: {  	[smem:$0x3F98] =	sst s10  }
0x32: {  	s10 =	sld [smem:$0x3F96];
	_ =	sdelay $0x3  }
0x33: {  	p0 =	seq.s32 s10, $0x1;
	s10 =	sld [smem:$0x3F98];
	_ =	sdelay $0x3  }
0x34: {  	[smem:$0x3F98] =	sst s10  }
0x35: {  	s10 =	sld [smem:$0x3F97];
	_ =	sdelay $0x3  }
0x36: {  	p1 =	seq.s32 s10, $0x1;
	s10 =	sld [smem:$0x3F98];
	_ =	sdelay $0x3  }
0x37: {  	[smem:$0x3F98] =	sst s10  }
0x38: {  	s10 =	sld [smem:$0x3F99]  }
0x39: {  	_ = 	snop;
	(pc) =	sbr.ind lr, $3  }
0x3a: {  	_ = 	snop  }
0x3b: {  	_ = 	snop  }
0x3c: {  	p2 =	seq.s32 s10, $0x1;
	s10 =	sld [smem:$0x3F98]  }
0x3d: {  	_ =	shalt  }
0x3e: {  	_ =	shalt  }
0x3f: {  	_ =	shalt  }
0x40: {  	_ =	shalt  }
0x41: {  	_ =	shalt  }
0x42: {  	_ =	shalt  }
0x43: {  	_ =	shalt  }
0x44: {  	_ =	shalt  }
0x45: {  	_ =	shalt  }
0x46: {  	_ =	shalt  }
0x47: {  	_ =	shalt  }
0x48: {  	_ =	shalt  }
0x49: {  	_ =	shalt  }
0x4a: {  	_ =	shalt  }
0x4b: {  	_ =	shalt  }
0x4c: {  	_ =	shalt  }
0x4d: {  	_ =	shalt  }
0x4e: {  	_ =	shalt  }
0x4f: {  	_ =	shalt  }
0x50: {  	_ =	shalt  }
0x51: {  	_ =	shalt  }
0x52: {  	_ =	shalt  }
0x53: {  	_ =	shalt  }
0x54: {  	_ =	shalt  }
0x55: {  	_ =	shalt  }
0x56: {  	_ =	shalt  }
0x57: {  	_ =	shalt  }
0x58: {  	_ =	shalt  }
0x59: {  	_ =	shalt  }
0x5a: {  	_ =	shalt  }
0x5b: {  	_ =	shalt  }
0x5c: {  	_ =	shalt  }
0x5d: {  	_ =	shalt  }
0x5e: {  	_ =	shalt  }
0x5f: {  	_ =	shalt  }
0x60: {  	_ =	shalt  }
0x61: {  	_ =	shalt  }
0x62: {  	_ =	shalt  }
0x63: {  	_ =	shalt  }
0x64: {  	_ =	shalt  }
0x65: {  	_ =	shalt  }
0x66: {  	_ =	shalt  }
0x67: {  	_ =	shalt  }
0x68: {  	_ =	shalt  }
0x69: {  	_ =	shalt  }
0x6a: {  	_ =	shalt  }
0x6b: {  	_ =	shalt  }
0x6c: {  	_ =	shalt  }
0x6d: {  	_ =	shalt  }
0x6e: {  	_ =	shalt  }
0x6f: {  	_ =	shalt  }
0x70: {  	_ =	shalt  }
0x71: {  	_ =	shalt  }
0x72: {  	_ =	shalt  }
0x73: {  	_ =	shalt  }
0x74: {  	_ =	shalt  }
0x75: {  	_ =	shalt  }
0x76: {  	_ =	shalt  }
0x77: {  	_ =	shalt  }
0x78: {  	_ =	shalt  }
0x79: {  	_ =	shalt  }
0x7a: {  	_ =	shalt  }
0x7b: {  	_ =	shalt  }
0x7c: {  	_ =	shalt  }
0x7d: {  	_ =	shalt  }
0x7e: {  	_ =	shalt  }
0x7f: {  	_ =	shalt  }
0x80: {  	_ =	shalt  }
0x81: {  	_ =	shalt  }
0x82: {  	_ =	shalt  }
0x83: {  	_ =	shalt  }
0x84: {  	_ =	shalt  }
0x85: {  	_ =	shalt  }
0x86: {  	_ =	shalt  }
0x87: {  	_ =	shalt  }
.Lfunc_end0:
.L_simem_size_0:
called_computation.5_lowered:
.L_overlay_start_0:
0x88: {  	s2 =	sld [smem:$0x3FD9]  }
0x89: {  	s3 =	sld [smem:$0x3FFE];
	_ =	sdelay $0x1  }
0x8a: {  	s1 =	srdreg.scid  }
0x8b: {  	s0 =	sand.u32 $0x1, s1  }
0x8c: {  	s16 =	sshll.u32 s0, $0xA;
	s2 =	sadd.s32 s3, s2  }
0x8d: {  	s2 =	sadd.s32 s2, s16  }
0x8e: {  	[smem:$0x3FA4] =	sst s2  }
0x8f: {  	_ = 	snop  }
0x90: {  	(tm) =	ssettm $0x1  }
0x91: {  	s17 =	sld [smem:$0x3FFB];
	_ =	sdelay $0x3  }
0x92: {  	_ =	strace s17  }
0x93: {  	s2 =	sld [smem:$0x3FFC];
	_ =	sdelay $0x3  }
0x94: {  	_ =	strace s2  }
0x95: {  	s2 =	sld [smem:$0x3FFD];
	_ =	sdelay $0x3  }
0x96: {  	_ =	strace s2  }
0x97: {  	_ =	strace $0x8FFFFFFF  }
0x98: {  	s18 =	sld [smem:$0x3FDB];
	_ =	sdelay $0x1  }
0x99: {  	s19 =	simm.s32 $_scs_section_size  }
0x9a: {  	s4 =	simm.s32 $_size__tile_overlayer_lowered;
	s5 =	simm.s32 $_tile_overlayer_lowered  }
0x9b: {  	s22 =	simm.s32 $0x1BFF;
	s21 =	sshll.u32 s5, $0x1;
	s2 =	sadd.s32 s19, s18  }
0x9c: {  	s6 =	simm.s32 $0x0;
	s20 =	sshll.u32 s4, $0x1;
	s4 =	sadd.s32 s21, s2  }
0x9d: {  	[timem:s6], [sflag:s22] =	dma.local [hbm:s4], s20  }
0x9e: {  	_ =	swait.ge [sflag:s22], s20  }
0x9f: {  	s3 =	ssub.s32 $0x0, s20;
	[sflag:s22] =	ssyncset.done $0x0  }
0xa0: {  	[sflag:s22] =	ssyncadd.s32 s3;
	_ =	sdelay $0x1  }
0xa1: {  	s23 =	simm.s32 $0x1B8B  }
0xa2: {  	_ =	swait.ge [sflag:s23], $0x1  }
0xa3: {  	[sflag:s23] =	ssyncset.done $0x0  }
0xa4: {  	s25 =	simm.s32 $0x1B8E;
	s24 =	sld [smem:$0x3FFE];
	[sflag:s23] =	ssyncadd.s32 $0xFFFFFFFF  }
0xa5: {  	s26 =	simm.s32 $execute0_lowered;
	[smem:$0x3FD2] =	sst s25  }
0xa6: {  	s4 =	sshll.u32 s26, $0x1;
	_ =	strace $0x8000004C;
	[dreg:$0x1] =	wrdreg $0xFFFFFFFF  }
0xa7: {  	s28 =	simm.s32 $_size_execute0_lowered;
	s2 =	sadd.s32 s2, s4;
	[dreg:$0x0] =	wrdreg $0x0  }
0xa8: {  	s4 =	sshll.u32 s28, $0x1;
	[dreg:$0x2] =	wrdreg s2  }
0xa9: {  	[dreg:$0x3] =	wrdreg s4  }
0xaa: {  	[dreg:$0x4] =	wrdreg $0xC0  }
0xab: {  	_ =	task [dreg:s6], $0x5FFFF  }
0xac: {  	[dreg:$0x1] =	wrdreg $0xFFFFFFFF  }
0xad: {  	[dreg:$0x0] =	wrdreg $0x60  }
0xae: {  	[dreg:$0x2] =	wrdreg s24  }
0xaf: {  	[dreg:$0x3] =	wrdreg $0x9  }
0xb0: {  	_ =	task.clear_ibuf [dreg:s6], $0x4FFFF;
	_ =	strace $0x9000004C  }
0xb1: {  	s29 =	simm.s32 $0x9;
	_ =	strace $0x8000004E  }
0xb2: {  	_ =	swait.ge [sflag:s29], $0x1  }
0xb3: {  	[sflag:s29] =	ssyncadd.s32 $0xFFFFFFFF  }
0xb4: {  	_ =	strace $0x9000004E  }
0xb5: {  	_ =	sfence  }
0xb6: {  	s30 =	sld [smem:$0x0];
	_ =	sdelay $0x2  }
0xb7: {  	s31 =	sshll.u32 s1, $0xD;
	s1 =	sshrl.u32 s1, $0x2  }
0xb8: {  	s3 =	sand.u32 $0x4000, s31;
	s1 =	sadd.s32 s1, s30  }
0xb9: {  	s0 =	sor.u32 s3, s0;
	s1 =	sshll.u32 s1, $0x11  }
0xba: {  	s0 =	sor.u32 s1, s0  }
0xbb: {  	s0 =	sadd.s32 $0x8F2B, s0  }
0xbc: {  	[sflag:s0] =	ssyncadd.remote.s32 $0x1  }
0xbd: {  	_ =	sfence.sel $0xFFFF  }
0xbe: {  	[dreg:$0x0] =	wrdreg $0xFFFFFFFF;
	(pc) =	sbr.abs _section_cstart, $3  }
0xbf: {  	[dreg:$0x1] =	wrdreg $0xFFFFFFFF  }
0xc0: {  	_ =	task.clear_ibuf [dreg:s6], $0x2FFFF;
	_ =	strace $0x9FFFFFFF  }
0xc1: {  	(tm) =	ssettm $0x7FFFFFFF  }
tec
execute0_lowered:
.L_overlay_start_1:
0x0: {  	(tag) =	ssettag $0x1  }
0x1: {  	s0 =	srdreg.scid;
	s5 =	rddreg [dreg:$0x0]  }
0x2: {  	s1 =	stileid.u32;
	s6 =	simm.s32 $0x1;
	s9 =	simm.s32 $0x1  }
0x3: {  	s10 =	simm.s32 $0x3;
	s13 =	simm.s32 $0x0;
	s2 =	sshll.u32 s0, $0xC  }
0x4: {  	s12 =	simm.s32 $0x0;
	s3 =	sshll.u32 s1, $0xD;
	s2 =	sand.u32 $0x1000, s2  }
0x5: {  	s0 =	rddreg [dreg:$0x1];
	_ =	strace $0x8000004D;
	s2 =	sor.u32 s3, s2  }
0x6: {  	s4 =	sadd.s32 $0x400, s5;
	[sflag:s6] =	ssyncpa.u1 $0x0;
	s8 =	ssub.s32 $0x30000, s2  }
.Ltmp0:
0x7: {  	s3 =	sadd.s32 $0xA28800, s5;
	s7 =	sand.u32 $0x1F000, s8;
	(pc) =	sbr.rel .LBB2_1-.Ltmp0, $4  }
0x8: {  	s5 =	sadd.s32 $0x4C400, s5;
	s11 =	smov.u32 s2;
	p0 =	sne.s32 s7, $0x0  }
0x9: {  	s8 =	sshrl.u32 s8, $0x11;
	s7 =	simm.s32 $0x2;
	s9 =	simm.s32 @!p0 $0x0  }
0xa: {  	[sflag:s7] =	ssyncpa.u1 $0x0;
	p0 =	por $0x0, $0x0;
	s8 =	sadd.s32 s9, s8  }
0xb: {  	vm0 =	vmmov $0xffff;
	[sflag:s10] =	ssyncpa.u1 $0x0;
	s10 =	simm.s32 $0x0;
	s9 =	sadd.s32 $0x1, s8  }
.LBB2_4:
0xc: {  	v3 =	vshrl.u32 v0, $0x4;
	v4 =	vshrl.u32 v0, $0x10;
	v1 =	vor.u32 v1, v2  }
0xd: {  	v62 =	vshll.u32 v0, $0x15;
	v60 =	vand.u32 $0xFFF, v3;
	v61 =	vand.u32 $0x1FF, v4  }
0xe: {  	v0 =	vand.u32 $0x1E00000, v62;
	v2 =	vsel vm1, $0xFFFFFFFF, v60;
	v3 =	vsel vm1, $0xFFFFFFFF, v61  }
0xf: {  	v0 =	vsel vm1, $0xFFE00000, v0;
	v63 =	vand.u32 $0x7F, v2;
	v5 =	vshll.u32 v3, $0xC  }
0x10: {  	v2 =	vshll.u32 v2, $0x3;
	v5 =	vand.u32 $0xFFFF8000, v5;
	v0 =	vor.u32 v0, v63  }
0x11: {  	v3 =	vshll.u32 v3, $0x7;
	v2 =	vand.u32 $0xFFFFFC00, v2;
	v0 =	vadd.s32 v5, v0  }
0x12: {  	v3 =	vand.u32 $0x380, v3;
	v0 =	vadd.s32 v2, v0  }
0x13: {  	v0 =	vor.u32 v3, v0;
	_ =	sdelay $0x1  }
0x14: {  	(ifvalue) =	ssetifvalue $0x7FFFFFFF;
	s14 =	sadd.s32 $0x10, s14  }
0x15: {  	[tilespmem:s14], [sflag:$0x1] =	stream.indirect_vreg.gather [hbm4b:s3+s10], $0x1, v1, vm0, $0x4038;
	[tilespmem:$0x4000] =	vst v63  }
0x16: {  	(ifvalue) =	ssetifvalue $0x7FFFFFFF;
	s14 =	sadd.s32 $0x10, s14  }
0x17: {  	[tilespmem:s14], [sflag:$0x1] =	stream.indirect_vreg.gather [hbm4b:s3+s10], $0x1, v0, vm0, $0x4038;
	[tilespmem:$0x4000] =	vst v63  }
0x18: {  	_ =	swait.ge [sflag:s6], $0x1000  }
0x19: {  	s30 =	sshrl.u32 s13, $0x3;
	[sflag:s6] =	ssyncset.done $0x0  }
0x1a: {  	s31 =	sand.u32 $0x7, s13;
	s14 =	sadd.s32 s5, s30;
	[sflag:s6] =	ssyncadd.s32 $0xFFFFF000  }
0x1b: {  	[hbm4b:s14+s31] =	stream.linear.scatter [tilespmem:s15], [sflag:$0x3], $0x1000, $0x38;
	[tilespmem:$0x4000] =	vst v63  }
.LBB2_5:
0x1c: {  	s15 =	sadd.s32 $0x20000, s11  }
0x1d: {  	p2 =	sgt.s32 s15, $0x2FFFF  }
0x1e: {  	s15 =	smov.u32 @p2 s2;
	p2 =	sne.s32 s12, s9  }
.Ltmp1:
0x1f: {  	p1 =	slt.u32 s12, $0x2;
	(pc) =	sbr.rel @!p2 .LBB2_6-.Ltmp1, $4  }
0x20: {  	s14 =	simm.s32 @!p1 $0x3  }
0x21: {  	s16 =	sadd.s32 $0x1, s12;
	_ =	swait.ge @!p1 [sflag:s14], $0x1000  }
0x22: {  	s13 =	smov.u32 s11;
	p0 =	por !p0, !p0;
	[sflag:s14] =	ssyncset.done @!p1 $0x0  }
0x23: {  	s12 =	smov.u32 s16;
	s11 =	smov.u32 s15;
	[sflag:s14] =	ssyncadd.s32 @!p1 $0xFFFFF000  }
.LBB2_1:
0x24: {  	p1 =	sge.u32 s12, s8  }
0x25: {  	s14 =	sxor.u32 @!p1 $0xFFFFFFFF, s12  }
0x26: {  	s31 =	sadd.s32 $0xFFFFFFFF, s12;
	s15 =	sshrl.u32 @!p1 s11, $0x3;
	s14 =	sshll.u32 @!p1 s14, $0xC  }
0x27: {  	s16 =	sand.u32 @!p1 $0x7, s11;
	s15 =	sadd.s32 @!p1 s4, s15;
	s14 =	sand.u32 @!p1 $0x1000, s14  }
0x28: {  	[tilespmem:s14], [sflag:$0x2] =	stream.linear.gather @!p1 [hbm4b:s15+s16], $0x1000, $0x38;
	[tilespmem:$0x4000] =	vst v63  }
0x29: {  	p1 =	sge.u32 s31, s8  }
.Ltmp2:
0x2a: {  	_ = 	snop;
	(pc) =	sbr.rel @p1 .LBB2_5-.Ltmp2, $1  }
0x2b: {  	_ =	sdelay $0x3  }
0x2c: {  	s14 =	simm.s32 $0x1  }
0x2d: {  	_ =	swait.ge [sflag:s7], $0x1000;
	s14 =	simm.s32 @!p0 $0x0  }
0x2e: {  	[sflag:s7] =	ssyncset.done $0x0;
	s14 =	sshll.u32 s14, $0xC  }
0x2f: {  	[sflag:s7] =	ssyncadd.s32 $0xFFFFF000;
	(ifvalue) =	ssetifvalue $0x7FFFFFFF;
	v0 =	vld.msk [tilespmem:s14+$0x0 ss:$0x1], $0xffff;
	_ =	sdelay $0x4  }
0x30: {  	s15 =	sadd.s32 $0x10, s14;
	vm1 =	veq.s32 v0, $0x80000000;
	v1 =	vshrl.u32 v0, $0x4;
	v2 =	vshrl.u32 v0, $0x10  }
0x31: {  	v3 =	vld.msk [tilespmem:s15+$0x0 ss:$0x1], $0xffff;
	v0 =	vshll.u32 v0, $0x15;
	v1 =	vand.u32 $0xFFF, v1;
	v2 =	vand.u32 $0x1FF, v2  }
0x32: {  	v0 =	vand.u32 $0x1E00000, v0;
	v1 =	vsel vm1, $0xFFFFFFFF, v1;
	v2 =	vsel vm1, $0xFFFFFFFF, v2  }
0x33: {  	v0 =	vsel vm1, $0xFFE00000, v0;
	v4 =	vand.u32 $0x7F, v1;
	v5 =	vshll.u32 v2, $0xC  }
0x34: {  	v1 =	vshll.u32 v1, $0x3;
	v5 =	vand.u32 $0xFFFF8000, v5;
	v0 =	vor.u32 v0, v4  }
0x35: {  	v2 =	vshll.u32 v2, $0x7;
	v1 =	vand.u32 $0xFFFFFC00, v1;
	v0 =	vadd.s32 v5, v0  }
0x36: {  	v62 =	vshrl.u32 v3, $0x10;
	v2 =	vand.u32 $0x380, v2;
	v0 =	vadd.s32 v1, v0  }
0x37: {  	s17 =	sadd.s32 $0x10, s15;
	vm1 =	veq.s32 v3, $0x80000000;
	v1 =	vor.u32 v2, v0;
	v2 =	vshrl.u32 v3, $0x4  }
0x38: {  	v4 =	vand.u32 $0x1FF, v62;
	v0 =	vld.msk [tilespmem:s17+$0x0 ss:$0x1], $0xffff;
	v3 =	vshll.u32 v3, $0x15;
	v2 =	vand.u32 $0xFFF, v2  }
0x39: {  	v4 =	vsel vm1, $0xFFFFFFFF, v4;
	v3 =	vand.u32 $0x1E00000, v3;
	v2 =	vsel vm1, $0xFFFFFFFF, v2  }
0x3a: {  	s31 =	sshll.u32 s12, $0xC;
	v6 =	vshll.u32 v4, $0xC;
	v3 =	vsel vm1, $0xFFE00000, v3;
	v63 =	vand.u32 $0x7F, v2  }
0x3b: {  	s14 =	sor.u32 $0x2000, s14;
	s15 =	sand.u32 $0x1000, s31;
	(ifvalue) =	ssetifvalue $0x7FFFFFFF;
	v6 =	vand.u32 $0xFFFF8000, v6;
	v2 =	vshll.u32 v2, $0x3;
	v3 =	vor.u32 v3, v63  }
0x3c: {  	v2 =	vand.u32 $0xFFFFFC00, v2;
	[tilespmem:s14], [sflag:$0x1] =	stream.indirect_vreg.gather [hbm4b:s3+s10], $0x1, v1, vm0, $0x4038;
	v1 =	vshll.u32 v4, $0x7;
	v3 =	vadd.s32 v6, v3;
	[tilespmem:$0x4000] =	vst v63  }
0x3d: {  	s16 =	simm.s32 $0x20;
	s15 =	sor.u32 $0x2000, s15;
	s17 =	sadd.s32 $0x10, s17;
	vm1 =	veq.s32 v0, $0x80000000;
	v1 =	vand.u32 $0x380, v1;
	v2 =	vadd.s32 v2, v3  }
.LBB2_3:
0x3e: {  	v3 =	vld.msk [tilespmem:s17+$0x0 ss:$0x1], $0xffff;
	v4 =	vshrl.u32 v0, $0x4;
	v5 =	vshrl.u32 v0, $0x10;
	v1 =	vor.u32 v1, v2;
	s16 =	sadd.s32 $0x10, s16  }
0x3f: {  	v0 =	vshll.u32 v0, $0x15;
	v2 =	vand.u32 $0xFFF, v4;
	v4 =	vand.u32 $0x1FF, v5;
	p1 =	slt.u32 s16, $0xFF0  }
.Ltmp3:
0x40: {  	v0 =	vand.u32 $0x1E00000, v0;
	v2 =	vsel vm1, $0xFFFFFFFF, v2;
	v4 =	vsel vm1, $0xFFFFFFFF, v4;
	(pc) =	sbr.rel @p1 .LBB2_3-.Ltmp3, $4  }
0x41: {  	v0 =	vsel vm1, $0xFFE00000, v0;
	v5 =	vand.u32 $0x7F, v2;
	v6 =	vshll.u32 v4, $0xC  }
0x42: {  	s14 =	sadd.s32 $0x10, s14;
	v2 =	vshll.u32 v2, $0x3;
	v6 =	vand.u32 $0xFFFF8000, v6;
	v7 =	vor.u32 v0, v5;
	(ifvalue) =	ssetifvalue $0x7FFFFFFF  }
0x43: {  	v4 =	vshll.u32 v4, $0x7;
	v2 =	vand.u32 $0xFFFFFC00, v2;
	v5 =	vadd.s32 v6, v7;
	[tilespmem:s14], [sflag:$0x1] =	stream.indirect_vreg.gather [hbm4b:s3+s10], $0x1, v1, vm0, $0x4038;
	[tilespmem:$0x4000] =	vst v63  }
0x44: {  	s17 =	sadd.s32 $0x10, s17;
	vm1 =	veq.s32 v3, $0x80000000;
	v1 =	vand.u32 $0x380, v4;
	v0 =	vmovc v3;
	v2 =	vadd.s32 v2, v5  }
.Ltmp4:
0x45: {  	_ = 	snop;
	(pc) =	sbr.rel .LBB2_4-.Ltmp4, $1  }
0x46: {  	_ =	sdelay $0x3  }
.LBB2_6:
0x47: {  	_ =	sfence.sel $0x180000  }
0x48: {  	s2 =	simm.s32 $0x2;
	[bflag:$0x0] =	sbarrier.arrive $0xFFFF  }
0x49: {  	s30 =	simm.s32 $0x3;
	[sflag:s2] =	ssyncpa.u1 $0x1  }
0x4a: {  	s31 =	simm.s32 $0x1;
	[sflag:s30] =	ssyncpa.u1 $0x1  }
0x4b: {  	[sflag:s31] =	ssyncpa.u1 $0x1  }
0x4c: {  	p0 =	sne.s32 s1, $0x0;
	_ =	strace $0x9000004D  }
0x4d: {  	s0 =	sadd.s32 @!p0 $0x100000, s0;
	[bflag:$0x2] =	sbarrier.arrive $0xFFFF  }
0x4e: {  	[sflag:s0] =	ssyncadd.tile.s32 @!p0 $0x1;
	_ =	shalt  }
.Lfunc_end2:
_tile_overlayer_lowered:
.L_overlay_start_2:
0x4f: {  	(tag) =	ssettag $0x2  }
0x50: {  	s0 =	rddreg [dreg:$0x0];
	s2 =	stileid.u32  }
0x51: {  	s1 =	rddreg [dreg:$0x1];
	p0 =	sne.s32 s2, $0x0  }
0x52: {  	s3 =	rddreg [dreg:$0x2];
	[bflag:$0x3] =	sbarrier.arrive $0xFFFF;
	s2 =	simm.s32 @!p0 $0x1C01  }
0x53: {  	[timem:s3], [sflag:s2] =	dma.local @!p0 [hbm:s0], s1  }
0x54: {  	s0 =	simm.s32 @!p0 $0x1  }
0x55: {  	_ =	swait.ge @!p0 [sflag:s0], s1  }
0x56: {  	s1 =	ssub.s32 @!p0 $0x0, s1;
	[sflag:s0] =	ssyncset.done @!p0 $0x0  }
0x57: {  	[sflag:s0] =	ssyncadd.s32 @!p0 s1  }
0x58: {  	[bflag:$0x3] =	sbarrier.arrive $0xFFFF  }
0x59: {  	_ =	shalt  }

// kernel: gather_offload_async_start.6
scs
__scs_entry_jumppad:
0x0: {  	(pc) =	sbr.rel $0x88, $3  }
0x1: {  	(tag) =	ssettag $0x0;
	lr =	simm.s32 $0x1  }
0x2: {  	[smem:$0x3F7D] =	sst lr;
	_ =	strace $0xD0000000  }
0x3: {  	_ = 	snop  }
0x4: {  	_ = 	snop  }
0x5: {  	_ = 	snop  }
0x6: {  	_ = 	snop  }
0x7: {  	_ = 	snop  }
__scs_overlays_trampoline_lowered:
0x8: {  	[smem:$0x3F8C] =	sst s0  }
0x9: {  	[smem:$0x3F8D] =	sst s1  }
0xa: {  	[smem:$0x3F8E] =	sst s2  }
0xb: {  	[smem:$0x3F8F] =	sst s3  }
0xc: {  	[smem:$0x3F90] =	sst s4  }
0xd: {  	[smem:$0x3F91] =	sst s5  }
0xe: {  	[smem:$0x3F92] =	sst s6  }
0xf: {  	[smem:$0x3F93] =	sst s7  }
0x10: {  	[smem:$0x3F94] =	sst s8  }
0x11: {  	[smem:$0x3F95] =	sst s9;
	s0 =	simm.s32 @!p0 $0x0  }
0x12: {  	s1 =	sld [smem:$0x3F7B];
	s0 =	simm.s32 @p0 $0x1  }
0x13: {  	[smem:$0x3F96] =	sst s0;
	s0 =	simm.s32 @!p1 $0x0  }
0x14: {  	s2 =	sld [smem:$0x3F7A];
	s0 =	simm.s32 @p1 $0x1  }
0x15: {  	[smem:$0x3F97] =	sst s0;
	s0 =	simm.s32 @!p2 $0x0  }
0x16: {  	s3 =	sld [smem:$0x3FDB];
	s0 =	simm.s32 @p2 $0x1  }
0x17: {  	s4 =	simm.s32 $0x1BF5;
	[smem:$0x3F99] =	sst s0  }
0x18: {  	s0 =	sld [smem:$0x3F7C];
	_ =	swait.ge [sflag:s4], $0x0  }
0x19: {  	s7 =	sld [smem:$0x3F7D]  }
0x1a: {  	s8 =	sadd.s32 $0xFFFFE003, lr  }
0x1b: {  	s9 =	sadd.s32 $0xFFFFFEF7, lr;
	s5 =	simm.s32 $0xFFFFFFFF;
	p2 =	slt.u32 s8, $0xFFFFF086  }
0x1c: {  	p1 =	slt.u32 s9, $0xF7A;
	s5 =	simm.s32 @!p2 $0x0  }
0x1d: {  	s5 =	simm.s32 @p1 $0x1;
	p0 =	seq.s32 s7, s2  }
0x1e: {  	s7 =	smul.u32 @!p0 $0xF7A, s2;
	p2 =	seq.s32 @!p0 s5, $0x0  }
0x1f: {  	s9 =	smul.u32 $0xF7A, s1;
	s8 =	simm.s32 @!p0 $0x1BF5;
	p2 =	por !p2, p0  }
0x20: {  	[sflag:s8] =	ssyncset.s32 @!p0 $0xFFFFF086;
	s6 =	sadd.s32 @!p0 s3, s7;
	s7 =	simm.s32 @!p0 $0x108  }
0x21: {  	s3 =	sadd.s32 s3, s9;
	s6 =	sadd.s32 @!p0 $0x88, s6;
	s7 =	simm.s32 @p2 $0x1082  }
0x22: {  	[simem:s7], [sflag:s8] =	dma.local @!p0 [hbm:s6], $0xF7A  }
0x23: {  	s9 =	sor.u32 $0xD0000000, s2;
	s6 =	simm.s32 $0x108;
	_ =	swait.ge @!p0 [sflag:s8], $0x0  }
0x24: {  	s3 =	sadd.s32 $0x88, s3;
	s6 =	simm.s32 @!p1 $0x1082;
	[sflag:s4] =	ssyncset.s32 $0xFFFFF086  }
0x25: {  	[simem:s6], [sflag:s4] =	dma.local [hbm:s3], $0xF7A  }
0x26: {  	[smem:$0x3F7D] =	sst s1;
	(tag) =	ssettag s2;
	_ =	strace s9  }
0x27: {  	s1 =	sld [smem:$0x3F8D]  }
0x28: {  	s2 =	sld [smem:$0x3F8E]  }
0x29: {  	s4 =	sld [smem:$0x3F90]  }
0x2a: {  	p0 =	seq.s32 s5, $0x0;
	s5 =	sld [smem:$0x3F91]  }
0x2b: {  	s6 =	sld [smem:$0x3F92]  }
0x2c: {  	s7 =	sld [smem:$0x3F93]  }
0x2d: {  	s3 =	simm.s32 $0x108;
	s8 =	sld [smem:$0x3F94]  }
0x2e: {  	s3 =	simm.s32 @!p0 $0x1082;
	s9 =	sld [smem:$0x3F95]  }
0x2f: {  	lr =	sadd.s32 s0, s3;
	s0 =	sld [smem:$0x3F8C]  }
0x30: {  	s3 =	sld [smem:$0x3F8F]  }
0x31: {  	[smem:$0x3F98] =	sst s10  }
0x32: {  	s10 =	sld [smem:$0x3F96];
	_ =	sdelay $0x3  }
0x33: {  	p0 =	seq.s32 s10, $0x1;
	s10 =	sld [smem:$0x3F98];
	_ =	sdelay $0x3  }
0x34: {  	[smem:$0x3F98] =	sst s10  }
0x35: {  	s10 =	sld [smem:$0x3F97];
	_ =	sdelay $0x3  }
0x36: {  	p1 =	seq.s32 s10, $0x1;
	s10 =	sld [smem:$0x3F98];
	_ =	sdelay $0x3  }
0x37: {  	[smem:$0x3F98] =	sst s10  }
0x38: {  	s10 =	sld [smem:$0x3F99]  }
0x39: {  	_ = 	snop;
	(pc) =	sbr.ind lr, $3  }
0x3a: {  	_ = 	snop  }
0x3b: {  	_ = 	snop  }
0x3c: {  	p2 =	seq.s32 s10, $0x1;
	s10 =	sld [smem:$0x3F98]  }
0x3d: {  	_ =	shalt  }
0x3e: {  	_ =	shalt  }
0x3f: {  	_ =	shalt  }
0x40: {  	_ =	shalt  }
0x41: {  	_ =	shalt  }
0x42: {  	_ =	shalt  }
0x43: {  	_ =	shalt  }
0x44: {  	_ =	shalt  }
0x45: {  	_ =	shalt  }
0x46: {  	_ =	shalt  }
0x47: {  	_ =	shalt  }
0x48: {  	_ =	shalt  }
0x49: {  	_ =	shalt  }
0x4a: {  	_ =	shalt  }
0x4b: {  	_ =	shalt  }
0x4c: {  	_ =	shalt  }
0x4d: {  	_ =	shalt  }
0x4e: {  	_ =	shalt  }
0x4f: {  	_ =	shalt  }
0x50: {  	_ =	shalt  }
0x51: {  	_ =	shalt  }
0x52: {  	_ =	shalt  }
0x53: {  	_ =	shalt  }
0x54: {  	_ =	shalt  }
0x55: {  	_ =	shalt  }
0x56: {  	_ =	shalt  }
0x57: {  	_ =	shalt  }
0x58: {  	_ =	shalt  }
0x59: {  	_ =	shalt  }
0x5a: {  	_ =	shalt  }
0x5b: {  	_ =	shalt  }
0x5c: {  	_ =	shalt  }
0x5d: {  	_ =	shalt  }
0x5e: {  	_ =	shalt  }
0x5f: {  	_ =	shalt  }
0x60: {  	_ =	shalt  }
0x61: {  	_ =	shalt  }
0x62: {  	_ =	shalt  }
0x63: {  	_ =	shalt  }
0x64: {  	_ =	shalt  }
0x65: {  	_ =	shalt  }
0x66: {  	_ =	shalt  }
0x67: {  	_ =	shalt  }
0x68: {  	_ =	shalt  }
0x69: {  	_ =	shalt  }
0x6a: {  	_ =	shalt  }
0x6b: {  	_ =	shalt  }
0x6c: {  	_ =	shalt  }
0x6d: {  	_ =	shalt  }
0x6e: {  	_ =	shalt  }
0x6f: {  	_ =	shalt  }
0x70: {  	_ =	shalt  }
0x71: {  	_ =	shalt  }
0x72: {  	_ =	shalt  }
0x73: {  	_ =	shalt  }
0x74: {  	_ =	shalt  }
0x75: {  	_ =	shalt  }
0x76: {  	_ =	shalt  }
0x77: {  	_ =	shalt  }
0x78: {  	_ =	shalt  }
0x79: {  	_ =	shalt  }
0x7a: {  	_ =	shalt  }
0x7b: {  	_ =	shalt  }
0x7c: {  	_ =	shalt  }
0x7d: {  	_ =	shalt  }
0x7e: {  	_ =	shalt  }
0x7f: {  	_ =	shalt  }
0x80: {  	_ =	shalt  }
0x81: {  	_ =	shalt  }
0x82: {  	_ =	shalt  }
0x83: {  	_ =	shalt  }
0x84: {  	_ =	shalt  }
0x85: {  	_ =	shalt  }
0x86: {  	_ =	shalt  }
0x87: {  	_ =	shalt  }
.Lfunc_end0:
.L_simem_size_0:
called_computation.6_lowered:
.L_overlay_start_0:
0x88: {  	s2 =	sld [smem:$0x3FD9]  }
0x89: {  	s3 =	sld [smem:$0x3FFE];
	_ =	sdelay $0x1  }
0x8a: {  	s1 =	srdreg.scid  }
0x8b: {  	s0 =	sand.u32 $0x1, s1  }
0x8c: {  	s17 =	sshll.u32 s0, $0xA;
	s2 =	sadd.s32 s3, s2  }
0x8d: {  	s2 =	sadd.s32 s2, s17  }
0x8e: {  	[smem:$0x3FA4] =	sst s2  }
0x8f: {  	_ = 	snop  }
0x90: {  	s2 =	sld [smem:$0x3FD0];
	(tm) =	ssettm $0x1  }
0x91: {  	s18 =	sld [smem:$0x3FFB];
	_ =	sdelay $0x3  }
0x92: {  	_ =	strace s18  }
0x93: {  	s3 =	sld [smem:$0x3FFC];
	_ =	sdelay $0x3  }
0x94: {  	_ =	strace s3  }
0x95: {  	s3 =	sld [smem:$0x3FFD];
	_ =	sdelay $0x3  }
0x96: {  	_ =	strace s3  }
0x97: {  	_ =	strace $0x8FFFFFFF  }
0x98: {  	s19 =	sld [smem:$0x3FDB];
	_ =	sdelay $0x1  }
0x99: {  	s4 =	simm.s32 $_scs_section_size  }
0x9a: {  	s5 =	simm.s32 $_size__tile_overlayer_lowered;
	s6 =	simm.s32 $_tile_overlayer_lowered  }
0x9b: {  	s22 =	simm.s32 $0x1BFF;
	s21 =	sshll.u32 s6, $0x1;
	s3 =	sadd.s32 s4, s19  }
0x9c: {  	s7 =	simm.s32 $0x0;
	s20 =	sshll.u32 s5, $0x1;
	s5 =	sadd.s32 s21, s3  }
0x9d: {  	[timem:s7], [sflag:s22] =	dma.local [hbm:s5], s20  }
0x9e: {  	_ =	swait.ge [sflag:s22], s20  }
0x9f: {  	s4 =	ssub.s32 $0x0, s20;
	[sflag:s22] =	ssyncset.done $0x0  }
0xa0: {  	[sflag:s22] =	ssyncadd.s32 s4;
	_ =	sdelay $0x1  }
0xa1: {  	s23 =	simm.s32 $0x1B8B  }
0xa2: {  	_ =	swait.ge [sflag:s23], $0x1  }
0xa3: {  	[sflag:s23] =	ssyncset.done $0x0  }
0xa4: {  	s25 =	simm.s32 $0x1B8E;
	s24 =	sld [smem:$0x3FFE];
	[sflag:s23] =	ssyncadd.s32 $0xFFFFFFFF  }
0xa5: {  	s26 =	simm.s32 $execute0_lowered;
	[smem:$0x3FD2] =	sst s25  }
0xa6: {  	s5 =	sshll.u32 s26, $0x1;
	_ =	strace $0x8000005B;
	[dreg:$0x1] =	wrdreg $0xFFFFFFFF  }
0xa7: {  	s28 =	simm.s32 $_size_execute0_lowered;
	s3 =	sadd.s32 s3, s5;
	[dreg:$0x0] =	wrdreg $0x0  }
0xa8: {  	s5 =	sshll.u32 s28, $0x1;
	[dreg:$0x2] =	wrdreg s3  }
0xa9: {  	[dreg:$0x3] =	wrdreg s5  }
0xaa: {  	[dreg:$0x4] =	wrdreg $0xC0  }
0xab: {  	_ =	task [dreg:s7], $0x5FFFF  }
0xac: {  	[dreg:$0x1] =	wrdreg $0xFFFFFFFF  }
0xad: {  	[dreg:$0x0] =	wrdreg $0x60  }
0xae: {  	[dreg:$0x2] =	wrdreg s24  }
0xaf: {  	[dreg:$0x3] =	wrdreg s2  }
0xb0: {  	[dreg:$0x4] =	wrdreg $0x9  }
0xb1: {  	_ =	task.clear_ibuf [dreg:s7], $0x5FFFF;
	_ =	strace $0x9000005B  }
0xb2: {  	s29 =	simm.s32 $0x9;
	_ =	strace $0x8000005D  }
0xb3: {  	_ =	swait.ge [sflag:s29], $0x1  }
0xb4: {  	[sflag:s29] =	ssyncadd.s32 $0xFFFFFFFF  }
0xb5: {  	_ =	strace $0x9000005D  }
0xb6: {  	_ =	sfence  }
0xb7: {  	s30 =	sld [smem:$0x0];
	_ =	sdelay $0x2  }
0xb8: {  	s31 =	sshll.u32 s1, $0xD;
	s1 =	sshrl.u32 s1, $0x2  }
0xb9: {  	s3 =	sand.u32 $0x4000, s31;
	s1 =	sadd.s32 s1, s30  }
0xba: {  	s0 =	sor.u32 s3, s0;
	s1 =	sshll.u32 s1, $0x11  }
0xbb: {  	s0 =	sor.u32 s1, s0  }
0xbc: {  	s0 =	sadd.s32 $0x8F2B, s0  }
0xbd: {  	[sflag:s0] =	ssyncadd.remote.s32 $0x1  }
0xbe: {  	_ =	sfence.sel $0xFFFF  }
0xbf: {  	[dreg:$0x0] =	wrdreg $0xFFFFFFFF;
	(pc) =	sbr.abs _section_cstart, $3  }
0xc0: {  	[dreg:$0x1] =	wrdreg $0xFFFFFFFF  }
0xc1: {  	_ =	task.clear_ibuf [dreg:s7], $0x2FFFF;
	_ =	strace $0x9FFFFFFF  }
0xc2: {  	(tm) =	ssettm $0x7FFFFFFF  }
0xc3: {  	_ =	shalt  }
tec
execute0_lowered:
.L_overlay_start_1:
0x0: {  	(tag) =	ssettag $0x1  }
0x1: {  	s1 =	srdreg.scid;
	s5 =	rddreg [dreg:$0x0]  }
0x2: {  	s0 =	stileid.u32;
	s2 =	rddreg [dreg:$0x1];
	s6 =	simm.s32 $0x1  }
0x3: {  	s9 =	simm.s32 $0x1;
	s10 =	simm.s32 $0x3;
	s1 =	sshll.u32 s1, $0x9  }
0x4: {  	s13 =	simm.s32 $0x0;
	s3 =	sshll.u32 s0, $0xA;
	s4 =	sand.u32 $0x200, s1  }
0x5: {  	s12 =	simm.s32 $0x0;
	s1 =	rddreg [dreg:$0x2];
	s3 =	sor.u32 s3, s4  }
0x6: {  	_ =	strace $0x8000005C;
	s4 =	sadd.s32 $0x74400, s5;
	s8 =	ssub.s32 $0x6000, s3  }
.Ltmp0:
0x7: {  	s5 =	sadd.s32 $0x202800, s5;
	s7 =	sand.u32 $0x3E00, s8;
	(pc) =	sbr.rel .LBB2_1-.Ltmp0, $4  }
0x8: {  	[sflag:s6] =	ssyncpa.u1 $0x0;
	s11 =	smov.u32 s3;
	p0 =	sne.s32 s7, $0x0  }
0x9: {  	s8 =	sshrl.u32 s8, $0xE;
	s7 =	simm.s32 $0x2;
	s9 =	simm.s32 @!p0 $0x0  }
0xa: {  	[sflag:s7] =	ssyncpa.u1 $0x0;
	p0 =	por $0x0, $0x0;
	s8 =	sadd.s32 s9, s8  }
0xb: {  	vm0 =	vmmov $0xffff;
	[sflag:s10] =	ssyncpa.u1 $0x0;
	s10 =	simm.s32 $0x0;
	s9 =	sadd.s32 $0x1, s8  }
.LBB2_4:
0xc: {  	v3 =	vshrl.u32 v0, $0xD;
	v62 =	vshll.u32 v0, $0x10;
	v2 =	vand.u32 $0xFF80, v2  }
0xd: {  	v3 =	vand.u32 $0x7F, v3;
	v0 =	vand.u32 $0xF0000, v62;
	v2 =	vsel vm1, $0xFFFFFF80, v2  }
0xe: {  	v3 =	vsel vm1, $0xFFFFFFFF, v3;
	v0 =	vsel vm1, $0xFFFF0000, v0;
	v4 =	vand.u32 $0xFFFFFC00, v2  }
0xf: {  	v0 =	vadd.s32 v0, v4;
	v63 =	vand.u32 $0xFFFFFC00, v3  }
0x10: {  	v2 =	vand.u32 $0x380, v2;
	v0 =	vadd.s32 v63, v0  }
0x11: {  	v3 =	vand.u32 $0x7F, v3;
	v0 =	vor.u32 v2, v0  }
0x12: {  	v0 =	vor.u32 v3, v0;
	_ =	sdelay $0x1  }
0x13: {  	(ifvalue) =	ssetifvalue $0x7FFFFFFF;
	s15 =	sadd.s32 $0x10, s15  }
0x14: {  	[tilespmem:s15], [sflag:$0x1] =	stream.indirect_vreg.gather [hbm4b:s4+s10], $0x1, v1, vm0, $0x4038;
	[tilespmem:$0x800] =	vst v63  }
0x15: {  	(ifvalue) =	ssetifvalue $0x7FFFFFFF;
	s15 =	sadd.s32 $0x10, s15  }
0x16: {  	[tilespmem:s15], [sflag:$0x1] =	stream.indirect_vreg.gather [hbm4b:s4+s10], $0x1, v0, vm0, $0x4038;
	[tilespmem:$0x800] =	vst v63  }
0x17: {  	_ =	swait.ge [sflag:s6], $0x200  }
0x18: {  	s30 =	sshrl.u32 s13, $0x3;
	[sflag:s6] =	ssyncset.done $0x0  }
0x19: {  	s31 =	sand.u32 $0x7, s13;
	s15 =	sadd.s32 s5, s30;
	[sflag:s6] =	ssyncadd.s32 $0xFFFFFE00  }
0x1a: {  	[hbm4b:s15+s31] =	stream.linear.scatter [tilespmem:s14], [sflag:$0x3], $0x200, $0x38;
	[tilespmem:$0x800] =	vst v63  }
.LBB2_5:
0x1b: {  	s15 =	sadd.s32 $0x4000, s11  }
0x1c: {  	p2 =	sgt.s32 s15, $0x5FFF  }
0x1d: {  	s15 =	smov.u32 @p2 s3;
	p2 =	sne.s32 s12, s9  }
.Ltmp1:
0x1e: {  	p1 =	slt.u32 s12, $0x2;
	(pc) =	sbr.rel @!p2 .LBB2_6-.Ltmp1, $4  }
0x1f: {  	s14 =	simm.s32 @!p1 $0x3  }
0x20: {  	s16 =	sadd.s32 $0x1, s12;
	_ =	swait.ge @!p1 [sflag:s14], $0x200  }
0x21: {  	s13 =	smov.u32 s11;
	p0 =	por !p0, !p0;
	[sflag:s14] =	ssyncset.done @!p1 $0x0  }
0x22: {  	s12 =	smov.u32 s16;
	s11 =	smov.u32 s15;
	[sflag:s14] =	ssyncadd.s32 @!p1 $0xFFFFFE00  }
.LBB2_1:
0x23: {  	p1 =	sge.u32 s12, s8  }
0x24: {  	s14 =	sxor.u32 @!p1 $0xFFFFFFFF, s12  }
0x25: {  	s31 =	sadd.s32 $0xFFFFFFFF, s12;
	s15 =	sshrl.u32 @!p1 s11, $0x3;
	s14 =	sshll.u32 @!p1 s14, $0x9  }
0x26: {  	s16 =	sand.u32 @!p1 $0x7, s11;
	s15 =	sadd.s32 @!p1 s2, s15;
	s14 =	sand.u32 @!p1 $0x200, s14  }
0x27: {  	[tilespmem:s14], [sflag:$0x2] =	stream.linear.gather @!p1 [hbm4b:s15+s16], $0x200, $0x38;
	[tilespmem:$0x800] =	vst v63  }
0x28: {  	p1 =	sge.u32 s31, s8  }
.Ltmp2:
0x29: {  	_ = 	snop;
	(pc) =	sbr.rel @p1 .LBB2_5-.Ltmp2, $1  }
0x2a: {  	_ =	sdelay $0x3  }
0x2b: {  	s14 =	simm.s32 $0x1  }
0x2c: {  	_ =	swait.ge [sflag:s7], $0x200;
	s14 =	simm.s32 @!p0 $0x0  }
0x2d: {  	[sflag:s7] =	ssyncset.done $0x0;
	s14 =	sshll.u32 s14, $0x9  }
0x2e: {  	[sflag:s7] =	ssyncadd.s32 $0xFFFFFE00;
	(ifvalue) =	ssetifvalue $0x7FFFFFFF;
	v0 =	vld.msk [tilespmem:s14+$0x0 ss:$0x1], $0xffff;
	_ =	sdelay $0x2  }
0x2f: {  	s15 =	sadd.s32 $0x10, s14  }
0x30: {  	v3 =	vld.msk [tilespmem:s15+$0x0 ss:$0x1], $0xffff  }
0x31: {  	vm1 =	veq.s32 v0, $0x80000000;
	v1 =	vshll.u32 v0, $0x3  }
0x32: {  	v2 =	vshrl.u32 v0, $0xD;
	v0 =	vshll.u32 v0, $0x10;
	v1 =	vand.u32 $0xFF80, v1  }
0x33: {  	v2 =	vand.u32 $0x7F, v2;
	v0 =	vand.u32 $0xF0000, v0;
	v1 =	vsel vm1, $0xFFFFFF80, v1  }
0x34: {  	v2 =	vsel vm1, $0xFFFFFFFF, v2;
	v0 =	vsel vm1, $0xFFFF0000, v0;
	v4 =	vand.u32 $0xFFFFFC00, v1  }
0x35: {  	v62 =	vshrl.u32 v3, $0xD;
	v61 =	vand.u32 $0xFFFFFC00, v2;
	v0 =	vadd.s32 v0, v4  }
0x36: {  	vm1 =	veq.s32 v3, $0x80000000;
	v1 =	vand.u32 $0x380, v1;
	v0 =	vadd.s32 v61, v0  }
0x37: {  	v2 =	vand.u32 $0x7F, v2;
	v0 =	vor.u32 v1, v0;
	v1 =	vshll.u32 v3, $0x3  }
0x38: {  	s17 =	sadd.s32 $0x10, s15;
	v4 =	vand.u32 $0x7F, v62;
	v3 =	vshll.u32 v3, $0x10;
	v1 =	vand.u32 $0xFF80, v1  }
0x39: {  	v2 =	vor.u32 v2, v0;
	v0 =	vld.msk [tilespmem:s17+$0x0 ss:$0x1], $0xffff;
	v3 =	vand.u32 $0xF0000, v3;
	v1 =	vsel vm1, $0xFFFFFF80, v1  }
0x3a: {  	v4 =	vsel vm1, $0xFFFFFFFF, v4;
	v3 =	vsel vm1, $0xFFFF0000, v3;
	v5 =	vand.u32 $0xFFFFFC00, v1  }
0x3b: {  	s31 =	sshll.u32 s12, $0x9;
	v63 =	vand.u32 $0xFFFFFC00, v4;
	v3 =	vadd.s32 v3, v5  }
0x3c: {  	s16 =	simm.s32 $0x20;
	s15 =	sor.u32 $0x400, s14;
	s14 =	sand.u32 $0x200, s31;
	v1 =	vand.u32 $0x380, v1;
	v3 =	vadd.s32 v63, v3  }
0x3d: {  	s14 =	sor.u32 $0x400, s14;
	v4 =	vand.u32 $0x7F, v4;
	(ifvalue) =	ssetifvalue $0x7FFFFFFF;
	s17 =	sadd.s32 $0x10, s17;
	v1 =	vor.u32 v1, v3  }
0x3e: {  	[tilespmem:s15], [sflag:$0x1] =	stream.indirect_vreg.gather [hbm4b:s4+s10], $0x1, v2, vm0, $0x4038;
	vm1 =	veq.s32 v0, $0x80000000;
	v2 =	vshll.u32 v0, $0x3;
	v1 =	vor.u32 v4, v1;
	[tilespmem:$0x800] =	vst v63  }
.LBB2_3:
0x3f: {  	s16 =	sadd.s32 $0x10, s16;
	v3 =	vshrl.u32 v0, $0xD;
	v4 =	vshll.u32 v0, $0x10;
	v0 =	vld.msk [tilespmem:s17+$0x0 ss:$0x1], $0xffff;
	v2 =	vand.u32 $0xFF80, v2  }
0x40: {  	p1 =	slt.u32 s16, $0x1F0;
	v3 =	vand.u32 $0x7F, v3;
	v4 =	vand.u32 $0xF0000, v4;
	v2 =	vsel vm1, $0xFFFFFF80, v2  }
.Ltmp3:
0x41: {  	v3 =	vsel vm1, $0xFFFFFFFF, v3;
	v4 =	vsel vm1, $0xFFFF0000, v4;
	v5 =	vand.u32 $0xFFFFFC00, v2;
	(pc) =	sbr.rel @p1 .LBB2_3-.Ltmp3, $4  }
0x42: {  	s15 =	sadd.s32 $0x10, s15;
	v4 =	vadd.s32 v4, v5;
	v5 =	vand.u32 $0xFFFFFC00, v3;
	(ifvalue) =	ssetifvalue $0x7FFFFFFF  }
0x43: {  	v2 =	vand.u32 $0x380, v2;
	v4 =	vadd.s32 v5, v4;
	[tilespmem:s15], [sflag:$0x1] =	stream.indirect_vreg.gather [hbm4b:s4+s10], $0x1, v1, vm0, $0x4038;
	[tilespmem:$0x800] =	vst v63  }
0x44: {  	v1 =	vand.u32 $0x7F, v3;
	v3 =	vor.u32 v2, v4  }
0x45: {  	s17 =	sadd.s32 $0x10, s17;
	vm1 =	veq.s32 v0, $0x80000000;
	v2 =	vshll.u32 v0, $0x3;
	v1 =	vor.u32 v1, v3  }
.Ltmp4:
0x46: {  	_ = 	snop;
	(pc) =	sbr.rel .LBB2_4-.Ltmp4, $1  }
0x47: {  	_ =	sdelay $0x3  }
.LBB2_6:
0x48: {  	_ =	sfence.sel $0x180000  }
0x49: {  	s2 =	simm.s32 $0x2;
	[bflag:$0x0] =	sbarrier.arrive $0xFFFF  }
0x4a: {  	s30 =	simm.s32 $0x3;
	[sflag:s2] =	ssyncpa.u1 $0x1  }
0x4b: {  	s31 =	simm.s32 $0x1;
	[sflag:s30] =	ssyncpa.u1 $0x1  }
0x4c: {  	[sflag:s31] =	ssyncpa.u1 $0x1  }
0x4d: {  	p0 =	sne.s32 s0, $0x0;
	_ =	strace $0x9000005C  }
0x4e: {  	s0 =	sadd.s32 @!p0 $0x100000, s1;
	[bflag:$0x2] =	sbarrier.arrive $0xFFFF  }
0x4f: {  	[sflag:s0] =	ssyncadd.tile.s32 @!p0 $0x1;
	_ =	shalt  }
.Lfunc_end2:
_tile_overlayer_lowered:
.L_overlay_start_2:
0x50: {  	(tag) =	ssettag $0x2  }
0x51: {  	s0 =	rddreg [dreg:$0x0];
	s2 =	stileid.u32  }
0x52: {  	s1 =	rddreg [dreg:$0x1];
	p0 =	sne.s32 s2, $0x0  }
0x53: {  	s3 =	rddreg [dreg:$0x2];
	[bflag:$0x3] =	sbarrier.arrive $0xFFFF;
	s2 =	simm.s32 @!p0 $0x1C01  }
0x54: {  	[timem:s3], [sflag:s2] =	dma.local @!p0 [hbm:s0], s1  }
0x55: {  	s0 =	simm.s32 @!p0 $0x1  }
0x56: {  	_ =	swait.ge @!p0 [sflag:s0], s1  }
0x57: {  	s1 =	ssub.s32 @!p0 $0x0, s1;
	[sflag:s0] =	ssyncset.done @!p0 $0x0  }
0x58: {  	[sflag:s0] =	ssyncadd.s32 @!p0 s1  }
0x59: {  	[bflag:$0x3] =	sbarrier.arrive $0xFFFF  }
0x5a: {  	_ =	shalt  }

// kernel: gather_offload_async_start.7
scs
__scs_entry_jumppad:
0x0: {  	(pc) =	sbr.rel $0x88, $3  }
0x1: {  	(tag) =	ssettag $0x0;
	lr =	simm.s32 $0x1  }
0x2: {  	[smem:$0x3F7D] =	sst lr;
	_ =	strace $0xD0000000  }
0x3: {  	_ = 	snop  }
0x4: {  	_ = 	snop  }
0x5: {  	_ = 	snop  }
0x6: {  	_ = 	snop  }
0x7: {  	_ = 	snop  }
__scs_overlays_trampoline_lowered:
0x8: {  	[smem:$0x3F8C] =	sst s0  }
0x9: {  	[smem:$0x3F8D] =	sst s1  }
0xa: {  	[smem:$0x3F8E] =	sst s2  }
0xb: {  	[smem:$0x3F8F] =	sst s3  }
0xc: {  	[smem:$0x3F90] =	sst s4  }
0xd: {  	[smem:$0x3F91] =	sst s5  }
0xe: {  	[smem:$0x3F92] =	sst s6  }
0xf: {  	[smem:$0x3F93] =	sst s7  }
0x10: {  	[smem:$0x3F94] =	sst s8  }
0x11: {  	[smem:$0x3F95] =	sst s9;
	s0 =	simm.s32 @!p0 $0x0  }
0x12: {  	s1 =	sld [smem:$0x3F7B];
	s0 =	simm.s32 @p0 $0x1  }
0x13: {  	[smem:$0x3F96] =	sst s0;
	s0 =	simm.s32 @!p1 $0x0  }
0x14: {  	s2 =	sld [smem:$0x3F7A];
	s0 =	simm.s32 @p1 $0x1  }
0x15: {  	[smem:$0x3F97] =	sst s0;
	s0 =	simm.s32 @!p2 $0x0  }
0x16: {  	s3 =	sld [smem:$0x3FDB];
	s0 =	simm.s32 @p2 $0x1  }
0x17: {  	s4 =	simm.s32 $0x1BF5;
	[smem:$0x3F99] =	sst s0  }
0x18: {  	s0 =	sld [smem:$0x3F7C];
	_ =	swait.ge [sflag:s4], $0x0  }
0x19: {  	s7 =	sld [smem:$0x3F7D]  }
0x1a: {  	s8 =	sadd.s32 $0xFFFFE003, lr  }
0x1b: {  	s9 =	sadd.s32 $0xFFFFFEF7, lr;
	s5 =	simm.s32 $0xFFFFFFFF;
	p2 =	slt.u32 s8, $0xFFFFF086  }
0x1c: {  	p1 =	slt.u32 s9, $0xF7A;
	s5 =	simm.s32 @!p2 $0x0  }
0x1d: {  	s5 =	simm.s32 @p1 $0x1;
	p0 =	seq.s32 s7, s2  }
0x1e: {  	s7 =	smul.u32 @!p0 $0xF7A, s2;
	p2 =	seq.s32 @!p0 s5, $0x0  }
0x1f: {  	s9 =	smul.u32 $0xF7A, s1;
	s8 =	simm.s32 @!p0 $0x1BF5;
	p2 =	por !p2, p0  }
0x20: {  	[sflag:s8] =	ssyncset.s32 @!p0 $0xFFFFF086;
	s6 =	sadd.s32 @!p0 s3, s7;
	s7 =	simm.s32 @!p0 $0x108  }
0x21: {  	s3 =	sadd.s32 s3, s9;
	s6 =	sadd.s32 @!p0 $0x88, s6;
	s7 =	simm.s32 @p2 $0x1082  }
0x22: {  	[simem:s7], [sflag:s8] =	dma.local @!p0 [hbm:s6], $0xF7A  }
0x23: {  	s9 =	sor.u32 $0xD0000000, s2;
	s6 =	simm.s32 $0x108;
	_ =	swait.ge @!p0 [sflag:s8], $0x0  }
0x24: {  	s3 =	sadd.s32 $0x88, s3;
	s6 =	simm.s32 @!p1 $0x1082;
	[sflag:s4] =	ssyncset.s32 $0xFFFFF086  }
0x25: {  	[simem:s6], [sflag:s4] =	dma.local [hbm:s3], $0xF7A  }
0x26: {  	[smem:$0x3F7D] =	sst s1;
	(tag) =	ssettag s2;
	_ =	strace s9  }
0x27: {  	s1 =	sld [smem:$0x3F8D]  }
0x28: {  	s2 =	sld [smem:$0x3F8E]  }
0x29: {  	s4 =	sld [smem:$0x3F90]  }
0x2a: {  	p0 =	seq.s32 s5, $0x0;
	s5 =	sld [smem:$0x3F91]  }
0x2b: {  	s6 =	sld [smem:$0x3F92]  }
0x2c: {  	s7 =	sld [smem:$0x3F93]  }
0x2d: {  	s3 =	simm.s32 $0x108;
	s8 =	sld [smem:$0x3F94]  }
0x2e: {  	s3 =	simm.s32 @!p0 $0x1082;
	s9 =	sld [smem:$0x3F95]  }
0x2f: {  	lr =	sadd.s32 s0, s3;
	s0 =	sld [smem:$0x3F8C]  }
0x30: {  	s3 =	sld [smem:$0x3F8F]  }
0x31: {  	[smem:$0x3F98] =	sst s10  }
0x32: {  	s10 =	sld [smem:$0x3F96];
	_ =	sdelay $0x3  }
0x33: {  	p0 =	seq.s32 s10, $0x1;
	s10 =	sld [smem:$0x3F98];
	_ =	sdelay $0x3  }
0x34: {  	[smem:$0x3F98] =	sst s10  }
0x35: {  	s10 =	sld [smem:$0x3F97];
	_ =	sdelay $0x3  }
0x36: {  	p1 =	seq.s32 s10, $0x1;
	s10 =	sld [smem:$0x3F98];
	_ =	sdelay $0x3  }
0x37: {  	[smem:$0x3F98] =	sst s10  }
0x38: {  	s10 =	sld [smem:$0x3F99]  }
0x39: {  	_ = 	snop;
	(pc) =	sbr.ind lr, $3  }
0x3a: {  	_ = 	snop  }
0x3b: {  	_ = 	snop  }
0x3c: {  	p2 =	seq.s32 s10, $0x1;
	s10 =	sld [smem:$0x3F98]  }
0x3d: {  	_ =	shalt  }
0x3e: {  	_ =	shalt  }
0x3f: {  	_ =	shalt  }
0x40: {  	_ =	shalt  }
0x41: {  	_ =	shalt  }
0x42: {  	_ =	shalt  }
0x43: {  	_ =	shalt  }
0x44: {  	_ =	shalt  }
0x45: {  	_ =	shalt  }
0x46: {  	_ =	shalt  }
0x47: {  	_ =	shalt  }
0x48: {  	_ =	shalt  }
0x49: {  	_ =	shalt  }
0x4a: {  	_ =	shalt  }
0x4b: {  	_ =	shalt  }
0x4c: {  	_ =	shalt  }
0x4d: {  	_ =	shalt  }
0x4e: {  	_ =	shalt  }
0x4f: {  	_ =	shalt  }
0x50: {  	_ =	shalt  }
0x51: {  	_ =	shalt  }
0x52: {  	_ =	shalt  }
0x53: {  	_ =	shalt  }
0x54: {  	_ =	shalt  }
0x55: {  	_ =	shalt  }
0x56: {  	_ =	shalt  }
0x57: {  	_ =	shalt  }
0x58: {  	_ =	shalt  }
0x59: {  	_ =	shalt  }
0x5a: {  	_ =	shalt  }
0x5b: {  	_ =	shalt  }
0x5c: {  	_ =	shalt  }
0x5d: {  	_ =	shalt  }
0x5e: {  	_ =	shalt  }
0x5f: {  	_ =	shalt  }
0x60: {  	_ =	shalt  }
0x61: {  	_ =	shalt  }
0x62: {  	_ =	shalt  }
0x63: {  	_ =	shalt  }
0x64: {  	_ =	shalt  }
0x65: {  	_ =	shalt  }
0x66: {  	_ =	shalt  }
0x67: {  	_ =	shalt  }
0x68: {  	_ =	shalt  }
0x69: {  	_ =	shalt  }
0x6a: {  	_ =	shalt  }
0x6b: {  	_ =	shalt  }
0x6c: {  	_ =	shalt  }
0x6d: {  	_ =	shalt  }
0x6e: {  	_ =	shalt  }
0x6f: {  	_ =	shalt  }
0x70: {  	_ =	shalt  }
0x71: {  	_ =	shalt  }
0x72: {  	_ =	shalt  }
0x73: {  	_ =	shalt  }
0x74: {  	_ =	shalt  }
0x75: {  	_ =	shalt  }
0x76: {  	_ =	shalt  }
0x77: {  	_ =	shalt  }
0x78: {  	_ =	shalt  }
0x79: {  	_ =	shalt  }
0x7a: {  	_ =	shalt  }
0x7b: {  	_ =	shalt  }
0x7c: {  	_ =	shalt  }
0x7d: {  	_ =	shalt  }
0x7e: {  	_ =	shalt  }
0x7f: {  	_ =	shalt  }
0x80: {  	_ =	shalt  }
0x81: {  	_ =	shalt  }
0x82: {  	_ =	shalt  }
0x83: {  	_ =	shalt  }
0x84: {  	_ =	shalt  }
0x85: {  	_ =	shalt  }
0x86: {  	_ =	shalt  }
0x87: {  	_ =	shalt  }
.Lfunc_end0:
.L_simem_size_0:
called_computation.7_lowered:
.L_overlay_start_0:
0x88: {  	s2 =	sld [smem:$0x3FD9]  }
0x89: {  	s3 =	sld [smem:$0x3FFE];
	_ =	sdelay $0x1  }
0x8a: {  	s1 =	srdreg.scid  }
0x8b: {  	s0 =	sand.u32 $0x1, s1  }
0x8c: {  	s17 =	sshll.u32 s0, $0xA;
	s2 =	sadd.s32 s3, s2  }
0x8d: {  	s2 =	sadd.s32 s2, s17  }
0x8e: {  	[smem:$0x3FA4] =	sst s2  }
0x8f: {  	_ = 	snop  }
0x90: {  	s2 =	sld [smem:$0x3FD0];
	(tm) =	ssettm $0x1  }
0x91: {  	s18 =	sld [smem:$0x3FFB];
	_ =	sdelay $0x3  }
0x92: {  	_ =	strace s18  }
0x93: {  	s3 =	sld [smem:$0x3FFC];
	_ =	sdelay $0x3  }
0x94: {  	_ =	strace s3  }
0x95: {  	s3 =	sld [smem:$0x3FFD];
	_ =	sdelay $0x3  }
0x96: {  	_ =	strace s3  }
0x97: {  	_ =	strace $0x8FFFFFFF  }
0x98: {  	s19 =	sld [smem:$0x3FDB];
	_ =	sdelay $0x1  }
0x99: {  	s4 =	simm.s32 $_scs_section_size  }
0x9a: {  	s5 =	simm.s32 $_size__tile_overlayer_lowered;
	s6 =	simm.s32 $_tile_overlayer_lowered  }
0x9b: {  	s22 =	simm.s32 $0x1BFF;
	s21 =	sshll.u32 s6, $0x1;
	s3 =	sadd.s32 s4, s19  }
0x9c: {  	s7 =	simm.s32 $0x0;
	s20 =	sshll.u32 s5, $0x1;
	s5 =	sadd.s32 s21, s3  }
0x9d: {  	[timem:s7], [sflag:s22] =	dma.local [hbm:s5], s20  }
0x9e: {  	_ =	swait.ge [sflag:s22], s20  }
0x9f: {  	s4 =	ssub.s32 $0x0, s20;
	[sflag:s22] =	ssyncset.done $0x0  }
0xa0: {  	[sflag:s22] =	ssyncadd.s32 s4;
	_ =	sdelay $0x1  }
0xa1: {  	s23 =	simm.s32 $0x1B8B  }
0xa2: {  	_ =	swait.ge [sflag:s23], $0x1  }
0xa3: {  	[sflag:s23] =	ssyncset.done $0x0  }
0xa4: {  	s25 =	simm.s32 $0x1B8E;
	s24 =	sld [smem:$0x3FFE];
	[sflag:s23] =	ssyncadd.s32 $0xFFFFFFFF  }
0xa5: {  	s26 =	simm.s32 $execute0_lowered;
	[smem:$0x3FD2] =	sst s25  }
0xa6: {  	s5 =	sshll.u32 s26, $0x1;
	_ =	strace $0x8000004F;
	[dreg:$0x1] =	wrdreg $0xFFFFFFFF  }
0xa7: {  	s28 =	simm.s32 $_size_execute0_lowered;
	s3 =	sadd.s32 s3, s5;
	[dreg:$0x0] =	wrdreg $0x0  }
0xa8: {  	s5 =	sshll.u32 s28, $0x1;
	[dreg:$0x2] =	wrdreg s3  }
0xa9: {  	[dreg:$0x3] =	wrdreg s5  }
0xaa: {  	[dreg:$0x4] =	wrdreg $0xC0  }
0xab: {  	_ =	task [dreg:s7], $0x5FFFF  }
0xac: {  	[dreg:$0x1] =	wrdreg $0xFFFFFFFF  }
0xad: {  	[dreg:$0x0] =	wrdreg $0x60  }
0xae: {  	[dreg:$0x2] =	wrdreg s24  }
0xaf: {  	[dreg:$0x3] =	wrdreg s2  }
0xb0: {  	[dreg:$0x4] =	wrdreg $0x9  }
0xb1: {  	_ =	task.clear_ibuf [dreg:s7], $0x5FFFF;
	_ =	strace $0x9000004F  }
0xb2: {  	s29 =	simm.s32 $0x9;
	_ =	strace $0x80000051  }
0xb3: {  	_ =	swait.ge [sflag:s29], $0x1  }
0xb4: {  	[sflag:s29] =	ssyncadd.s32 $0xFFFFFFFF  }
0xb5: {  	_ =	strace $0x90000051  }
0xb6: {  	_ =	sfence  }
0xb7: {  	s30 =	sld [smem:$0x0];
	_ =	sdelay $0x2  }
0xb8: {  	s31 =	sshll.u32 s1, $0xD;
	s1 =	sshrl.u32 s1, $0x2  }
0xb9: {  	s3 =	sand.u32 $0x4000, s31;
	s1 =	sadd.s32 s1, s30  }
0xba: {  	s0 =	sor.u32 s3, s0;
	s1 =	sshll.u32 s1, $0x11  }
0xbb: {  	s0 =	sor.u32 s1, s0  }
0xbc: {  	s0 =	sadd.s32 $0x8F2B, s0  }
0xbd: {  	[sflag:s0] =	ssyncadd.remote.s32 $0x1  }
0xbe: {  	_ =	sfence.sel $0xFFFF  }
0xbf: {  	[dreg:$0x0] =	wrdreg $0xFFFFFFFF;
	(pc) =	sbr.abs _section_cstart, $3  }
0xc0: {  	[dreg:$0x1] =	wrdreg $0xFFFFFFFF  }
0xc1: {  	_ =	task.clear_ibuf [dreg:s7], $0x2FFFF;
	_ =	strace $0x9FFFFFFF  }
0xc2: {  	(tm) =	ssettm $0x7FFFFFFF  }
0xc3: {  	_ =	shalt  }
tec
execute0_lowered:
.L_overlay_start_1:
0x0: {  	(tag) =	ssettag $0x1  }
0x1: {  	s1 =	srdreg.scid;
	s2 =	rddreg [dreg:$0x0]  }
0x2: {  	s0 =	stileid.u32;
	s3 =	rddreg [dreg:$0x1]  }
0x3: {  	s6 =	simm.s32 $0x1;
	s9 =	simm.s32 $0x1;
	s1 =	sshll.u32 s1, $0xC  }
0x4: {  	s10 =	simm.s32 $0x3;
	s4 =	sshll.u32 s0, $0xD;
	s5 =	sand.u32 $0x1000, s1  }
0x5: {  	s13 =	simm.s32 $0x0;
	s12 =	simm.s32 $0x0;
	s4 =	sor.u32 s4, s5  }
0x6: {  	s1 =	rddreg [dreg:$0x2];
	_ =	strace $0x80000050;
	s8 =	ssub.s32 $0x30000, s4  }
.Ltmp0:
0x7: {  	s5 =	sadd.s32 $0x228800, s2;
	s7 =	sand.u32 $0x1F000, s8;
	(pc) =	sbr.rel .LBB2_1-.Ltmp0, $4  }
0x8: {  	[sflag:s6] =	ssyncpa.u1 $0x0;
	s11 =	smov.u32 s4;
	p0 =	sne.s32 s7, $0x0  }
0x9: {  	s8 =	sshrl.u32 s8, $0x11;
	s7 =	simm.s32 $0x2;
	s9 =	simm.s32 @!p0 $0x0  }
0xa: {  	[sflag:s7] =	ssyncpa.u1 $0x0;
	p0 =	por $0x0, $0x0;
	s8 =	sadd.s32 s9, s8  }
0xb: {  	vm0 =	vmmov $0xffff;
	[sflag:s10] =	ssyncpa.u1 $0x0;
	s10 =	simm.s32 $0x0;
	s9 =	sadd.s32 $0x1, s8  }
.LBB2_4:
0xc: {  	v3 =	vshrl.u32 v0, $0x4;
	v4 =	vshrl.u32 v0, $0x10;
	v1 =	vor.u32 v1, v2  }
0xd: {  	v62 =	vshll.u32 v0, $0x15;
	v60 =	vand.u32 $0xFFF, v3;
	v61 =	vand.u32 $0x1FF, v4  }
0xe: {  	v0 =	vand.u32 $0x1E00000, v62;
	v2 =	vsel vm1, $0xFFFFFFFF, v60;
	v3 =	vsel vm1, $0xFFFFFFFF, v61  }
0xf: {  	v0 =	vsel vm1, $0xFFE00000, v0;
	v63 =	vand.u32 $0x7F, v2;
	v5 =	vshll.u32 v3, $0xC  }
0x10: {  	v2 =	vshll.u32 v2, $0x3;
	v5 =	vand.u32 $0xFFFF8000, v5;
	v0 =	vor.u32 v0, v63  }
0x11: {  	v3 =	vshll.u32 v3, $0x7;
	v2 =	vand.u32 $0xFFFFFC00, v2;
	v0 =	vadd.s32 v5, v0  }
0x12: {  	v3 =	vand.u32 $0x380, v3;
	v0 =	vadd.s32 v2, v0  }
0x13: {  	v0 =	vor.u32 v3, v0;
	_ =	sdelay $0x1  }
0x14: {  	(ifvalue) =	ssetifvalue $0x7FFFFFFF;
	s14 =	sadd.s32 $0x10, s14  }
0x15: {  	[tilespmem:s14], [sflag:$0x1] =	stream.indirect_vreg.gather [hbm4b:s5+s10], $0x1, v1, vm0, $0x4038;
	[tilespmem:$0x4000] =	vst v63  }
0x16: {  	(ifvalue) =	ssetifvalue $0x7FFFFFFF;
	s14 =	sadd.s32 $0x10, s14  }
0x17: {  	[tilespmem:s14], [sflag:$0x1] =	stream.indirect_vreg.gather [hbm4b:s5+s10], $0x1, v0, vm0, $0x4038;
	[tilespmem:$0x4000] =	vst v63  }
0x18: {  	_ =	swait.ge [sflag:s6], $0x1000  }
0x19: {  	s30 =	sshrl.u32 s13, $0x3;
	[sflag:s6] =	ssyncset.done $0x0  }
0x1a: {  	s31 =	sand.u32 $0x7, s13;
	s14 =	sadd.s32 s2, s30;
	[sflag:s6] =	ssyncadd.s32 $0xFFFFF000  }
0x1b: {  	[hbm4b:s14+s31] =	stream.linear.scatter [tilespmem:s15], [sflag:$0x3], $0x1000, $0x38;
	[tilespmem:$0x4000] =	vst v63  }
.LBB2_5:
0x1c: {  	s15 =	sadd.s32 $0x20000, s11  }
0x1d: {  	p2 =	sgt.s32 s15, $0x2FFFF  }
0x1e: {  	s15 =	smov.u32 @p2 s4;
	p2 =	sne.s32 s12, s9  }
.Ltmp1:
0x1f: {  	p1 =	slt.u32 s12, $0x2;
	(pc) =	sbr.rel @!p2 .LBB2_6-.Ltmp1, $4  }
0x20: {  	s14 =	simm.s32 @!p1 $0x3  }
0x21: {  	s16 =	sadd.s32 $0x1, s12;
	_ =	swait.ge @!p1 [sflag:s14], $0x1000  }
0x22: {  	s13 =	smov.u32 s11;
	p0 =	por !p0, !p0;
	[sflag:s14] =	ssyncset.done @!p1 $0x0  }
0x23: {  	s12 =	smov.u32 s16;
	s11 =	smov.u32 s15;
	[sflag:s14] =	ssyncadd.s32 @!p1 $0xFFFFF000  }
.LBB2_1:
0x24: {  	p1 =	sge.u32 s12, s8  }
0x25: {  	s14 =	sxor.u32 @!p1 $0xFFFFFFFF, s12  }
0x26: {  	s31 =	sadd.s32 $0xFFFFFFFF, s12;
	s15 =	sshrl.u32 @!p1 s11, $0x3;
	s14 =	sshll.u32 @!p1 s14, $0xC  }
0x27: {  	s16 =	sand.u32 @!p1 $0x7, s11;
	s15 =	sadd.s32 @!p1 s3, s15;
	s14 =	sand.u32 @!p1 $0x1000, s14  }
0x28: {  	[tilespmem:s14], [sflag:$0x2] =	stream.linear.gather @!p1 [hbm4b:s15+s16], $0x1000, $0x38;
	[tilespmem:$0x4000] =	vst v63  }
0x29: {  	p1 =	sge.u32 s31, s8  }
.Ltmp2:
0x2a: {  	_ = 	snop;
	(pc) =	sbr.rel @p1 .LBB2_5-.Ltmp2, $1  }
0x2b: {  	_ =	sdelay $0x3  }
0x2c: {  	s14 =	simm.s32 $0x1  }
0x2d: {  	_ =	swait.ge [sflag:s7], $0x1000;
	s14 =	simm.s32 @!p0 $0x0  }
0x2e: {  	[sflag:s7] =	ssyncset.done $0x0;
	s14 =	sshll.u32 s14, $0xC  }
0x2f: {  	[sflag:s7] =	ssyncadd.s32 $0xFFFFF000;
	(ifvalue) =	ssetifvalue $0x7FFFFFFF;
	v0 =	vld.msk [tilespmem:s14+$0x0 ss:$0x1], $0xffff;
	_ =	sdelay $0x4  }
0x30: {  	s15 =	sadd.s32 $0x10, s14;
	vm1 =	veq.s32 v0, $0x80000000;
	v1 =	vshrl.u32 v0, $0x4;
	v2 =	vshrl.u32 v0, $0x10  }
0x31: {  	v3 =	vld.msk [tilespmem:s15+$0x0 ss:$0x1], $0xffff;
	v0 =	vshll.u32 v0, $0x15;
	v1 =	vand.u32 $0xFFF, v1;
	v2 =	vand.u32 $0x1FF, v2  }
0x32: {  	v0 =	vand.u32 $0x1E00000, v0;
	v1 =	vsel vm1, $0xFFFFFFFF, v1;
	v2 =	vsel vm1, $0xFFFFFFFF, v2  }
0x33: {  	v0 =	vsel vm1, $0xFFE00000, v0;
	v4 =	vand.u32 $0x7F, v1;
	v5 =	vshll.u32 v2, $0xC  }
0x34: {  	v1 =	vshll.u32 v1, $0x3;
	v5 =	vand.u32 $0xFFFF8000, v5;
	v0 =	vor.u32 v0, v4  }
0x35: {  	v2 =	vshll.u32 v2, $0x7;
	v1 =	vand.u32 $0xFFFFFC00, v1;
	v0 =	vadd.s32 v5, v0  }
0x36: {  	v62 =	vshrl.u32 v3, $0x10;
	v2 =	vand.u32 $0x380, v2;
	v0 =	vadd.s32 v1, v0  }
0x37: {  	s17 =	sadd.s32 $0x10, s15;
	vm1 =	veq.s32 v3, $0x80000000;
	v1 =	vor.u32 v2, v0;
	v2 =	vshrl.u32 v3, $0x4  }
0x38: {  	v4 =	vand.u32 $0x1FF, v62;
	v0 =	vld.msk [tilespmem:s17+$0x0 ss:$0x1], $0xffff;
	v3 =	vshll.u32 v3, $0x15;
	v2 =	vand.u32 $0xFFF, v2  }
0x39: {  	v4 =	vsel vm1, $0xFFFFFFFF, v4;
	v3 =	vand.u32 $0x1E00000, v3;
	v2 =	vsel vm1, $0xFFFFFFFF, v2  }
0x3a: {  	s31 =	sshll.u32 s12, $0xC;
	v6 =	vshll.u32 v4, $0xC;
	v3 =	vsel vm1, $0xFFE00000, v3;
	v63 =	vand.u32 $0x7F, v2  }
0x3b: {  	s14 =	sor.u32 $0x2000, s14;
	s15 =	sand.u32 $0x1000, s31;
	(ifvalue) =	ssetifvalue $0x7FFFFFFF;
	v6 =	vand.u32 $0xFFFF8000, v6;
	v2 =	vshll.u32 v2, $0x3;
	v3 =	vor.u32 v3, v63  }
0x3c: {  	v2 =	vand.u32 $0xFFFFFC00, v2;
	[tilespmem:s14], [sflag:$0x1] =	stream.indirect_vreg.gather [hbm4b:s5+s10], $0x1, v1, vm0, $0x4038;
	v1 =	vshll.u32 v4, $0x7;
	v3 =	vadd.s32 v6, v3;
	[tilespmem:$0x4000] =	vst v63  }
0x3d: {  	s16 =	simm.s32 $0x20;
	s15 =	sor.u32 $0x2000, s15;
	s17 =	sadd.s32 $0x10, s17;
	vm1 =	veq.s32 v0, $0x80000000;
	v1 =	vand.u32 $0x380, v1;
	v2 =	vadd.s32 v2, v3  }
.LBB2_3:
0x3e: {  	v3 =	vld.msk [tilespmem:s17+$0x0 ss:$0x1], $0xffff;
	v4 =	vshrl.u32 v0, $0x4;
	v5 =	vshrl.u32 v0, $0x10;
	v1 =	vor.u32 v1, v2;
	s16 =	sadd.s32 $0x10, s16  }
0x3f: {  	v0 =	vshll.u32 v0, $0x15;
	v2 =	vand.u32 $0xFFF, v4;
	v4 =	vand.u32 $0x1FF, v5;
	p1 =	slt.u32 s16, $0xFF0  }
.Ltmp3:
0x40: {  	v0 =	vand.u32 $0x1E00000, v0;
	v2 =	vsel vm1, $0xFFFFFFFF, v2;
	v4 =	vsel vm1, $0xFFFFFFFF, v4;
	(pc) =	sbr.rel @p1 .LBB2_3-.Ltmp3, $4  }
0x41: {  	v0 =	vsel vm1, $0xFFE00000, v0;
	v5 =	vand.u32 $0x7F, v2;
	v6 =	vshll.u32 v4, $0xC  }
0x42: {  	s14 =	sadd.s32 $0x10, s14;
	v2 =	vshll.u32 v2, $0x3;
	v6 =	vand.u32 $0xFFFF8000, v6;
	v7 =	vor.u32 v0, v5;
	(ifvalue) =	ssetifvalue $0x7FFFFFFF  }
0x43: {  	v4 =	vshll.u32 v4, $0x7;
	v2 =	vand.u32 $0xFFFFFC00, v2;
	v5 =	vadd.s32 v6, v7;
	[tilespmem:s14], [sflag:$0x1] =	stream.indirect_vreg.gather [hbm4b:s5+s10], $0x1, v1, vm0, $0x4038;
	[tilespmem:$0x4000] =	vst v63  }
0x44: {  	s17 =	sadd.s32 $0x10, s17;
	vm1 =	veq.s32 v3, $0x80000000;
	v1 =	vand.u32 $0x380, v4;
	v0 =	vmovc v3;
	v2 =	vadd.s32 v2, v5  }
.Ltmp4:
0x45: {  	_ = 	snop;
	(pc) =	sbr.rel .LBB2_4-.Ltmp4, $1  }
0x46: {  	_ =	sdelay $0x3  }
.LBB2_6:
0x47: {  	_ =	sfence.sel $0x180000  }
0x48: {  	s2 =	simm.s32 $0x2;
	[bflag:$0x0] =	sbarrier.arrive $0xFFFF  }
0x49: {  	s30 =	simm.s32 $0x3;
	[sflag:s2] =	ssyncpa.u1 $0x1  }
0x4a: {  	s31 =	simm.s32 $0x1;
	[sflag:s30] =	ssyncpa.u1 $0x1  }
0x4b: {  	[sflag:s31] =	ssyncpa.u1 $0x1  }
0x4c: {  	p0 =	sne.s32 s0, $0x0;
	_ =	strace $0x90000050  }
0x4d: {  	s0 =	sadd.s32 @!p0 $0x100000, s1;
	[bflag:$0x2] =	sbarrier.arrive $0xFFFF  }
0x4e: {  	[sflag:s0] =	ssyncadd.tile.s32 @!p0 $0x1;
	_ =	shalt  }
.Lfunc_end2:
_tile_overlayer_lowered:
.L_overlay_start_2:
0x4f: {  	(tag) =	ssettag $0x2  }
0x50: {  	s0 =	rddreg [dreg:$0x0];
	s2 =	stileid.u32  }
0x51: {  	s1 =	rddreg [dreg:$0x1];
	p0 =	sne.s32 s2, $0x0  }
0x52: {  	s3 =	rddreg [dreg:$0x2];
	[bflag:$0x3] =	sbarrier.arrive $0xFFFF;
	s2 =	simm.s32 @!p0 $0x1C01  }
0x53: {  	[timem:s3], [sflag:s2] =	dma.local @!p0 [hbm:s0], s1  }
0x54: {  	s0 =	simm.s32 @!p0 $0x1  }
0x55: {  	_ =	swait.ge @!p0 [sflag:s0], s1  }
0x56: {  	s1 =	ssub.s32 @!p0 $0x0, s1;
	[sflag:s0] =	ssyncset.done @!p0 $0x0  }
0x57: {  	[sflag:s0] =	ssyncadd.s32 @!p0 s1  }
0x58: {  	[bflag:$0x3] =	sbarrier.arrive $0xFFFF  }
0x59: {  	_ =	shalt  }

// kernel: gather_offload_async_start
scs
__scs_entry_jumppad:
0x0: {  	(pc) =	sbr.rel $0x88, $3  }
0x1: {  	(tag) =	ssettag $0x0;
	lr =	simm.s32 $0x1  }
0x2: {  	[smem:$0x3F7D] =	sst lr;
	_ =	strace $0xD0000000  }
0x3: {  	_ = 	snop  }
0x4: {  	_ = 	snop  }
0x5: {  	_ = 	snop  }
0x6: {  	_ = 	snop  }
0x7: {  	_ = 	snop  }
__scs_overlays_trampoline_lowered:
0x8: {  	[smem:$0x3F8C] =	sst s0  }
0x9: {  	[smem:$0x3F8D] =	sst s1  }
0xa: {  	[smem:$0x3F8E] =	sst s2  }
0xb: {  	[smem:$0x3F8F] =	sst s3  }
0xc: {  	[smem:$0x3F90] =	sst s4  }
0xd: {  	[smem:$0x3F91] =	sst s5  }
0xe: {  	[smem:$0x3F92] =	sst s6  }
0xf: {  	[smem:$0x3F93] =	sst s7  }
0x10: {  	[smem:$0x3F94] =	sst s8  }
0x11: {  	[smem:$0x3F95] =	sst s9;
	s0 =	simm.s32 @!p0 $0x0  }
0x12: {  	s1 =	sld [smem:$0x3F7B];
	s0 =	simm.s32 @p0 $0x1  }
0x13: {  	[smem:$0x3F96] =	sst s0;
	s0 =	simm.s32 @!p1 $0x0  }
0x14: {  	s2 =	sld [smem:$0x3F7A];
	s0 =	simm.s32 @p1 $0x1  }
0x15: {  	[smem:$0x3F97] =	sst s0;
	s0 =	simm.s32 @!p2 $0x0  }
0x16: {  	s3 =	sld [smem:$0x3FDB];
	s0 =	simm.s32 @p2 $0x1  }
0x17: {  	s4 =	simm.s32 $0x1BF5;
	[smem:$0x3F99] =	sst s0  }
0x18: {  	s0 =	sld [smem:$0x3F7C];
	_ =	swait.ge [sflag:s4], $0x0  }
0x19: {  	s7 =	sld [smem:$0x3F7D]  }
0x1a: {  	s8 =	sadd.s32 $0xFFFFE003, lr  }
0x1b: {  	s9 =	sadd.s32 $0xFFFFFEF7, lr;
	s5 =	simm.s32 $0xFFFFFFFF;
	p2 =	slt.u32 s8, $0xFFFFF086  }
0x1c: {  	p1 =	slt.u32 s9, $0xF7A;
	s5 =	simm.s32 @!p2 $0x0  }
0x1d: {  	s5 =	simm.s32 @p1 $0x1;
	p0 =	seq.s32 s7, s2  }
0x1e: {  	s7 =	smul.u32 @!p0 $0xF7A, s2;
	p2 =	seq.s32 @!p0 s5, $0x0  }
0x1f: {  	s9 =	smul.u32 $0xF7A, s1;
	s8 =	simm.s32 @!p0 $0x1BF5;
	p2 =	por !p2, p0  }
0x20: {  	[sflag:s8] =	ssyncset.s32 @!p0 $0xFFFFF086;
	s6 =	sadd.s32 @!p0 s3, s7;
	s7 =	simm.s32 @!p0 $0x108  }
0x21: {  	s3 =	sadd.s32 s3, s9;
	s6 =	sadd.s32 @!p0 $0x88, s6;
	s7 =	simm.s32 @p2 $0x1082  }
0x22: {  	[simem:s7], [sflag:s8] =	dma.local @!p0 [hbm:s6], $0xF7A  }
0x23: {  	s9 =	sor.u32 $0xD0000000, s2;
	s6 =	simm.s32 $0x108;
	_ =	swait.ge @!p0 [sflag:s8], $0x0  }
0x24: {  	s3 =	sadd.s32 $0x88, s3;
	s6 =	simm.s32 @!p1 $0x1082;
	[sflag:s4] =	ssyncset.s32 $0xFFFFF086  }
0x25: {  	[simem:s6], [sflag:s4] =	dma.local [hbm:s3], $0xF7A  }
0x26: {  	[smem:$0x3F7D] =	sst s1;
	(tag) =	ssettag s2;
	_ =	strace s9  }
0x27: {  	s1 =	sld [smem:$0x3F8D]  }
0x28: {  	s2 =	sld [smem:$0x3F8E]  }
0x29: {  	s4 =	sld [smem:$0x3F90]  }
0x2a: {  	p0 =	seq.s32 s5, $0x0;
	s5 =	sld [smem:$0x3F91]  }
0x2b: {  	s6 =	sld [smem:$0x3F92]  }
0x2c: {  	s7 =	sld [smem:$0x3F93]  }
0x2d: {  	s3 =	simm.s32 $0x108;
	s8 =	sld [smem:$0x3F94]  }
0x2e: {  	s3 =	simm.s32 @!p0 $0x1082;
	s9 =	sld [smem:$0x3F95]  }
0x2f: {  	lr =	sadd.s32 s0, s3;
	s0 =	sld [smem:$0x3F8C]  }
0x30: {  	s3 =	sld [smem:$0x3F8F]  }
0x31: {  	[smem:$0x3F98] =	sst s10  }
0x32: {  	s10 =	sld [smem:$0x3F96];
	_ =	sdelay $0x3  }
0x33: {  	p0 =	seq.s32 s10, $0x1;
	s10 =	sld [smem:$0x3F98];
	_ =	sdelay $0x3  }
0x34: {  	[smem:$0x3F98] =	sst s10  }
0x35: {  	s10 =	sld [smem:$0x3F97];
	_ =	sdelay $0x3  }
0x36: {  	p1 =	seq.s32 s10, $0x1;
	s10 =	sld [smem:$0x3F98];
	_ =	sdelay $0x3  }
0x37: {  	[smem:$0x3F98] =	sst s10  }
0x38: {  	s10 =	sld [smem:$0x3F99]  }
0x39: {  	_ = 	snop;
	(pc) =	sbr.ind lr, $3  }
0x3a: {  	_ = 	snop  }
0x3b: {  	_ = 	snop  }
0x3c: {  	p2 =	seq.s32 s10, $0x1;
	s10 =	sld [smem:$0x3F98]  }
0x3d: {  	_ =	shalt  }
0x3e: {  	_ =	shalt  }
0x3f: {  	_ =	shalt  }
0x40: {  	_ =	shalt  }
0x41: {  	_ =	shalt  }
0x42: {  	_ =	shalt  }
0x43: {  	_ =	shalt  }
0x44: {  	_ =	shalt  }
0x45: {  	_ =	shalt  }
0x46: {  	_ =	shalt  }
0x47: {  	_ =	shalt  }
0x48: {  	_ =	shalt  }
0x49: {  	_ =	shalt  }
0x4a: {  	_ =	shalt  }
0x4b: {  	_ =	shalt  }
0x4c: {  	_ =	shalt  }
0x4d: {  	_ =	shalt  }
0x4e: {  	_ =	shalt  }
0x4f: {  	_ =	shalt  }
0x50: {  	_ =	shalt  }
0x51: {  	_ =	shalt  }
0x52: {  	_ =	shalt  }
0x53: {  	_ =	shalt  }
0x54: {  	_ =	shalt  }
0x55: {  	_ =	shalt  }
0x56: {  	_ =	shalt  }
0x57: {  	_ =	shalt  }
0x58: {  	_ =	shalt  }
0x59: {  	_ =	shalt  }
0x5a: {  	_ =	shalt  }
0x5b: {  	_ =	shalt  }
0x5c: {  	_ =	shalt  }
0x5d: {  	_ =	shalt  }
0x5e: {  	_ =	shalt  }
0x5f: {  	_ =	shalt  }
0x60: {  	_ =	shalt  }
0x61: {  	_ =	shalt  }
0x62: {  	_ =	shalt  }
0x63: {  	_ =	shalt  }
0x64: {  	_ =	shalt  }
0x65: {  	_ =	shalt  }
0x66: {  	_ =	shalt  }
0x67: {  	_ =	shalt  }
0x68: {  	_ =	shalt  }
0x69: {  	_ =	shalt  }
0x6a: {  	_ =	shalt  }
0x6b: {  	_ =	shalt  }
0x6c: {  	_ =	shalt  }
0x6d: {  	_ =	shalt  }
0x6e: {  	_ =	shalt  }
0x6f: {  	_ =	shalt  }
0x70: {  	_ =	shalt  }
0x71: {  	_ =	shalt  }
0x72: {  	_ =	shalt  }
0x73: {  	_ =	shalt  }
0x74: {  	_ =	shalt  }
0x75: {  	_ =	shalt  }
0x76: {  	_ =	shalt  }
0x77: {  	_ =	shalt  }
0x78: {  	_ =	shalt  }
0x79: {  	_ =	shalt  }
0x7a: {  	_ =	shalt  }
0x7b: {  	_ =	shalt  }
0x7c: {  	_ =	shalt  }
0x7d: {  	_ =	shalt  }
0x7e: {  	_ =	shalt  }
0x7f: {  	_ =	shalt  }
0x80: {  	_ =	shalt  }
0x81: {  	_ =	shalt  }
0x82: {  	_ =	shalt  }
0x83: {  	_ =	shalt  }
0x84: {  	_ =	shalt  }
0x85: {  	_ =	shalt  }
0x86: {  	_ =	shalt  }
0x87: {  	_ =	shalt  }
.Lfunc_end0:
.L_simem_size_0:
called_computation_lowered:
.L_overlay_start_0:
0x88: {  	s2 =	sld [smem:$0x3FD9]  }
0x89: {  	s3 =	sld [smem:$0x3FFE];
	_ =	sdelay $0x1  }
0x8a: {  	s1 =	srdreg.scid  }
0x8b: {  	s0 =	sand.u32 $0x1, s1  }
0x8c: {  	s16 =	sshll.u32 s0, $0xA;
	s2 =	sadd.s32 s3, s2  }
0x8d: {  	s2 =	sadd.s32 s2, s16  }
0x8e: {  	[smem:$0x3FA4] =	sst s2  }
0x8f: {  	_ = 	snop  }
0x90: {  	(tm) =	ssettm $0x1  }
0x91: {  	s17 =	sld [smem:$0x3FFB];
	_ =	sdelay $0x3  }
0x92: {  	_ =	strace s17  }
0x93: {  	s2 =	sld [smem:$0x3FFC];
	_ =	sdelay $0x3  }
0x94: {  	_ =	strace s2  }
0x95: {  	s2 =	sld [smem:$0x3FFD];
	_ =	sdelay $0x3  }
0x96: {  	_ =	strace s2  }
0x97: {  	_ =	strace $0x8FFFFFFF  }
0x98: {  	s18 =	sld [smem:$0x3FDB];
	_ =	sdelay $0x1  }
0x99: {  	s19 =	simm.s32 $_scs_section_size  }
0x9a: {  	s4 =	simm.s32 $_size__tile_overlayer_lowered;
	s5 =	simm.s32 $_tile_overlayer_lowered  }
0x9b: {  	s22 =	simm.s32 $0x1BFF;
	s21 =	sshll.u32 s5, $0x1;
	s2 =	sadd.s32 s19, s18  }
0x9c: {  	s6 =	simm.s32 $0x0;
	s20 =	sshll.u32 s4, $0x1;
	s4 =	sadd.s32 s21, s2  }
0x9d: {  	[timem:s6], [sflag:s22] =	dma.local [hbm:s4], s20  }
0x9e: {  	_ =	swait.ge [sflag:s22], s20  }
0x9f: {  	s3 =	ssub.s32 $0x0, s20;
	[sflag:s22] =	ssyncset.done $0x0  }
0xa0: {  	[sflag:s22] =	ssyncadd.s32 s3;
	_ =	sdelay $0x1  }
0xa1: {  	s23 =	simm.s32 $0x1B8B  }
0xa2: {  	_ =	swait.ge [sflag:s23], $0x1  }
0xa3: {  	[sflag:s23] =	ssyncset.done $0x0  }
0xa4: {  	s25 =	simm.s32 $0x1B8E;
	s24 =	sld [smem:$0x3FFE];
	[sflag:s23] =	ssyncadd.s32 $0xFFFFFFFF  }
0xa5: {  	s26 =	simm.s32 $execute0_lowered;
	[smem:$0x3FD2] =	sst s25  }
0xa6: {  	s4 =	sshll.u32 s26, $0x1;
	_ =	strace $0x80000046;
	[dreg:$0x1] =	wrdreg $0xFFFFFFFF  }
0xa7: {  	s28 =	simm.s32 $_size_execute0_lowered;
	s2 =	sadd.s32 s2, s4;
	[dreg:$0x0] =	wrdreg $0x0  }
0xa8: {  	s4 =	sshll.u32 s28, $0x1;
	[dreg:$0x2] =	wrdreg s2  }
0xa9: {  	[dreg:$0x3] =	wrdreg s4  }
0xaa: {  	[dreg:$0x4] =	wrdreg $0xC0  }
0xab: {  	_ =	task [dreg:s6], $0x5FFFF  }
0xac: {  	[dreg:$0x1] =	wrdreg $0xFFFFFFFF  }
0xad: {  	[dreg:$0x0] =	wrdreg $0x60  }
0xae: {  	[dreg:$0x2] =	wrdreg s24  }
0xaf: {  	[dreg:$0x3] =	wrdreg $0x9  }
0xb0: {  	_ =	task.clear_ibuf [dreg:s6], $0x4FFFF;
	_ =	strace $0x90000046  }
0xb1: {  	s29 =	simm.s32 $0x9;
	_ =	strace $0x80000048  }
0xb2: {  	_ =	swait.ge [sflag:s29], $0x1  }
0xb3: {  	[sflag:s29] =	ssyncadd.s32 $0xFFFFFFFF  }
0xb4: {  	_ =	strace $0x90000048  }
0xb5: {  	_ =	sfence  }
0xb6: {  	s30 =	sld [smem:$0x0];
	_ =	sdelay $0x2  }
0xb7: {  	s31 =	sshll.u32 s1, $0xD;
	s1 =	sshrl.u32 s1, $0x2  }
0xb8: {  	s3 =	sand.u32 $0x4000, s31;
	s1 =	sadd.s32 s1, s30  }
0xb9: {  	s0 =	sor.u32 s3, s0;
	s1 =	sshll.u32 s1, $0x11  }
0xba: {  	s0 =	sor.u32 s1, s0  }
0xbb: {  	s0 =	sadd.s32 $0x8F2B, s0  }
0xbc: {  	[sflag:s0] =	ssyncadd.remote.s32 $0x1  }
0xbd: {  	_ =	sfence.sel $0xFFFF  }
0xbe: {  	[dreg:$0x0] =	wrdreg $0xFFFFFFFF;
	(pc) =	sbr.abs _section_cstart, $3  }
0xbf: {  	[dreg:$0x1] =	wrdreg $0xFFFFFFFF  }
0xc0: {  	_ =	task.clear_ibuf [dreg:s6], $0x2FFFF;
	_ =	strace $0x9FFFFFFF  }
0xc1: {  	(tm) =	ssettm $0x7FFFFFFF  }
tec
execute0_lowered:
.L_overlay_start_1:
0x0: {  	(tag) =	ssettag $0x1  }
0x1: {  	s7 =	rddreg [dreg:$0x0]  }
0x2: {  	s0 =	rddreg [dreg:$0x1];
	_ =	strace $0x80000047  }
0x3: {  	s1 =	srdreg.scid;
	s4 =	simm.s32 $0x1;
	s9 =	simm.s32 $0x3  }
0x4: {  	s12 =	simm.s32 $0x0;
	s10 =	simm.s32 $0x0;
	s5 =	sshll.u32 s1, $0x4  }
.Ltmp0:
0x5: {  	s1 =	stileid.u32;
	s5 =	sand.u32 $0x10, s5;
	(pc) =	sbr.rel .LBB2_1-.Ltmp0, $4  }
0x6: {  	s2 =	sadd.s32 $0x400, s7;
	s3 =	sadd.s32 $0x102400, s7;
	s6 =	sor.u32 s1, s5  }
0x7: {  	[sflag:s4] =	ssyncpa.u1 $0x0;
	s5 =	simm.s32 $0x2;
	s6 =	sshll.u32 s6, $0x8  }
0x8: {  	s7 =	sadd.s32 $0x203E00, s7;
	[sflag:s5] =	ssyncpa.u1 $0x0;
	s8 =	sadd.s32 $0x100, s6  }
0x9: {  	vm0 =	vmmov $0xff;
	vm1 =	vcmask $0x3F20;
	[sflag:s9] =	ssyncpa.u1 $0x0;
	s9 =	simm.s32 $0x100;
	s11 =	smov.u32 s6  }
.LBB2_9:
0xa: {  	p0 =	seq.s32 s10, $0x2  }
.Ltmp1:
0xb: {  	_ = 	snop;
	(pc) =	sbr.rel @p0 .LBB2_11-.Ltmp1, $1  }
0xc: {  	_ =	sdelay $0x3  }
.LBB2_10:
0xd: {  	s12 =	sadd.s32 $0x100, s11  }
0xe: {  	s13 =	smov.u32 s6;
	p0 =	slt.s32 s12, s8  }
0xf: {  	s13 =	smov.u32 @p0 s12  }
0x10: {  	s10 =	sadd.s32 $0x1, s10;
	s12 =	smov.u32 s11;
	s11 =	smov.u32 s13  }
.LBB2_1:
0x11: {  	p0 =	sne.s32 s10, $0x0  }
.Ltmp2:
0x12: {  	_ = 	snop;
	(pc) =	sbr.rel @!p0 .LBB2_2-.Ltmp2, $1  }
0x13: {  	_ =	sdelay $0x3  }
0x14: {  	s13 =	sand.u32 $0x1, s10  }
0x15: {  	p0 =	seq.s32 s13, $0x0  }
.Ltmp3:
0x16: {  	_ = 	snop;
	(pc) =	sbr.rel @p0 .LBB2_9-.Ltmp3, $1  }
0x17: {  	_ =	sdelay $0x3  }
0x18: {  	_ =	swait.ge [sflag:s5], $0x100  }
0x19: {  	[sflag:s5] =	ssyncset.done $0x0  }
0x1a: {  	s13 =	simm.s32 $0x0;
	[sflag:s5] =	ssyncadd.s32 $0xFFFFFF00  }
0x1b: {  	v0 =	vld.msk [tilespmem:s13+$0x100 ss:$0x1], $0xffff;
	_ =	sdelay $0x4  }
0x1c: {  	v1 =	vshll.u32 v0, $0x3  }
0x1d: {  	vm2 =	veq.s32 v0, $0x80000000;
	v0 =	vshll.u32 v0, $0x13;
	v1 =	vand.u32 $0x7FF80, v1  }
0x1e: {  	v0 =	vand.u32 $0x780000, v0;
	v1 =	vsel vm2, $0xFFFFFF80, v1  }
0x1f: {  	v0 =	vsel vm2, $0xFFF80000, v0;
	v2 =	vand.u32 $0xFFFFFC00, v1  }
0x20: {  	v1 =	vand.u32 $0x380, v1;
	v0 =	vadd.s32 v0, v2  }
0x21: {  	v0 =	vor.u32 v1, v0  }
0x22: {  	v0 =	vshrl.u32 v0, $0x3;
	_ =	sdelay $0x3  }
0x23: {  	s13 =	simm.s32 $0x8200  }
0x24: {  	[tilespmem:s13], [sflag:$0x1] =	stream.indirect_vreg.gather [hbm:s2], $0x80, v0, vm0, $0x38;
	[tilespmem:$0x10200] =	vst v63  }
0x25: {  	s14 =	simm.s32 $0x8600;
	s31 =	simm.s32 $0x10  }
0x26: {  	[tilespmem:s14], [sflag:$0x1] =	stream.indirect_vreg.gather [hbm:s2], $0x80, v0, vm1, $0x38;
	[tilespmem:$0x10200] =	vst v63  }
0x27: {  	s14 =	simm.s32 $0x80;
	v0 =	vld.msk [tilespmem:s31+$0x100 ss:$0x1], $0xffff  }
.LBB2_5:
0x28: {  	p0 =	sne.s32 s14, $0x3C0;
	_ =	sdelay $0x4  }
0x29: {  	v1 =	vshll.u32 v0, $0x3  }
0x2a: {  	vm2 =	veq.s32 v0, $0x80000000;
	v0 =	vshll.u32 v0, $0x13;
	v1 =	vand.u32 $0x7FF80, v1  }
0x2b: {  	v0 =	vand.u32 $0x780000, v0;
	v1 =	vsel vm2, $0xFFFFFF80, v1  }
0x2c: {  	v0 =	vsel vm2, $0xFFF80000, v0;
	v2 =	vand.u32 $0xFFFFFC00, v1  }
0x2d: {  	v1 =	vand.u32 $0x380, v1;
	v0 =	vadd.s32 v0, v2  }
0x2e: {  	v0 =	vor.u32 v1, v0  }
0x2f: {  	v0 =	vshrl.u32 v0, $0x3;
	_ =	sdelay $0x3  }
.Ltmp4:
0x30: {  	s13 =	sadd.s32 $0x800, s13;
	(pc) =	sbr.rel @p0 .LBB2_5-.Ltmp4, $4  }
0x31: {  	[tilespmem:s13], [sflag:$0x1] =	stream.indirect_vreg.gather [hbm:s2], $0x80, v0, vm0, $0x38;
	[tilespmem:$0x10200] =	vst v63  }
0x32: {  	s15 =	sshra.s32 s14, $0x2;
	s16 =	sadd.s32 $0x400, s13  }
0x33: {  	[tilespmem:s16], [sflag:$0x1] =	stream.indirect_vreg.gather [hbm:s2], $0x80, v0, vm1, $0x38;
	[tilespmem:$0x10200] =	vst v63  }
0x34: {  	s14 =	sadd.s32 $0x40, s14;
	v0 =	vld.msk [tilespmem:s15+$0x100 ss:$0x1], $0xffff  }
0x35: {  	_ =	sdelay $0x3  }
0x36: {  	v1 =	vshll.u32 v0, $0x3  }
0x37: {  	vm2 =	veq.s32 v0, $0x80000000;
	v63 =	vshll.u32 v0, $0x13;
	v1 =	vand.u32 $0x7FF80, v1  }
0x38: {  	v0 =	vand.u32 $0x780000, v63;
	v1 =	vsel vm2, $0xFFFFFF80, v1  }
0x39: {  	v0 =	vsel vm2, $0xFFF80000, v0;
	v2 =	vand.u32 $0xFFFFFC00, v1  }
0x3a: {  	v1 =	vand.u32 $0x380, v1;
	v0 =	vadd.s32 v0, v2  }
0x3b: {  	v0 =	vor.u32 v1, v0  }
0x3c: {  	v0 =	vshrl.u32 v0, $0x3;
	_ =	sdelay $0x3  }
0x3d: {  	s13 =	sadd.s32 $0x800, s13  }
0x3e: {  	[tilespmem:s13], [sflag:$0x1] =	stream.indirect_vreg.gather [hbm:s2], $0x80, v0, vm0, $0x38;
	[tilespmem:$0x10200] =	vst v63  }
0x3f: {  	s13 =	sadd.s32 $0x400, s13  }
0x40: {  	[tilespmem:s13], [sflag:$0x1] =	stream.indirect_vreg.gather [hbm:s2], $0x80, v0, vm1, $0x38;
	[tilespmem:$0x10200] =	vst v63  }
0x41: {  	s12 =	sshll.u32 s12, $0x4;
	s14 =	simm.s32 $0x80;
	_ =	swait.ge [sflag:s4], $0x8000  }
0x42: {  	s15 =	simm.s32 $0x8600;
	s12 =	sadd.s32 s12, s7;
	[sflag:s4] =	ssyncset.done $0x0  }
0x43: {  	s16 =	sadd.s32 $0x0, s12;
	s13 =	simm.s32 $0x8200;
	[sflag:s4] =	ssyncadd.s32 $0xFFFF8000  }
.LBB2_7:
0x44: {  	[hbm:s16] =	stream.linear.scatter [tilespmem:s13], [sflag:$0x3], $0x400, $0x38;
	[tilespmem:$0x10200] =	vst v63  }
0x45: {  	s16 =	smov.u32 s14;
	s13 =	smov.u32 s15;
	p0 =	sne.s32 s14, $0xF80  }
.Ltmp5:
0x46: {  	s14 =	sadd.s32 $0x80, s14;
	(pc) =	sbr.rel @p0 .LBB2_7-.Ltmp5, $2  }
0x47: {  	_ =	sdelay $0x2  }
0x48: {  	s15 =	sadd.s32 $0x400, s15;
	s16 =	sadd.s32 s16, s12  }
.Ltmp6:
0x49: {  	(pc) =	sbr.rel .LBB2_9-.Ltmp6, $2  }
0x4a: {  	_ =	sdelay $0x2  }
0x4b: {  	[hbm:s16] =	stream.linear.scatter [tilespmem:s13], [sflag:$0x3], $0x400, $0x38;
	[tilespmem:$0x10200] =	vst v63  }
.LBB2_2:
.Ltmp7:
0x4c: {  	(pc) =	sbr.rel .LBB2_10-.Ltmp7, $4  }
0x4d: {  	_ = 	snop  }
0x4e: {  	s12 =	sshrl.u32 s11, $0x3  }
0x4f: {  	s13 =	sand.u32 $0x7, s11;
	s12 =	sadd.s32 s3, s12  }
0x50: {  	[tilespmem:s9], [sflag:$0x2] =	stream.linear.gather [hbm4b:s12+s13], $0x100, $0x38;
	[tilespmem:$0x10200] =	vst v63  }
.LBB2_11:
0x51: {  	s2 =	simm.s32 $0x3  }
0x52: {  	_ =	swait.ge [sflag:s2], $0x8000  }
0x53: {  	[sflag:s2] =	ssyncset.done $0x0  }
0x54: {  	[sflag:s2] =	ssyncadd.s32 $0xFFFF8000  }
0x55: {  	_ =	sfence.sel $0x180000  }
0x56: {  	s3 =	simm.s32 $0x2;
	[bflag:$0x0] =	sbarrier.arrive $0xFFFF  }
0x57: {  	[sflag:s3] =	ssyncpa.u1 $0x1  }
0x58: {  	s31 =	simm.s32 $0x1;
	[sflag:s2] =	ssyncpa.u1 $0x1  }
0x59: {  	[sflag:s31] =	ssyncpa.u1 $0x1  }
0x5a: {  	p0 =	sne.s32 s1, $0x0;
	_ =	strace $0x90000047  }
0x5b: {  	s0 =	sadd.s32 @!p0 $0x100000, s0;
	[bflag:$0x2] =	sbarrier.arrive $0xFFFF  }
0x5c: {  	[sflag:s0] =	ssyncadd.tile.s32 @!p0 $0x1;
	_ =	shalt  }
.Lfunc_end2:
_tile_overlayer_lowered:
.L_overlay_start_2:
0x5d: {  	(tag) =	ssettag $0x2  }
0x5e: {  	s0 =	rddreg [dreg:$0x0];
	s2 =	stileid.u32  }
0x5f: {  	s1 =	rddreg [dreg:$0x1];
	p0 =	sne.s32 s2, $0x0  }
0x60: {  	s3 =	rddreg [dreg:$0x2];
	[bflag:$0x3] =	sbarrier.arrive $0xFFFF;
	s2 =	simm.s32 @!p0 $0x1C01  }
0x61: {  	[timem:s3], [sflag:s2] =	dma.local @!p0 [hbm:s0], s1  }
0x62: {  	s0 =	simm.s32 @!p0 $0x1  }
0x63: {  	_ =	swait.ge @!p0 [sflag:s0], s1  }
0x64: {  	s1 =	ssub.s32 @!p0 $0x0, s1;
	[sflag:s0] =	ssyncset.done @!p0 $0x0  }
0x65: {  	[sflag:s0] =	ssyncadd.s32 @!p0 s1  }
0x66: {  	[bflag:$0x3] =	sbarrier.arrive $0xFFFF  }
0x67: {  	_ =	shalt  }

</sc_bundles>
